<compile_context>
chip_gen: v7x
topology: tpu7x:2x2x1
jax: 0.10.2.dev20260603
libtpu: 0.0.44.dev20260713+nightly
codegen_flags: <defaults>
</compile_context>

<pallas_src>
import functools

import jax
import jax.numpy as jnp
from jax import lax
from jax.experimental import pallas as pl
from jax.experimental.pallas import tpu as pltpu
from jax.experimental.pallas import tpu_sc as plsc

B = 16384
L = 200
D = 64
N = B * L

VY, VM, VW, VH = 100, 13, 7, 24
MWH = VM * VW * VH
WH = VW * VH
NCOMB = VY * MWH

NC = 2
NS = 16
NW = NC * NS

K = 512
CH = 128
NCH = K // CH
PER_W = N // NW
NBLK = PER_W // K


def _sc_body(year_h, month_h, wday_h, hour_h, yt_h, mt_h, wt_h, ht_h, out_h,
             yt_v, mt_v, wt_v, ht_v, stage_v,
             iy_v, im_v, iw_v, ih_v, fidx_v, rows_v, comb_s,
             sem_b, sem_i, sem_g, sem_o):
    cid = lax.axis_index("c")
    sid = lax.axis_index("s")
    wid = sid * NC + cid

    pltpu.sync_copy(yt_h, yt_v)
    pltpu.sync_copy(mt_h, mt_v)
    pltpu.sync_copy(wt_h, wt_v)
    pltpu.sync_copy(ht_h, ht_v)

    comb_c = comb_s.at[cid]
    ym_lo = sid * VY // NS * VM
    ym_hi = (sid + 1) * VY // NS * VM

    def build_ym(i, _):
        ym = ym_lo + i
        y = ym // VM
        m = ym - y * VM
        p = i % 2
        @pl.when(i >= 2)
        def _():
            pltpu.make_async_copy(stage_v.at[p], comb_c.at[pl.ds(0, WH)],
                                  sem_b).wait()

        ymv = [yt_v[y, pl.ds(q * 16, 16)] + mt_v[m, pl.ds(q * 16, 16)]
               for q in range(D // 16)]

        def build_w(w, _):
            ymw = [ymv[q] + wt_v[w, pl.ds(q * 16, 16)]
                   for q in range(D // 16)]

            @plsc.parallel_loop(0, VH, 1, unroll=8)
            def build_h(h):
                r = w * VH + h
                for q in range(D // 16):
                    s = pl.ds(q * 16, 16)
                    stage_v[p, r, s] = ymw[q] + ht_v[h, s]

            return 0
        lax.fori_loop(0, VW, build_w, 0)
        pltpu.async_copy(stage_v.at[p], comb_c.at[pl.ds(ym * WH, WH)], sem_b)
        return 0

    lax.fori_loop(0, ym_hi - ym_lo, build_ym, 0)
    for _ in range(2):
        pltpu.make_async_copy(stage_v.at[0], comb_c.at[pl.ds(0, WH)],
                              sem_b).wait()

    plsc.subcore_barrier()

    base_w = wid * PER_W

    def start_idx(blk, p):
        base = pl.multiple_of(base_w + blk * K, K)
        pltpu.async_copy(year_h.at[pl.ds(base, K)], iy_v.at[p], sem_i)
        pltpu.async_copy(month_h.at[pl.ds(base, K)], im_v.at[p], sem_i)
        pltpu.async_copy(wday_h.at[pl.ds(base, K)], iw_v.at[p], sem_i)
        pltpu.async_copy(hour_h.at[pl.ds(base, K)], ih_v.at[p], sem_i)

    def wait_idx(p):
        for r in (iy_v, im_v, iw_v, ih_v):
            pltpu.make_async_copy(year_h.at[pl.ds(0, K)], r.at[p],
                                  sem_i).wait()

    start_idx(0, 0)

    def block(blk, _):
        p = blk % 2
        base = pl.multiple_of(base_w + blk * K, K)
        wait_idx(p)

        @pl.when(blk + 1 < NBLK)
        def _():
            start_idx(blk + 1, 1 - p)

        for j in range(NCH):
            def group(gg, _):
                off = j * CH + gg * 16
                fused = (iy_v[p, pl.ds(off, 16)] * MWH
                         + im_v[p, pl.ds(off, 16)] * WH
                         + iw_v[p, pl.ds(off, 16)] * VH
                         + ih_v[p, pl.ds(off, 16)])
                fidx_v[p, j, pl.ds(gg * 16, 16)] = fused
                return 0

            lax.fori_loop(0, CH // 16, group, 0, unroll=True)

        @pl.when(blk >= 2)
        def _():
            pltpu.make_async_copy(rows_v.at[p], out_h.at[pl.ds(0, K)],
                                  sem_o).wait()

        gathers = [
            pltpu.async_copy(comb_c.at[fidx_v.at[p, j]],
                             rows_v.at[p].at[pl.ds(j * CH, CH)], sem_g)
            for j in range(NCH)
        ]
        for g in gathers:
            g.wait()

        pltpu.async_copy(rows_v.at[p], out_h.at[pl.ds(base, K)], sem_o)
        return 0

    lax.fori_loop(0, NBLK, block, 0)

    for _ in range(2):
        pltpu.make_async_copy(rows_v.at[0], out_h.at[pl.ds(0, K)],
                              sem_o).wait()


@jax.jit
def _run(year, month, weekday, hour, yt, mt, wt, ht):
    f = pl.kernel(
        _sc_body,
        out_type=jax.ShapeDtypeStruct((N, D), jnp.float32),
        mesh=plsc.VectorSubcoreMesh(core_axis_name="c", subcore_axis_name="s"),
        compiler_params=pltpu.CompilerParams(needs_layout_passes=False,
                                             use_tc_tiling_on_sc=False),
        scratch_types=[
            pltpu.VMEM((VY, D), jnp.float32),
            pltpu.VMEM((VM, D), jnp.float32),
            pltpu.VMEM((VW, D), jnp.float32),
            pltpu.VMEM((VH, D), jnp.float32),
            pltpu.VMEM((2, WH, D), jnp.float32),
            pltpu.VMEM((2, K), jnp.int32),
            pltpu.VMEM((2, K), jnp.int32),
            pltpu.VMEM((2, K), jnp.int32),
            pltpu.VMEM((2, K), jnp.int32),
            pltpu.VMEM((2, NCH, CH), jnp.int32),
            pltpu.VMEM((2, K, D), jnp.float32),
            pltpu.HBM((NC, NCOMB, D), jnp.float32),
            pltpu.SemaphoreType.DMA,
            pltpu.SemaphoreType.DMA,
            pltpu.SemaphoreType.DMA,
            pltpu.SemaphoreType.DMA,
        ],
    )
    return f(year, month, weekday, hour, yt, mt, wt, ht)


def kernel(year, month, weekday, hour, year_table, month_table, weekday_table, hour_table):
    out = _run(
        year.reshape(-1).astype(jnp.int32),
        month.reshape(-1).astype(jnp.int32),
        weekday.reshape(-1).astype(jnp.int32),
        hour.reshape(-1).astype(jnp.int32),
        year_table, month_table, weekday_table, hour_table,
    )
    return out.reshape(B, L, D)

# --- scband reference (transcript-rebuilt; emitter-appended) ---
"""Pipeline reference for scband-stamp-embed-30691836297510 (READ-ONLY COPY).

The authoritative reference and input builder live on the scoring server;
editing this copy changes nothing except your own understanding.
"""

import jax, jax.numpy as jnp
import numpy as np

B = 16384
L = 200
D = 64
VOCABS = [100, 13, 7, 24]

def setup_inputs(seed: int = 0) -> dict:
    key = jax.random.key(seed)
    ks = jax.random.split(key, 8)
    year = jax.random.randint(ks[0], (B, L), 0, VOCABS[0], dtype=jnp.int64 if jax.config.jax_enable_x64 else jnp.int32)
    month = jax.random.randint(ks[1], (B, L), 0, VOCABS[1], dtype=year.dtype)
    weekday = jax.random.randint(ks[2], (B, L), 0, VOCABS[2], dtype=year.dtype)
    hour = jax.random.randint(ks[3], (B, L), 0, VOCABS[3], dtype=year.dtype)
    year_table = jax.random.normal(ks[4], (VOCABS[0], D), dtype=jnp.float32)
    month_table = jax.random.normal(ks[5], (VOCABS[1], D), dtype=jnp.float32)
    weekday_table = jax.random.normal(ks[6], (VOCABS[2], D), dtype=jnp.float32)
    hour_table = jax.random.normal(ks[7], (VOCABS[3], D), dtype=jnp.float32)
    return {
        "year": year, "month": month, "weekday": weekday, "hour": hour,
        "year_table": year_table, "month_table": month_table,
        "weekday_table": weekday_table, "hour_table": hour_table,
    }

def reference(year, month, weekday, hour, year_table, month_table, weekday_table, hour_table):
    x = (jnp.take(year_table, year, axis=0)
         + jnp.take(month_table, month, axis=0)
         + jnp.take(weekday_table, weekday, axis=0)
         + jnp.take(hour_table, hour, axis=0))
    return x

if __name__ == "__main__":
    import jax
    _d = setup_inputs()
    print(jax.jit(kernel)(*tuple(_d.values())))

</pallas_src>

<mosaic_0001>
#map = affine_map<(d0, d1) -> (0)>
#map1 = affine_map<(d0, d1) -> (0, 0)>
module attributes {stable_mosaic.version = 14 : i64} {
  func.func @_sc_body(%arg0: i32, %arg1: i32, %arg2: memref<3276800xi32, #tpu.memory_space<hbm>>, %arg3: memref<3276800xi32, #tpu.memory_space<hbm>>, %arg4: memref<3276800xi32, #tpu.memory_space<hbm>>, %arg5: memref<3276800xi32, #tpu.memory_space<hbm>>, %arg6: memref<100x64xf32, #tpu.memory_space<hbm>>, %arg7: memref<13x64xf32, #tpu.memory_space<hbm>>, %arg8: memref<7x64xf32, #tpu.memory_space<hbm>>, %arg9: memref<24x64xf32, #tpu.memory_space<hbm>>, %arg10: memref<3276800x64xf32, #tpu.memory_space<hbm>>, %arg11: memref<100x64xf32, #tpu.memory_space<vmem>>, %arg12: memref<13x64xf32, #tpu.memory_space<vmem>>, %arg13: memref<7x64xf32, #tpu.memory_space<vmem>>, %arg14: memref<24x64xf32, #tpu.memory_space<vmem>>, %arg15: memref<2x168x64xf32, #tpu.memory_space<vmem>>, %arg16: memref<2x512xi32, #tpu.memory_space<vmem>>, %arg17: memref<2x512xi32, #tpu.memory_space<vmem>>, %arg18: memref<2x512xi32, #tpu.memory_space<vmem>>, %arg19: memref<2x512xi32, #tpu.memory_space<vmem>>, %arg20: memref<2x4x128xi32, #tpu.memory_space<vmem>>, %arg21: memref<2x512x64xf32, #tpu.memory_space<vmem>>, %arg22: memref<2x218400x64xf32, #tpu.memory_space<hbm>>, %arg23: memref<!tpu.dma_semaphore, #tpu.memory_space<semaphore_mem>>, %arg24: memref<!tpu.dma_semaphore, #tpu.memory_space<semaphore_mem>>, %arg25: memref<!tpu.dma_semaphore, #tpu.memory_space<semaphore_mem>>, %arg26: memref<!tpu.dma_semaphore, #tpu.memory_space<semaphore_mem>>) attributes {dimension_semantics = [#tpu.dimension_semantics<core_parallel>, #tpu.dimension_semantics<subcore_parallel>], iteration_bounds = array<i64: 2, 16>, scalar_prefetch = 0 : i64, scratch_operands = 16 : i64, tpu.core_type = #tpu.core_type<sc_vector_subcore>, window_params = [{transform_indices = #map}, {transform_indices = #map}, {transform_indices = #map}, {transform_indices = #map}, {transform_indices = #map1}, {transform_indices = #map1}, {transform_indices = #map1}, {transform_indices = #map1}, {transform_indices = #map1}]} {
    %mul3A = arith.constant 2 : i32
    %mul3A_0 = arith.muli %arg1, %mul3A : i32
    %add3A = arith.addi %mul3A_0, %arg0 : i32
    "tpu.region"() ({
      %run_scoped3A = tpu.sem_alloc : memref<!tpu.dma_semaphore, #tpu.memory_space<semaphore_mem>>
      tpu.enqueue_dma source(%arg6 : memref<100x64xf32, #tpu.memory_space<hbm>>) target(%arg11 : memref<100x64xf32, #tpu.memory_space<vmem>>) target_semaphore(%run_scoped3A : memref<!tpu.dma_semaphore, #tpu.memory_space<semaphore_mem>>)
      tpu.wait_dma2 semaphore(%run_scoped3A : memref<!tpu.dma_semaphore, #tpu.memory_space<semaphore_mem>>) src(%arg6 : memref<100x64xf32, #tpu.memory_space<hbm>>) dst(%arg11 : memref<100x64xf32, #tpu.memory_space<vmem>>)
      tpu.yield
    }) : () -> ()
    "tpu.region"() ({
      %run_scoped3A = tpu.sem_alloc : memref<!tpu.dma_semaphore, #tpu.memory_space<semaphore_mem>>
      tpu.enqueue_dma source(%arg7 : memref<13x64xf32, #tpu.memory_space<hbm>>) target(%arg12 : memref<13x64xf32, #tpu.memory_space<vmem>>) target_semaphore(%run_scoped3A : memref<!tpu.dma_semaphore, #tpu.memory_space<semaphore_mem>>)
      tpu.wait_dma2 semaphore(%run_scoped3A : memref<!tpu.dma_semaphore, #tpu.memory_space<semaphore_mem>>) src(%arg7 : memref<13x64xf32, #tpu.memory_space<hbm>>) dst(%arg12 : memref<13x64xf32, #tpu.memory_space<vmem>>)
      tpu.yield
    }) : () -> ()
    "tpu.region"() ({
      %run_scoped3A = tpu.sem_alloc : memref<!tpu.dma_semaphore, #tpu.memory_space<semaphore_mem>>
      tpu.enqueue_dma source(%arg8 : memref<7x64xf32, #tpu.memory_space<hbm>>) target(%arg13 : memref<7x64xf32, #tpu.memory_space<vmem>>) target_semaphore(%run_scoped3A : memref<!tpu.dma_semaphore, #tpu.memory_space<semaphore_mem>>)
      tpu.wait_dma2 semaphore(%run_scoped3A : memref<!tpu.dma_semaphore, #tpu.memory_space<semaphore_mem>>) src(%arg8 : memref<7x64xf32, #tpu.memory_space<hbm>>) dst(%arg13 : memref<7x64xf32, #tpu.memory_space<vmem>>)
      tpu.yield
    }) : () -> ()
    "tpu.region"() ({
      %run_scoped3A = tpu.sem_alloc : memref<!tpu.dma_semaphore, #tpu.memory_space<semaphore_mem>>
      tpu.enqueue_dma source(%arg9 : memref<24x64xf32, #tpu.memory_space<hbm>>) target(%arg14 : memref<24x64xf32, #tpu.memory_space<vmem>>) target_semaphore(%run_scoped3A : memref<!tpu.dma_semaphore, #tpu.memory_space<semaphore_mem>>)
      tpu.wait_dma2 semaphore(%run_scoped3A : memref<!tpu.dma_semaphore, #tpu.memory_space<semaphore_mem>>) src(%arg9 : memref<24x64xf32, #tpu.memory_space<hbm>>) dst(%arg14 : memref<24x64xf32, #tpu.memory_space<vmem>>)
      tpu.yield
    }) : () -> ()
    %mul3A_1 = arith.constant 100 : i32
    %mul3A_2 = arith.muli %arg1, %mul3A_1 : i32
    %jit3A = arith.constant 16 : i32
    %div3A = arith.divsi %mul3A_2, %jit3A : i32
    %sign3A = arith.constant 0 : i32
    %sign3A_3 = arith.cmpi sgt, %mul3A_2, %sign3A : i32
    %sign3A_4 = arith.extui %sign3A_3 : i1 to i32
    %sign3A_5 = arith.constant 0 : i32
    %sign3A_6 = arith.cmpi slt, %mul3A_2, %sign3A_5 : i32
    %sign3A_7 = arith.extui %sign3A_6 : i1 to i32
    %sign3A_8 = arith.subi %sign3A_4, %sign3A_7 : i32
    %sign3A_9 = arith.constant 0 : i32
    %sign3A_10 = arith.cmpi sgt, %jit3A, %sign3A_9 : i32
    %sign3A_11 = arith.extui %sign3A_10 : i1 to i32
    %sign3A_12 = arith.constant 0 : i32
    %sign3A_13 = arith.cmpi slt, %jit3A, %sign3A_12 : i32
    %sign3A_14 = arith.extui %sign3A_13 : i1 to i32
    %sign3A_15 = arith.subi %sign3A_11, %sign3A_14 : i32
    %ne3A = arith.cmpi ne, %sign3A_8, %sign3A_15 : i32
    %rem3A = arith.remsi %mul3A_2, %jit3A : i32
    %ne3A_16 = arith.constant 0 : i32
    %ne3A_17 = arith.cmpi ne, %rem3A, %ne3A_16 : i32
    %and3A = arith.andi %ne3A, %ne3A_17 : i1
    %sub3A = arith.constant 1 : i32
    %sub3A_18 = arith.subi %div3A, %sub3A : i32
    %select_n3A = arith.select %and3A, %sub3A_18, %div3A : i32
    %mul3A_19 = arith.constant 13 : i32
    %mul3A_20 = arith.muli %select_n3A, %mul3A_19 : i32
    %add3A_21 = arith.constant 1 : i32
    %add3A_22 = arith.addi %arg1, %add3A_21 : i32
    %mul3A_23 = arith.constant 100 : i32
    %mul3A_24 = arith.muli %add3A_22, %mul3A_23 : i32
    %jit3A_25 = arith.constant 16 : i32
    %div3A_26 = arith.divsi %mul3A_24, %jit3A_25 : i32
    %sign3A_27 = arith.constant 0 : i32
    %sign3A_28 = arith.cmpi sgt, %mul3A_24, %sign3A_27 : i32
    %sign3A_29 = arith.extui %sign3A_28 : i1 to i32
    %sign3A_30 = arith.constant 0 : i32
    %sign3A_31 = arith.cmpi slt, %mul3A_24, %sign3A_30 : i32
    %sign3A_32 = arith.extui %sign3A_31 : i1 to i32
    %sign3A_33 = arith.subi %sign3A_29, %sign3A_32 : i32
    %sign3A_34 = arith.constant 0 : i32
    %sign3A_35 = arith.cmpi sgt, %jit3A_25, %sign3A_34 : i32
    %sign3A_36 = arith.extui %sign3A_35 : i1 to i32
    %sign3A_37 = arith.constant 0 : i32
    %sign3A_38 = arith.cmpi slt, %jit3A_25, %sign3A_37 : i32
    %sign3A_39 = arith.extui %sign3A_38 : i1 to i32
    %sign3A_40 = arith.subi %sign3A_36, %sign3A_39 : i32
    %ne3A_41 = arith.cmpi ne, %sign3A_33, %sign3A_40 : i32
    %rem3A_42 = arith.remsi %mul3A_24, %jit3A_25 : i32
    %ne3A_43 = arith.constant 0 : i32
    %ne3A_44 = arith.cmpi ne, %rem3A_42, %ne3A_43 : i32
    %and3A_45 = arith.andi %ne3A_41, %ne3A_44 : i1
    %sub3A_46 = arith.constant 1 : i32
    %sub3A_47 = arith.subi %div3A_26, %sub3A_46 : i32
    %select_n3A_48 = arith.select %and3A_45, %sub3A_47, %div3A_26 : i32
    %mul3A_49 = arith.constant 13 : i32
    %mul3A_50 = arith.muli %select_n3A_48, %mul3A_49 : i32
    %sub3A_51 = arith.subi %mul3A_50, %mul3A_20 : i32
    %while3A = arith.constant 0 : i32
    %while3A_52 = arith.constant 0 : i32
    %while3A_53 = arith.subi %sub3A_51, %while3A : i32
    %while3A_54 = arith.addi %while3A, %while3A_53 : i32
    %while3A_55 = arith.constant 1 : i32
    %while3A_56 = arith.divsi %while3A_53, %while3A_55 : i32
    %while3A_57 = arith.muli %while3A_56, %while3A_55 : i32
    %while3A_58 = arith.addi %while3A, %while3A_57 : i32
    %while3A_59 = arith.constant 1 : i32
    %while3A_60 = scf.for %while3A_183 = %while3A to %while3A_58 step %while3A_59 iter_args(%while3A_184 = %while3A_52) -> (i32)  : i32 {
      %add3A_185 = arith.addi %mul3A_20, %while3A_183 : i32
      %jit3A_186 = arith.constant 13 : i32
      %div3A_187 = arith.divsi %add3A_185, %jit3A_186 : i32
      %sign3A_188 = arith.constant 0 : i32
      %sign3A_189 = arith.cmpi sgt, %add3A_185, %sign3A_188 : i32
      %sign3A_190 = arith.extui %sign3A_189 : i1 to i32
      %sign3A_191 = arith.constant 0 : i32
      %sign3A_192 = arith.cmpi slt, %add3A_185, %sign3A_191 : i32
      %sign3A_193 = arith.extui %sign3A_192 : i1 to i32
      %sign3A_194 = arith.subi %sign3A_190, %sign3A_193 : i32
      %sign3A_195 = arith.constant 0 : i32
      %sign3A_196 = arith.cmpi sgt, %jit3A_186, %sign3A_195 : i32
      %sign3A_197 = arith.extui %sign3A_196 : i1 to i32
      %sign3A_198 = arith.constant 0 : i32
      %sign3A_199 = arith.cmpi slt, %jit3A_186, %sign3A_198 : i32
      %sign3A_200 = arith.extui %sign3A_199 : i1 to i32
      %sign3A_201 = arith.subi %sign3A_197, %sign3A_200 : i32
      %ne3A_202 = arith.cmpi ne, %sign3A_194, %sign3A_201 : i32
      %rem3A_203 = arith.remsi %add3A_185, %jit3A_186 : i32
      %ne3A_204 = arith.constant 0 : i32
      %ne3A_205 = arith.cmpi ne, %rem3A_203, %ne3A_204 : i32
      %and3A_206 = arith.andi %ne3A_202, %ne3A_205 : i1
      %sub3A_207 = arith.constant 1 : i32
      %sub3A_208 = arith.subi %div3A_187, %sub3A_207 : i32
      %select_n3A_209 = arith.select %and3A_206, %sub3A_208, %div3A_187 : i32
      %mul3A_210 = arith.constant 13 : i32
      %mul3A_211 = arith.muli %select_n3A_209, %mul3A_210 : i32
      %sub3A_212 = arith.subi %add3A_185, %mul3A_211 : i32
      %jit3A_213 = arith.constant 2 : i32
      %eq3A = arith.constant 0 : i32
      %eq3A_214 = arith.cmpi eq, %jit3A_213, %eq3A : i32
      %jit3A_215 = arith.constant 1 : i32
      %select_n3A_216 = arith.select %eq3A_214, %jit3A_215, %jit3A_213 : i32
      %rem3A_217 = arith.remsi %while3A_183, %select_n3A_216 : i32
      %ne3A_218 = arith.constant 0 : i32
      %ne3A_219 = arith.cmpi ne, %rem3A_217, %ne3A_218 : i32
      %lt3A = arith.constant 0 : i32
      %lt3A_220 = arith.cmpi slt, %rem3A_217, %lt3A : i32
      %lt3A_221 = arith.constant 0 : i32
      %lt3A_222 = arith.cmpi slt, %select_n3A_216, %lt3A_221 : i32
      %ne3A_223 = arith.xori %lt3A_220, %lt3A_222 : i1
      %and3A_224 = arith.andi %ne3A_223, %ne3A_219 : i1
      %add3A_225 = arith.addi %rem3A_217, %select_n3A_216 : i32
      %select_n3A_226 = arith.select %and3A_224, %add3A_225, %rem3A_217 : i32
      %ge3A = arith.constant 2 : i32
      %ge3A_227 = arith.cmpi sge, %while3A_183, %ge3A : i32
      %convert_element_type3A = arith.extui %ge3A_227 : i1 to i32
      %cond3A = arith.constant 0 : i32
      %cond3A_228 = arith.cmpi ne, %convert_element_type3A, %cond3A : i32
      scf.if %cond3A_228 {
        %dma_wait3A_286 = arith.constant 0 : i32
        %dma_wait3A_287 = arith.constant 0 : i32
        %dma_wait3A_288 = tpu.memref_slice %arg15[%select_n3A_226, %dma_wait3A_286, %dma_wait3A_287] : memref<2x168x64xf32, #tpu.memory_space<vmem>> -> memref<1x168x64xf32, #tpu.memory_space<vmem>>
        %dma_wait3A_289 = tpu.memref_squeeze %dma_wait3A_288 : memref<1x168x64xf32, #tpu.memory_space<vmem>> -> memref<168x64xf32, #tpu.memory_space<vmem>>
        %dma_wait3A_290 = arith.constant 0 : i32
        %dma_wait3A_291 = arith.constant 0 : i32
        %dma_wait3A_292 = tpu.memref_slice %arg22[%arg0, %dma_wait3A_290, %dma_wait3A_291] : memref<2x218400x64xf32, #tpu.memory_space<hbm>> -> memref<1x218400x64xf32, #tpu.memory_space<hbm>>
        %dma_wait3A_293 = tpu.memref_squeeze %dma_wait3A_292 : memref<1x218400x64xf32, #tpu.memory_space<hbm>> -> memref<218400x64xf32, #tpu.memory_space<hbm>>
        %dma_wait3A_294 = arith.constant 0 : i32
        %dma_wait3A_295 = arith.constant 0 : i32
        %dma_wait3A_296 = tpu.memref_slice %dma_wait3A_293[%dma_wait3A_294, %dma_wait3A_295] : memref<218400x64xf32, #tpu.memory_space<hbm>> -> memref<168x64xf32, #tpu.memory_space<hbm>>
        %dma_wait3A_297 = arith.constant 0 : i32
        %dma_wait3A_298 = arith.constant 0 : i32
        %dma_wait3A_299 = tpu.memref_slice %arg22[%arg0, %dma_wait3A_297, %dma_wait3A_298] : memref<2x218400x64xf32, #tpu.memory_space<hbm>> -> memref<1x218400x64xf32, #tpu.memory_space<hbm>>
        %dma_wait3A_300 = tpu.memref_squeeze %dma_wait3A_299 : memref<1x218400x64xf32, #tpu.memory_space<hbm>> -> memref<218400x64xf32, #tpu.memory_space<hbm>>
        %dma_wait3A_301 = arith.constant 0 : i32
        %dma_wait3A_302 = arith.constant 0 : i32
        %dma_wait3A_303 = tpu.memref_slice %dma_wait3A_300[%dma_wait3A_301, %dma_wait3A_302] : memref<218400x64xf32, #tpu.memory_space<hbm>> -> memref<168x64xf32, #tpu.memory_space<hbm>>
        %dma_wait3A_304 = arith.constant 0 : i32
        %dma_wait3A_305 = arith.constant 0 : i32
        %dma_wait3A_306 = tpu.memref_slice %arg15[%select_n3A_226, %dma_wait3A_304, %dma_wait3A_305] : memref<2x168x64xf32, #tpu.memory_space<vmem>> -> memref<1x168x64xf32, #tpu.memory_space<vmem>>
        %dma_wait3A_307 = tpu.memref_squeeze %dma_wait3A_306 : memref<1x168x64xf32, #tpu.memory_space<vmem>> -> memref<168x64xf32, #tpu.memory_space<vmem>>
        tpu.wait_dma2 semaphore(%arg23 : memref<!tpu.dma_semaphore, #tpu.memory_space<semaphore_mem>>) src(%dma_wait3A_307 : memref<168x64xf32, #tpu.memory_space<vmem>>) dst(%dma_wait3A_303 : memref<168x64xf32, #tpu.memory_space<hbm>>)
      } else {
      }
      %get3A = arith.index_cast %select_n3A_209 : i32 to index
      %get3A_229 = arith.constant 0 : index
      %get3A_230 = tpu.vector_load %arg11[%get3A, %get3A_229] {strides = array<i32>} : memref<100x64xf32, #tpu.memory_space<vmem>>, vector<16xf32>,
      %get3A_231 = arith.index_cast %sub3A_212 : i32 to index
      %get3A_232 = arith.constant 0 : index
      %get3A_233 = tpu.vector_load %arg12[%get3A_231, %get3A_232] {strides = array<i32>} : memref<13x64xf32, #tpu.memory_space<vmem>>, vector<16xf32>,
      %add3A_234 = arith.addf %get3A_230, %get3A_233 : vector<16xf32>
      %get3A_235 = arith.index_cast %select_n3A_209 : i32 to index
      %get3A_236 = arith.constant 16 : index
      %get3A_237 = tpu.vector_load %arg11[%get3A_235, %get3A_236] {strides = array<i32>} : memref<100x64xf32, #tpu.memory_space<vmem>>, vector<16xf32>,
      %get3A_238 = arith.index_cast %sub3A_212 : i32 to index
      %get3A_239 = arith.constant 16 : index
      %get3A_240 = tpu.vector_load %arg12[%get3A_238, %get3A_239] {strides = array<i32>} : memref<13x64xf32, #tpu.memory_space<vmem>>, vector<16xf32>,
      %add3A_241 = arith.addf %get3A_237, %get3A_240 : vector<16xf32>
      %get3A_242 = arith.index_cast %select_n3A_209 : i32 to index
      %get3A_243 = arith.constant 32 : index
      %get3A_244 = tpu.vector_load %arg11[%get3A_242, %get3A_243] {strides = array<i32>} : memref<100x64xf32, #tpu.memory_space<vmem>>, vector<16xf32>,
      %get3A_245 = arith.index_cast %sub3A_212 : i32 to index
      %get3A_246 = arith.constant 32 : index
      %get3A_247 = tpu.vector_load %arg12[%get3A_245, %get3A_246] {strides = array<i32>} : memref<13x64xf32, #tpu.memory_space<vmem>>, vector<16xf32>,
      %add3A_248 = arith.addf %get3A_244, %get3A_247 : vector<16xf32>
      %get3A_249 = arith.index_cast %select_n3A_209 : i32 to index
      %get3A_250 = arith.constant 48 : index
      %get3A_251 = tpu.vector_load %arg11[%get3A_249, %get3A_250] {strides = array<i32>} : memref<100x64xf32, #tpu.memory_space<vmem>>, vector<16xf32>,
      %get3A_252 = arith.index_cast %sub3A_212 : i32 to index
      %get3A_253 = arith.constant 48 : index
      %get3A_254 = tpu.vector_load %arg12[%get3A_252, %get3A_253] {strides = array<i32>} : memref<13x64xf32, #tpu.memory_space<vmem>>, vector<16xf32>,
      %add3A_255 = arith.addf %get3A_251, %get3A_254 : vector<16xf32>
      %scan3A_256 = arith.constant 0 : i32
      %scan3A_257 = arith.constant 0 : i32
      %scan3A_258 = arith.constant 7 : i32
      %scan3A_259 = arith.addi %scan3A_257, %scan3A_258 : i32
      %scan3A_260 = arith.constant 1 : i32
      %scan3A_261 = scf.for %scan3A_286 = %scan3A_257 to %scan3A_259 step %scan3A_260 iter_args(%scan3A_287 = %scan3A_256) -> (i32)  : i32 {
        %get3A_288 = arith.index_cast %scan3A_286 : i32 to index
        %get3A_289 = arith.constant 0 : index
        %get3A_290 = tpu.vector_load %arg13[%get3A_288, %get3A_289] {strides = array<i32>} : memref<7x64xf32, #tpu.memory_space<vmem>>, vector<16xf32>,
        %add3A_291 = arith.addf %add3A_234, %get3A_290 : vector<16xf32>
        %get3A_292 = arith.index_cast %scan3A_286 : i32 to index
        %get3A_293 = arith.constant 16 : index
        %get3A_294 = tpu.vector_load %arg13[%get3A_292, %get3A_293] {strides = array<i32>} : memref<7x64xf32, #tpu.memory_space<vmem>>, vector<16xf32>,
        %add3A_295 = arith.addf %add3A_241, %get3A_294 : vector<16xf32>
        %get3A_296 = arith.index_cast %scan3A_286 : i32 to index
        %get3A_297 = arith.constant 32 : index
        %get3A_298 = tpu.vector_load %arg13[%get3A_296, %get3A_297] {strides = array<i32>} : memref<7x64xf32, #tpu.memory_space<vmem>>, vector<16xf32>,
        %add3A_299 = arith.addf %add3A_248, %get3A_298 : vector<16xf32>
        %get3A_300 = arith.index_cast %scan3A_286 : i32 to index
        %get3A_301 = arith.constant 48 : index
        %get3A_302 = tpu.vector_load %arg13[%get3A_300, %get3A_301] {strides = array<i32>} : memref<7x64xf32, #tpu.memory_space<vmem>>, vector<16xf32>,
        %add3A_303 = arith.addf %add3A_255, %get3A_302 : vector<16xf32>
        %parallel_loop3A = arith.constant 0 : i32
        %parallel_loop3A_304 = arith.constant 24 : i32
        %parallel_loop3A_305 = arith.constant 1 : i32
        scf.for %parallel_loop3A_307 = %parallel_loop3A to %parallel_loop3A_304 step %parallel_loop3A_305  : i32 {
          %parallel_loop3A_308 = arith.constant 24 : i32
          %parallel_loop3A_309 = arith.muli %scan3A_286, %parallel_loop3A_308 : i32
          %parallel_loop3A_310 = arith.addi %parallel_loop3A_309, %parallel_loop3A_307 : i32
          %parallel_loop3A_311 = arith.index_cast %parallel_loop3A_307 : i32 to index
          %parallel_loop3A_312 = arith.constant 0 : index
          %parallel_loop3A_313 = tpu.vector_load %arg14[%parallel_loop3A_311, %parallel_loop3A_312] {strides = array<i32>} : memref<24x64xf32, #tpu.memory_space<vmem>>, vector<16xf32>,
          %parallel_loop3A_314 = arith.addf %add3A_291, %parallel_loop3A_313 : vector<16xf32>
          %parallel_loop3A_315 = arith.index_cast %select_n3A_226 : i32 to index
          %parallel_loop3A_316 = arith.index_cast %parallel_loop3A_310 : i32 to index
          %parallel_loop3A_317 = arith.constant 0 : index
          %parallel_loop3A_318 = tpu.vector_load %arg15[%parallel_loop3A_315, %parallel_loop3A_316, %parallel_loop3A_317] {strides = array<i32>} : memref<2x168x64xf32, #tpu.memory_space<vmem>>, vector<16xf32>,
          tpu.vector_store %arg15[%parallel_loop3A_315, %parallel_loop3A_316, %parallel_loop3A_317], %parallel_loop3A_314 {strides = array<i32>} : memref<2x168x64xf32, #tpu.memory_space<vmem>>, vector<16xf32>,
          %parallel_loop3A_319 = arith.index_cast %parallel_loop3A_307 : i32 to index
          %parallel_loop3A_320 = arith.constant 16 : index
          %parallel_loop3A_321 = tpu.vector_load %arg14[%parallel_loop3A_319, %parallel_loop3A_320] {strides = array<i32>} : memref<24x64xf32, #tpu.memory_space<vmem>>, vector<16xf32>,
          %parallel_loop3A_322 = arith.addf %add3A_295, %parallel_loop3A_321 : vector<16xf32>
          %parallel_loop3A_323 = arith.index_cast %select_n3A_226 : i32 to index
          %parallel_loop3A_324 = arith.index_cast %parallel_loop3A_310 : i32 to index
          %parallel_loop3A_325 = arith.constant 16 : index
          %parallel_loop3A_326 = tpu.vector_load %arg15[%parallel_loop3A_323, %parallel_loop3A_324, %parallel_loop3A_325] {strides = array<i32>} : memref<2x168x64xf32, #tpu.memory_space<vmem>>, vector<16xf32>,
          tpu.vector_store %arg15[%parallel_loop3A_323, %parallel_loop3A_324, %parallel_loop3A_325], %parallel_loop3A_322 {strides = array<i32>} : memref<2x168x64xf32, #tpu.memory_space<vmem>>, vector<16xf32>,
          %parallel_loop3A_327 = arith.index_cast %parallel_loop3A_307 : i32 to index
          %parallel_loop3A_328 = arith.constant 32 : index
          %parallel_loop3A_329 = tpu.vector_load %arg14[%parallel_loop3A_327, %parallel_loop3A_328] {strides = array<i32>} : memref<24x64xf32, #tpu.memory_space<vmem>>, vector<16xf32>,
          %parallel_loop3A_330 = arith.addf %add3A_299, %parallel_loop3A_329 : vector<16xf32>
          %parallel_loop3A_331 = arith.index_cast %select_n3A_226 : i32 to index
          %parallel_loop3A_332 = arith.index_cast %parallel_loop3A_310 : i32 to index
          %parallel_loop3A_333 = arith.constant 32 : index
          %parallel_loop3A_334 = tpu.vector_load %arg15[%parallel_loop3A_331, %parallel_loop3A_332, %parallel_loop3A_333] {strides = array<i32>} : memref<2x168x64xf32, #tpu.memory_space<vmem>>, vector<16xf32>,
          tpu.vector_store %arg15[%parallel_loop3A_331, %parallel_loop3A_332, %parallel_loop3A_333], %parallel_loop3A_330 {strides = array<i32>} : memref<2x168x64xf32, #tpu.memory_space<vmem>>, vector<16xf32>,
          %parallel_loop3A_335 = arith.index_cast %parallel_loop3A_307 : i32 to index
          %parallel_loop3A_336 = arith.constant 48 : index
          %parallel_loop3A_337 = tpu.vector_load %arg14[%parallel_loop3A_335, %parallel_loop3A_336] {strides = array<i32>} : memref<24x64xf32, #tpu.memory_space<vmem>>, vector<16xf32>,
          %parallel_loop3A_338 = arith.addf %add3A_303, %parallel_loop3A_337 : vector<16xf32>
          %parallel_loop3A_339 = arith.index_cast %select_n3A_226 : i32 to index
          %parallel_loop3A_340 = arith.index_cast %parallel_loop3A_310 : i32 to index
          %parallel_loop3A_341 = arith.constant 48 : index
          %parallel_loop3A_342 = tpu.vector_load %arg15[%parallel_loop3A_339, %parallel_loop3A_340, %parallel_loop3A_341] {strides = array<i32>} : memref<2x168x64xf32, #tpu.memory_space<vmem>>, vector<16xf32>,
          tpu.vector_store %arg15[%parallel_loop3A_339, %parallel_loop3A_340, %parallel_loop3A_341], %parallel_loop3A_338 {strides = array<i32>} : memref<2x168x64xf32, #tpu.memory_space<vmem>>, vector<16xf32>,
        } {sc.loop_unroll_factor = 8 : i64, sc.parallel_access}
        %scan3A_306 = arith.constant 0 : i32
        scf.yield %scan3A_306 : i32
      }
      %scan3A_262 = arith.constant 7 : i32
      %mul3A_263 = arith.constant 168 : i32
      %mul3A_264 = arith.muli %add3A_185, %mul3A_263 : i32
      %dma_start3A_265 = arith.constant 0 : i32
      %dma_start3A_266 = arith.constant 0 : i32
      %dma_start3A_267 = tpu.memref_slice %arg15[%select_n3A_226, %dma_start3A_265, %dma_start3A_266] : memref<2x168x64xf32, #tpu.memory_space<vmem>> -> memref<1x168x64xf32, #tpu.memory_space<vmem>>
      %dma_start3A_268 = tpu.memref_squeeze %dma_start3A_267 : memref<1x168x64xf32, #tpu.memory_space<vmem>> -> memref<168x64xf32, #tpu.memory_space<vmem>>
      %dma_start3A_269 = arith.constant 0 : i32
      %dma_start3A_270 = arith.constant 0 : i32
      %dma_start3A_271 = tpu.memref_slice %arg22[%arg0, %dma_start3A_269, %dma_start3A_270] : memref<2x218400x64xf32, #tpu.memory_space<hbm>> -> memref<1x218400x64xf32, #tpu.memory_space<hbm>>
      %dma_start3A_272 = tpu.memref_squeeze %dma_start3A_271 : memref<1x218400x64xf32, #tpu.memory_space<hbm>> -> memref<218400x64xf32, #tpu.memory_space<hbm>>
      %dma_start3A_273 = arith.constant 0 : i32
      %dma_start3A_274 = tpu.memref_slice %dma_start3A_272[%mul3A_264, %dma_start3A_273] : memref<218400x64xf32, #tpu.memory_space<hbm>> -> memref<168x64xf32, #tpu.memory_space<hbm>>
      %dma_start3A_275 = arith.constant 0 : i32
      %dma_start3A_276 = arith.constant 0 : i32
      %dma_start3A_277 = tpu.memref_slice %arg22[%arg0, %dma_start3A_275, %dma_start3A_276] : memref<2x218400x64xf32, #tpu.memory_space<hbm>> -> memref<1x218400x64xf32, #tpu.memory_space<hbm>>
      %dma_start3A_278 = tpu.memref_squeeze %dma_start3A_277 : memref<1x218400x64xf32, #tpu.memory_space<hbm>> -> memref<218400x64xf32, #tpu.memory_space<hbm>>
      %dma_start3A_279 = arith.constant 0 : i32
      %dma_start3A_280 = tpu.memref_slice %dma_start3A_278[%mul3A_264, %dma_start3A_279] : memref<218400x64xf32, #tpu.memory_space<hbm>> -> memref<168x64xf32, #tpu.memory_space<hbm>>
      %dma_start3A_281 = arith.constant 0 : i32
      %dma_start3A_282 = arith.constant 0 : i32
      %dma_start3A_283 = tpu.memref_slice %arg15[%select_n3A_226, %dma_start3A_281, %dma_start3A_282] : memref<2x168x64xf32, #tpu.memory_space<vmem>> -> memref<1x168x64xf32, #tpu.memory_space<vmem>>
      %dma_start3A_284 = tpu.memref_squeeze %dma_start3A_283 : memref<1x168x64xf32, #tpu.memory_space<vmem>> -> memref<168x64xf32, #tpu.memory_space<vmem>>
      tpu.enqueue_dma source(%dma_start3A_284 : memref<168x64xf32, #tpu.memory_space<vmem>>) target(%dma_start3A_280 : memref<168x64xf32, #tpu.memory_space<hbm>>) target_semaphore(%arg23 : memref<!tpu.dma_semaphore, #tpu.memory_space<semaphore_mem>>)
      %while3A_285 = arith.constant 0 : i32
      scf.yield %while3A_285 : i32
    }
    %while3A_61 = arith.constant 1 : i32
    %while3A_62 = scf.for %while3A_183 = %while3A_58 to %while3A_54 step %while3A_61 iter_args(%while3A_184 = %while3A_60) -> (i32)  : i32 {
      %add3A_185 = arith.addi %mul3A_20, %while3A_183 : i32
      %jit3A_186 = arith.constant 13 : i32
      %div3A_187 = arith.divsi %add3A_185, %jit3A_186 : i32
      %sign3A_188 = arith.constant 0 : i32
      %sign3A_189 = arith.cmpi sgt, %add3A_185, %sign3A_188 : i32
      %sign3A_190 = arith.extui %sign3A_189 : i1 to i32
      %sign3A_191 = arith.constant 0 : i32
      %sign3A_192 = arith.cmpi slt, %add3A_185, %sign3A_191 : i32
      %sign3A_193 = arith.extui %sign3A_192 : i1 to i32
      %sign3A_194 = arith.subi %sign3A_190, %sign3A_193 : i32
      %sign3A_195 = arith.constant 0 : i32
      %sign3A_196 = arith.cmpi sgt, %jit3A_186, %sign3A_195 : i32
      %sign3A_197 = arith.extui %sign3A_196 : i1 to i32
      %sign3A_198 = arith.constant 0 : i32
      %sign3A_199 = arith.cmpi slt, %jit3A_186, %sign3A_198 : i32
      %sign3A_200 = arith.extui %sign3A_199 : i1 to i32
      %sign3A_201 = arith.subi %sign3A_197, %sign3A_200 : i32
      %ne3A_202 = arith.cmpi ne, %sign3A_194, %sign3A_201 : i32
      %rem3A_203 = arith.remsi %add3A_185, %jit3A_186 : i32
      %ne3A_204 = arith.constant 0 : i32
      %ne3A_205 = arith.cmpi ne, %rem3A_203, %ne3A_204 : i32
      %and3A_206 = arith.andi %ne3A_202, %ne3A_205 : i1
      %sub3A_207 = arith.constant 1 : i32
      %sub3A_208 = arith.subi %div3A_187, %sub3A_207 : i32
      %select_n3A_209 = arith.select %and3A_206, %sub3A_208, %div3A_187 : i32
      %mul3A_210 = arith.constant 13 : i32
      %mul3A_211 = arith.muli %select_n3A_209, %mul3A_210 : i32
      %sub3A_212 = arith.subi %add3A_185, %mul3A_211 : i32
      %jit3A_213 = arith.constant 2 : i32
      %eq3A = arith.constant 0 : i32
      %eq3A_214 = arith.cmpi eq, %jit3A_213, %eq3A : i32
      %jit3A_215 = arith.constant 1 : i32
      %select_n3A_216 = arith.select %eq3A_214, %jit3A_215, %jit3A_213 : i32
      %rem3A_217 = arith.remsi %while3A_183, %select_n3A_216 : i32
      %ne3A_218 = arith.constant 0 : i32
      %ne3A_219 = arith.cmpi ne, %rem3A_217, %ne3A_218 : i32
      %lt3A = arith.constant 0 : i32
      %lt3A_220 = arith.cmpi slt, %rem3A_217, %lt3A : i32
      %lt3A_221 = arith.constant 0 : i32
      %lt3A_222 = arith.cmpi slt, %select_n3A_216, %lt3A_221 : i32
      %ne3A_223 = arith.xori %lt3A_220, %lt3A_222 : i1
      %and3A_224 = arith.andi %ne3A_223, %ne3A_219 : i1
      %add3A_225 = arith.addi %rem3A_217, %select_n3A_216 : i32
      %select_n3A_226 = arith.select %and3A_224, %add3A_225, %rem3A_217 : i32
      %ge3A = arith.constant 2 : i32
      %ge3A_227 = arith.cmpi sge, %while3A_183, %ge3A : i32
      %convert_element_type3A = arith.extui %ge3A_227 : i1 to i32
      %cond3A = arith.constant 0 : i32
      %cond3A_228 = arith.cmpi ne, %convert_element_type3A, %cond3A : i32
      scf.if %cond3A_228 {
        %dma_wait3A_286 = arith.constant 0 : i32
        %dma_wait3A_287 = arith.constant 0 : i32
        %dma_wait3A_288 = tpu.memref_slice %arg15[%select_n3A_226, %dma_wait3A_286, %dma_wait3A_287] : memref<2x168x64xf32, #tpu.memory_space<vmem>> -> memref<1x168x64xf32, #tpu.memory_space<vmem>>
        %dma_wait3A_289 = tpu.memref_squeeze %dma_wait3A_288 : memref<1x168x64xf32, #tpu.memory_space<vmem>> -> memref<168x64xf32, #tpu.memory_space<vmem>>
        %dma_wait3A_290 = arith.constant 0 : i32
        %dma_wait3A_291 = arith.constant 0 : i32
        %dma_wait3A_292 = tpu.memref_slice %arg22[%arg0, %dma_wait3A_290, %dma_wait3A_291] : memref<2x218400x64xf32, #tpu.memory_space<hbm>> -> memref<1x218400x64xf32, #tpu.memory_space<hbm>>
        %dma_wait3A_293 = tpu.memref_squeeze %dma_wait3A_292 : memref<1x218400x64xf32, #tpu.memory_space<hbm>> -> memref<218400x64xf32, #tpu.memory_space<hbm>>
        %dma_wait3A_294 = arith.constant 0 : i32
        %dma_wait3A_295 = arith.constant 0 : i32
        %dma_wait3A_296 = tpu.memref_slice %dma_wait3A_293[%dma_wait3A_294, %dma_wait3A_295] : memref<218400x64xf32, #tpu.memory_space<hbm>> -> memref<168x64xf32, #tpu.memory_space<hbm>>
        %dma_wait3A_297 = arith.constant 0 : i32
        %dma_wait3A_298 = arith.constant 0 : i32
        %dma_wait3A_299 = tpu.memref_slice %arg22[%arg0, %dma_wait3A_297, %dma_wait3A_298] : memref<2x218400x64xf32, #tpu.memory_space<hbm>> -> memref<1x218400x64xf32, #tpu.memory_space<hbm>>
        %dma_wait3A_300 = tpu.memref_squeeze %dma_wait3A_299 : memref<1x218400x64xf32, #tpu.memory_space<hbm>> -> memref<218400x64xf32, #tpu.memory_space<hbm>>
        %dma_wait3A_301 = arith.constant 0 : i32
        %dma_wait3A_302 = arith.constant 0 : i32
        %dma_wait3A_303 = tpu.memref_slice %dma_wait3A_300[%dma_wait3A_301, %dma_wait3A_302] : memref<218400x64xf32, #tpu.memory_space<hbm>> -> memref<168x64xf32, #tpu.memory_space<hbm>>
        %dma_wait3A_304 = arith.constant 0 : i32
        %dma_wait3A_305 = arith.constant 0 : i32
        %dma_wait3A_306 = tpu.memref_slice %arg15[%select_n3A_226, %dma_wait3A_304, %dma_wait3A_305] : memref<2x168x64xf32, #tpu.memory_space<vmem>> -> memref<1x168x64xf32, #tpu.memory_space<vmem>>
        %dma_wait3A_307 = tpu.memref_squeeze %dma_wait3A_306 : memref<1x168x64xf32, #tpu.memory_space<vmem>> -> memref<168x64xf32, #tpu.memory_space<vmem>>
        tpu.wait_dma2 semaphore(%arg23 : memref<!tpu.dma_semaphore, #tpu.memory_space<semaphore_mem>>) src(%dma_wait3A_307 : memref<168x64xf32, #tpu.memory_space<vmem>>) dst(%dma_wait3A_303 : memref<168x64xf32, #tpu.memory_space<hbm>>)
      } else {
      }
      %get3A = arith.index_cast %select_n3A_209 : i32 to index
      %get3A_229 = arith.constant 0 : index
      %get3A_230 = tpu.vector_load %arg11[%get3A, %get3A_229] {strides = array<i32>} : memref<100x64xf32, #tpu.memory_space<vmem>>, vector<16xf32>,
      %get3A_231 = arith.index_cast %sub3A_212 : i32 to index
      %get3A_232 = arith.constant 0 : index
      %get3A_233 = tpu.vector_load %arg12[%get3A_231, %get3A_232] {strides = array<i32>} : memref<13x64xf32, #tpu.memory_space<vmem>>, vector<16xf32>,
      %add3A_234 = arith.addf %get3A_230, %get3A_233 : vector<16xf32>
      %get3A_235 = arith.index_cast %select_n3A_209 : i32 to index
      %get3A_236 = arith.constant 16 : index
      %get3A_237 = tpu.vector_load %arg11[%get3A_235, %get3A_236] {strides = array<i32>} : memref<100x64xf32, #tpu.memory_space<vmem>>, vector<16xf32>,
      %get3A_238 = arith.index_cast %sub3A_212 : i32 to index
      %get3A_239 = arith.constant 16 : index
      %get3A_240 = tpu.vector_load %arg12[%get3A_238, %get3A_239] {strides = array<i32>} : memref<13x64xf32, #tpu.memory_space<vmem>>, vector<16xf32>,
      %add3A_241 = arith.addf %get3A_237, %get3A_240 : vector<16xf32>
      %get3A_242 = arith.index_cast %select_n3A_209 : i32 to index
      %get3A_243 = arith.constant 32 : index
      %get3A_244 = tpu.vector_load %arg11[%get3A_242, %get3A_243] {strides = array<i32>} : memref<100x64xf32, #tpu.memory_space<vmem>>, vector<16xf32>,
      %get3A_245 = arith.index_cast %sub3A_212 : i32 to index
      %get3A_246 = arith.constant 32 : index
      %get3A_247 = tpu.vector_load %arg12[%get3A_245, %get3A_246] {strides = array<i32>} : memref<13x64xf32, #tpu.memory_space<vmem>>, vector<16xf32>,
      %add3A_248 = arith.addf %get3A_244, %get3A_247 : vector<16xf32>
      %get3A_249 = arith.index_cast %select_n3A_209 : i32 to index
      %get3A_250 = arith.constant 48 : index
      %get3A_251 = tpu.vector_load %arg11[%get3A_249, %get3A_250] {strides = array<i32>} : memref<100x64xf32, #tpu.memory_space<vmem>>, vector<16xf32>,
      %get3A_252 = arith.index_cast %sub3A_212 : i32 to index
      %get3A_253 = arith.constant 48 : index
      %get3A_254 = tpu.vector_load %arg12[%get3A_252, %get3A_253] {strides = array<i32>} : memref<13x64xf32, #tpu.memory_space<vmem>>, vector<16xf32>,
      %add3A_255 = arith.addf %get3A_251, %get3A_254 : vector<16xf32>
      %scan3A_256 = arith.constant 0 : i32
      %scan3A_257 = arith.constant 0 : i32
      %scan3A_258 = arith.constant 7 : i32
      %scan3A_259 = arith.addi %scan3A_257, %scan3A_258 : i32
      %scan3A_260 = arith.constant 1 : i32
      %scan3A_261 = scf.for %scan3A_286 = %scan3A_257 to %scan3A_259 step %scan3A_260 iter_args(%scan3A_287 = %scan3A_256) -> (i32)  : i32 {
        %get3A_288 = arith.index_cast %scan3A_286 : i32 to index
        %get3A_289 = arith.constant 0 : index
        %get3A_290 = tpu.vector_load %arg13[%get3A_288, %get3A_289] {strides = array<i32>} : memref<7x64xf32, #tpu.memory_space<vmem>>, vector<16xf32>,
        %add3A_291 = arith.addf %add3A_234, %get3A_290 : vector<16xf32>
        %get3A_292 = arith.index_cast %scan3A_286 : i32 to index
        %get3A_293 = arith.constant 16 : index
        %get3A_294 = tpu.vector_load %arg13[%get3A_292, %get3A_293] {strides = array<i32>} : memref<7x64xf32, #tpu.memory_space<vmem>>, vector<16xf32>,
        %add3A_295 = arith.addf %add3A_241, %get3A_294 : vector<16xf32>
        %get3A_296 = arith.index_cast %scan3A_286 : i32 to index
        %get3A_297 = arith.constant 32 : index
        %get3A_298 = tpu.vector_load %arg13[%get3A_296, %get3A_297] {strides = array<i32>} : memref<7x64xf32, #tpu.memory_space<vmem>>, vector<16xf32>,
        %add3A_299 = arith.addf %add3A_248, %get3A_298 : vector<16xf32>
        %get3A_300 = arith.index_cast %scan3A_286 : i32 to index
        %get3A_301 = arith.constant 48 : index
        %get3A_302 = tpu.vector_load %arg13[%get3A_300, %get3A_301] {strides = array<i32>} : memref<7x64xf32, #tpu.memory_space<vmem>>, vector<16xf32>,
        %add3A_303 = arith.addf %add3A_255, %get3A_302 : vector<16xf32>
        %parallel_loop3A = arith.constant 0 : i32
        %parallel_loop3A_304 = arith.constant 24 : i32
        %parallel_loop3A_305 = arith.constant 1 : i32
        scf.for %parallel_loop3A_307 = %parallel_loop3A to %parallel_loop3A_304 step %parallel_loop3A_305  : i32 {
          %parallel_loop3A_308 = arith.constant 24 : i32
          %parallel_loop3A_309 = arith.muli %scan3A_286, %parallel_loop3A_308 : i32
          %parallel_loop3A_310 = arith.addi %parallel_loop3A_309, %parallel_loop3A_307 : i32
          %parallel_loop3A_311 = arith.index_cast %parallel_loop3A_307 : i32 to index
          %parallel_loop3A_312 = arith.constant 0 : index
          %parallel_loop3A_313 = tpu.vector_load %arg14[%parallel_loop3A_311, %parallel_loop3A_312] {strides = array<i32>} : memref<24x64xf32, #tpu.memory_space<vmem>>, vector<16xf32>,
          %parallel_loop3A_314 = arith.addf %add3A_291, %parallel_loop3A_313 : vector<16xf32>
          %parallel_loop3A_315 = arith.index_cast %select_n3A_226 : i32 to index
          %parallel_loop3A_316 = arith.index_cast %parallel_loop3A_310 : i32 to index
          %parallel_loop3A_317 = arith.constant 0 : index
          %parallel_loop3A_318 = tpu.vector_load %arg15[%parallel_loop3A_315, %parallel_loop3A_316, %parallel_loop3A_317] {strides = array<i32>} : memref<2x168x64xf32, #tpu.memory_space<vmem>>, vector<16xf32>,
          tpu.vector_store %arg15[%parallel_loop3A_315, %parallel_loop3A_316, %parallel_loop3A_317], %parallel_loop3A_314 {strides = array<i32>} : memref<2x168x64xf32, #tpu.memory_space<vmem>>, vector<16xf32>,
          %parallel_loop3A_319 = arith.index_cast %parallel_loop3A_307 : i32 to index
          %parallel_loop3A_320 = arith.constant 16 : index
          %parallel_loop3A_321 = tpu.vector_load %arg14[%parallel_loop3A_319, %parallel_loop3A_320] {strides = array<i32>} : memref<24x64xf32, #tpu.memory_space<vmem>>, vector<16xf32>,
          %parallel_loop3A_322 = arith.addf %add3A_295, %parallel_loop3A_321 : vector<16xf32>
          %parallel_loop3A_323 = arith.index_cast %select_n3A_226 : i32 to index
          %parallel_loop3A_324 = arith.index_cast %parallel_loop3A_310 : i32 to index
          %parallel_loop3A_325 = arith.constant 16 : index
          %parallel_loop3A_326 = tpu.vector_load %arg15[%parallel_loop3A_323, %parallel_loop3A_324, %parallel_loop3A_325] {strides = array<i32>} : memref<2x168x64xf32, #tpu.memory_space<vmem>>, vector<16xf32>,
          tpu.vector_store %arg15[%parallel_loop3A_323, %parallel_loop3A_324, %parallel_loop3A_325], %parallel_loop3A_322 {strides = array<i32>} : memref<2x168x64xf32, #tpu.memory_space<vmem>>, vector<16xf32>,
          %parallel_loop3A_327 = arith.index_cast %parallel_loop3A_307 : i32 to index
          %parallel_loop3A_328 = arith.constant 32 : index
          %parallel_loop3A_329 = tpu.vector_load %arg14[%parallel_loop3A_327, %parallel_loop3A_328] {strides = array<i32>} : memref<24x64xf32, #tpu.memory_space<vmem>>, vector<16xf32>,
          %parallel_loop3A_330 = arith.addf %add3A_299, %parallel_loop3A_329 : vector<16xf32>
          %parallel_loop3A_331 = arith.index_cast %select_n3A_226 : i32 to index
          %parallel_loop3A_332 = arith.index_cast %parallel_loop3A_310 : i32 to index
          %parallel_loop3A_333 = arith.constant 32 : index
          %parallel_loop3A_334 = tpu.vector_load %arg15[%parallel_loop3A_331, %parallel_loop3A_332, %parallel_loop3A_333] {strides = array<i32>} : memref<2x168x64xf32, #tpu.memory_space<vmem>>, vector<16xf32>,
          tpu.vector_store %arg15[%parallel_loop3A_331, %parallel_loop3A_332, %parallel_loop3A_333], %parallel_loop3A_330 {strides = array<i32>} : memref<2x168x64xf32, #tpu.memory_space<vmem>>, vector<16xf32>,
          %parallel_loop3A_335 = arith.index_cast %parallel_loop3A_307 : i32 to index
          %parallel_loop3A_336 = arith.constant 48 : index
          %parallel_loop3A_337 = tpu.vector_load %arg14[%parallel_loop3A_335, %parallel_loop3A_336] {strides = array<i32>} : memref<24x64xf32, #tpu.memory_space<vmem>>, vector<16xf32>,
          %parallel_loop3A_338 = arith.addf %add3A_303, %parallel_loop3A_337 : vector<16xf32>
          %parallel_loop3A_339 = arith.index_cast %select_n3A_226 : i32 to index
          %parallel_loop3A_340 = arith.index_cast %parallel_loop3A_310 : i32 to index
          %parallel_loop3A_341 = arith.constant 48 : index
          %parallel_loop3A_342 = tpu.vector_load %arg15[%parallel_loop3A_339, %parallel_loop3A_340, %parallel_loop3A_341] {strides = array<i32>} : memref<2x168x64xf32, #tpu.memory_space<vmem>>, vector<16xf32>,
          tpu.vector_store %arg15[%parallel_loop3A_339, %parallel_loop3A_340, %parallel_loop3A_341], %parallel_loop3A_338 {strides = array<i32>} : memref<2x168x64xf32, #tpu.memory_space<vmem>>, vector<16xf32>,
        } {sc.loop_unroll_factor = 8 : i64, sc.parallel_access}
        %scan3A_306 = arith.constant 0 : i32
        scf.yield %scan3A_306 : i32
      }
      %scan3A_262 = arith.constant 7 : i32
      %mul3A_263 = arith.constant 168 : i32
      %mul3A_264 = arith.muli %add3A_185, %mul3A_263 : i32
      %dma_start3A_265 = arith.constant 0 : i32
      %dma_start3A_266 = arith.constant 0 : i32
      %dma_start3A_267 = tpu.memref_slice %arg15[%select_n3A_226, %dma_start3A_265, %dma_start3A_266] : memref<2x168x64xf32, #tpu.memory_space<vmem>> -> memref<1x168x64xf32, #tpu.memory_space<vmem>>
      %dma_start3A_268 = tpu.memref_squeeze %dma_start3A_267 : memref<1x168x64xf32, #tpu.memory_space<vmem>> -> memref<168x64xf32, #tpu.memory_space<vmem>>
      %dma_start3A_269 = arith.constant 0 : i32
      %dma_start3A_270 = arith.constant 0 : i32
      %dma_start3A_271 = tpu.memref_slice %arg22[%arg0, %dma_start3A_269, %dma_start3A_270] : memref<2x218400x64xf32, #tpu.memory_space<hbm>> -> memref<1x218400x64xf32, #tpu.memory_space<hbm>>
      %dma_start3A_272 = tpu.memref_squeeze %dma_start3A_271 : memref<1x218400x64xf32, #tpu.memory_space<hbm>> -> memref<218400x64xf32, #tpu.memory_space<hbm>>
      %dma_start3A_273 = arith.constant 0 : i32
      %dma_start3A_274 = tpu.memref_slice %dma_start3A_272[%mul3A_264, %dma_start3A_273] : memref<218400x64xf32, #tpu.memory_space<hbm>> -> memref<168x64xf32, #tpu.memory_space<hbm>>
      %dma_start3A_275 = arith.constant 0 : i32
      %dma_start3A_276 = arith.constant 0 : i32
      %dma_start3A_277 = tpu.memref_slice %arg22[%arg0, %dma_start3A_275, %dma_start3A_276] : memref<2x218400x64xf32, #tpu.memory_space<hbm>> -> memref<1x218400x64xf32, #tpu.memory_space<hbm>>
      %dma_start3A_278 = tpu.memref_squeeze %dma_start3A_277 : memref<1x218400x64xf32, #tpu.memory_space<hbm>> -> memref<218400x64xf32, #tpu.memory_space<hbm>>
      %dma_start3A_279 = arith.constant 0 : i32
      %dma_start3A_280 = tpu.memref_slice %dma_start3A_278[%mul3A_264, %dma_start3A_279] : memref<218400x64xf32, #tpu.memory_space<hbm>> -> memref<168x64xf32, #tpu.memory_space<hbm>>
      %dma_start3A_281 = arith.constant 0 : i32
      %dma_start3A_282 = arith.constant 0 : i32
      %dma_start3A_283 = tpu.memref_slice %arg15[%select_n3A_226, %dma_start3A_281, %dma_start3A_282] : memref<2x168x64xf32, #tpu.memory_space<vmem>> -> memref<1x168x64xf32, #tpu.memory_space<vmem>>
      %dma_start3A_284 = tpu.memref_squeeze %dma_start3A_283 : memref<1x168x64xf32, #tpu.memory_space<vmem>> -> memref<168x64xf32, #tpu.memory_space<vmem>>
      tpu.enqueue_dma source(%dma_start3A_284 : memref<168x64xf32, #tpu.memory_space<vmem>>) target(%dma_start3A_280 : memref<168x64xf32, #tpu.memory_space<hbm>>) target_semaphore(%arg23 : memref<!tpu.dma_semaphore, #tpu.memory_space<semaphore_mem>>)
      %while3A_285 = arith.constant 0 : i32
      scf.yield %while3A_285 : i32
    }
    %dma_wait3A = arith.constant 0 : i32
    %dma_wait3A_63 = arith.constant 0 : i32
    %dma_wait3A_64 = arith.constant 0 : i32
    %dma_wait3A_65 = tpu.memref_slice %arg15[%dma_wait3A, %dma_wait3A_63, %dma_wait3A_64] : memref<2x168x64xf32, #tpu.memory_space<vmem>> -> memref<1x168x64xf32, #tpu.memory_space<vmem>>
    %dma_wait3A_66 = tpu.memref_squeeze %dma_wait3A_65 : memref<1x168x64xf32, #tpu.memory_space<vmem>> -> memref<168x64xf32, #tpu.memory_space<vmem>>
    %dma_wait3A_67 = arith.constant 0 : i32
    %dma_wait3A_68 = arith.constant 0 : i32
    %dma_wait3A_69 = tpu.memref_slice %arg22[%arg0, %dma_wait3A_67, %dma_wait3A_68] : memref<2x218400x64xf32, #tpu.memory_space<hbm>> -> memref<1x218400x64xf32, #tpu.memory_space<hbm>>
    %dma_wait3A_70 = tpu.memref_squeeze %dma_wait3A_69 : memref<1x218400x64xf32, #tpu.memory_space<hbm>> -> memref<218400x64xf32, #tpu.memory_space<hbm>>
    %dma_wait3A_71 = arith.constant 0 : i32
    %dma_wait3A_72 = arith.constant 0 : i32
    %dma_wait3A_73 = tpu.memref_slice %dma_wait3A_70[%dma_wait3A_71, %dma_wait3A_72] : memref<218400x64xf32, #tpu.memory_space<hbm>> -> memref<168x64xf32, #tpu.memory_space<hbm>>
    %dma_wait3A_74 = arith.constant 0 : i32
    %dma_wait3A_75 = arith.constant 0 : i32
    %dma_wait3A_76 = tpu.memref_slice %arg22[%arg0, %dma_wait3A_74, %dma_wait3A_75] : memref<2x218400x64xf32, #tpu.memory_space<hbm>> -> memref<1x218400x64xf32, #tpu.memory_space<hbm>>
    %dma_wait3A_77 = tpu.memref_squeeze %dma_wait3A_76 : memref<1x218400x64xf32, #tpu.memory_space<hbm>> -> memref<218400x64xf32, #tpu.memory_space<hbm>>
    %dma_wait3A_78 = arith.constant 0 : i32
    %dma_wait3A_79 = arith.constant 0 : i32
    %dma_wait3A_80 = tpu.memref_slice %dma_wait3A_77[%dma_wait3A_78, %dma_wait3A_79] : memref<218400x64xf32, #tpu.memory_space<hbm>> -> memref<168x64xf32, #tpu.memory_space<hbm>>
    %dma_wait3A_81 = arith.constant 0 : i32
    %dma_wait3A_82 = arith.constant 0 : i32
    %dma_wait3A_83 = tpu.memref_slice %arg15[%dma_wait3A, %dma_wait3A_81, %dma_wait3A_82] : memref<2x168x64xf32, #tpu.memory_space<vmem>> -> memref<1x168x64xf32, #tpu.memory_space<vmem>>
    %dma_wait3A_84 = tpu.memref_squeeze %dma_wait3A_83 : memref<1x168x64xf32, #tpu.memory_space<vmem>> -> memref<168x64xf32, #tpu.memory_space<vmem>>
    tpu.wait_dma2 semaphore(%arg23 : memref<!tpu.dma_semaphore, #tpu.memory_space<semaphore_mem>>) src(%dma_wait3A_84 : memref<168x64xf32, #tpu.memory_space<vmem>>) dst(%dma_wait3A_80 : memref<168x64xf32, #tpu.memory_space<hbm>>)
    %dma_wait3A_85 = arith.constant 0 : i32
    %dma_wait3A_86 = arith.constant 0 : i32
    %dma_wait3A_87 = arith.constant 0 : i32
    %dma_wait3A_88 = tpu.memref_slice %arg15[%dma_wait3A_85, %dma_wait3A_86, %dma_wait3A_87] : memref<2x168x64xf32, #tpu.memory_space<vmem>> -> memref<1x168x64xf32, #tpu.memory_space<vmem>>
    %dma_wait3A_89 = tpu.memref_squeeze %dma_wait3A_88 : memref<1x168x64xf32, #tpu.memory_space<vmem>> -> memref<168x64xf32, #tpu.memory_space<vmem>>
    %dma_wait3A_90 = arith.constant 0 : i32
    %dma_wait3A_91 = arith.constant 0 : i32
    %dma_wait3A_92 = tpu.memref_slice %arg22[%arg0, %dma_wait3A_90, %dma_wait3A_91] : memref<2x218400x64xf32, #tpu.memory_space<hbm>> -> memref<1x218400x64xf32, #tpu.memory_space<hbm>>
    %dma_wait3A_93 = tpu.memref_squeeze %dma_wait3A_92 : memref<1x218400x64xf32, #tpu.memory_space<hbm>> -> memref<218400x64xf32, #tpu.memory_space<hbm>>
    %dma_wait3A_94 = arith.constant 0 : i32
    %dma_wait3A_95 = arith.constant 0 : i32
    %dma_wait3A_96 = tpu.memref_slice %dma_wait3A_93[%dma_wait3A_94, %dma_wait3A_95] : memref<218400x64xf32, #tpu.memory_space<hbm>> -> memref<168x64xf32, #tpu.memory_space<hbm>>
    %dma_wait3A_97 = arith.constant 0 : i32
    %dma_wait3A_98 = arith.constant 0 : i32
    %dma_wait3A_99 = tpu.memref_slice %arg22[%arg0, %dma_wait3A_97, %dma_wait3A_98] : memref<2x218400x64xf32, #tpu.memory_space<hbm>> -> memref<1x218400x64xf32, #tpu.memory_space<hbm>>
    %dma_wait3A_100 = tpu.memref_squeeze %dma_wait3A_99 : memref<1x218400x64xf32, #tpu.memory_space<hbm>> -> memref<218400x64xf32, #tpu.memory_space<hbm>>
    %dma_wait3A_101 = arith.constant 0 : i32
    %dma_wait3A_102 = arith.constant 0 : i32
    %dma_wait3A_103 = tpu.memref_slice %dma_wait3A_100[%dma_wait3A_101, %dma_wait3A_102] : memref<218400x64xf32, #tpu.memory_space<hbm>> -> memref<168x64xf32, #tpu.memory_space<hbm>>
    %dma_wait3A_104 = arith.constant 0 : i32
    %dma_wait3A_105 = arith.constant 0 : i32
    %dma_wait3A_106 = tpu.memref_slice %arg15[%dma_wait3A_85, %dma_wait3A_104, %dma_wait3A_105] : memref<2x168x64xf32, #tpu.memory_space<vmem>> -> memref<1x168x64xf32, #tpu.memory_space<vmem>>
    %dma_wait3A_107 = tpu.memref_squeeze %dma_wait3A_106 : memref<1x168x64xf32, #tpu.memory_space<vmem>> -> memref<168x64xf32, #tpu.memory_space<vmem>>
    tpu.wait_dma2 semaphore(%arg23 : memref<!tpu.dma_semaphore, #tpu.memory_space<semaphore_mem>>) src(%dma_wait3A_107 : memref<168x64xf32, #tpu.memory_space<vmem>>) dst(%dma_wait3A_103 : memref<168x64xf32, #tpu.memory_space<hbm>>)
    %barrier3A = arith.constant 0 : index
    tpu.barrier barrier_id(%barrier3A)
    %mul3A_108 = arith.constant 102400 : i32
    %mul3A_109 = arith.muli %add3A, %mul3A_108 : i32
    %add3A_110 = arith.constant 0 : i32
    %add3A_111 = arith.addi %mul3A_109, %add3A_110 : i32
    %multiple_of3A = tpu.assume_multiple %add3A_111, 512 : i32
    %dma_start3A = arith.constant 0 : i32
    %dma_start3A_112 = arith.constant 0 : i32
    %dma_start3A_113 = tpu.memref_slice %arg16[%dma_start3A, %dma_start3A_112] : memref<2x512xi32, #tpu.memory_space<vmem>> -> memref<1x512xi32, #tpu.memory_space<vmem>>
    %dma_start3A_114 = tpu.memref_squeeze %dma_start3A_113 : memref<1x512xi32, #tpu.memory_space<vmem>> -> memref<512xi32, #tpu.memory_space<vmem>>
    %dma_start3A_115 = tpu.memref_slice %arg2[%multiple_of3A] : memref<3276800xi32, #tpu.memory_space<hbm>> -> memref<512xi32, #tpu.memory_space<hbm>>
    %dma_start3A_116 = arith.constant 0 : i32
    %dma_start3A_117 = tpu.memref_slice %arg16[%dma_start3A, %dma_start3A_116] : memref<2x512xi32, #tpu.memory_space<vmem>> -> memref<1x512xi32, #tpu.memory_space<vmem>>
    %dma_start3A_118 = tpu.memref_squeeze %dma_start3A_117 : memref<1x512xi32, #tpu.memory_space<vmem>> -> memref<512xi32, #tpu.memory_space<vmem>>
    %dma_start3A_119 = tpu.memref_slice %arg2[%multiple_of3A] : memref<3276800xi32, #tpu.memory_space<hbm>> -> memref<512xi32, #tpu.memory_space<hbm>>
    tpu.enqueue_dma source(%dma_start3A_119 : memref<512xi32, #tpu.memory_space<hbm>>) target(%dma_start3A_118 : memref<512xi32, #tpu.memory_space<vmem>>) target_semaphore(%arg24 : memref<!tpu.dma_semaphore, #tpu.memory_space<semaphore_mem>>)
    %dma_start3A_120 = arith.constant 0 : i32
    %dma_start3A_121 = arith.constant 0 : i32
    %dma_start3A_122 = tpu.memref_slice %arg17[%dma_start3A_120, %dma_start3A_121] : memref<2x512xi32, #tpu.memory_space<vmem>> -> memref<1x512xi32, #tpu.memory_space<vmem>>
    %dma_start3A_123 = tpu.memref_squeeze %dma_start3A_122 : memref<1x512xi32, #tpu.memory_space<vmem>> -> memref<512xi32, #tpu.memory_space<vmem>>
    %dma_start3A_124 = tpu.memref_slice %arg3[%multiple_of3A] : memref<3276800xi32, #tpu.memory_space<hbm>> -> memref<512xi32, #tpu.memory_space<hbm>>
    %dma_start3A_125 = arith.constant 0 : i32
    %dma_start3A_126 = tpu.memref_slice %arg17[%dma_start3A_120, %dma_start3A_125] : memref<2x512xi32, #tpu.memory_space<vmem>> -> memref<1x512xi32, #tpu.memory_space<vmem>>
    %dma_start3A_127 = tpu.memref_squeeze %dma_start3A_126 : memref<1x512xi32, #tpu.memory_space<vmem>> -> memref<512xi32, #tpu.memory_space<vmem>>
    %dma_start3A_128 = tpu.memref_slice %arg3[%multiple_of3A] : memref<3276800xi32, #tpu.memory_space<hbm>> -> memref<512xi32, #tpu.memory_space<hbm>>
    tpu.enqueue_dma source(%dma_start3A_128 : memref<512xi32, #tpu.memory_space<hbm>>) target(%dma_start3A_127 : memref<512xi32, #tpu.memory_space<vmem>>) target_semaphore(%arg24 : memref<!tpu.dma_semaphore, #tpu.memory_space<semaphore_mem>>)
    %dma_start3A_129 = arith.constant 0 : i32
    %dma_start3A_130 = arith.constant 0 : i32
    %dma_start3A_131 = tpu.memref_slice %arg18[%dma_start3A_129, %dma_start3A_130] : memref<2x512xi32, #tpu.memory_space<vmem>> -> memref<1x512xi32, #tpu.memory_space<vmem>>
    %dma_start3A_132 = tpu.memref_squeeze %dma_start3A_131 : memref<1x512xi32, #tpu.memory_space<vmem>> -> memref<512xi32, #tpu.memory_space<vmem>>
    %dma_start3A_133 = tpu.memref_slice %arg4[%multiple_of3A] : memref<3276800xi32, #tpu.memory_space<hbm>> -> memref<512xi32, #tpu.memory_space<hbm>>
    %dma_start3A_134 = arith.constant 0 : i32
    %dma_start3A_135 = tpu.memref_slice %arg18[%dma_start3A_129, %dma_start3A_134] : memref<2x512xi32, #tpu.memory_space<vmem>> -> memref<1x512xi32, #tpu.memory_space<vmem>>
    %dma_start3A_136 = tpu.memref_squeeze %dma_start3A_135 : memref<1x512xi32, #tpu.memory_space<vmem>> -> memref<512xi32, #tpu.memory_space<vmem>>
    %dma_start3A_137 = tpu.memref_slice %arg4[%multiple_of3A] : memref<3276800xi32, #tpu.memory_space<hbm>> -> memref<512xi32, #tpu.memory_space<hbm>>
    tpu.enqueue_dma source(%dma_start3A_137 : memref<512xi32, #tpu.memory_space<hbm>>) target(%dma_start3A_136 : memref<512xi32, #tpu.memory_space<vmem>>) target_semaphore(%arg24 : memref<!tpu.dma_semaphore, #tpu.memory_space<semaphore_mem>>)
    %dma_start3A_138 = arith.constant 0 : i32
    %dma_start3A_139 = arith.constant 0 : i32
    %dma_start3A_140 = tpu.memref_slice %arg19[%dma_start3A_138, %dma_start3A_139] : memref<2x512xi32, #tpu.memory_space<vmem>> -> memref<1x512xi32, #tpu.memory_space<vmem>>
    %dma_start3A_141 = tpu.memref_squeeze %dma_start3A_140 : memref<1x512xi32, #tpu.memory_space<vmem>> -> memref<512xi32, #tpu.memory_space<vmem>>
    %dma_start3A_142 = tpu.memref_slice %arg5[%multiple_of3A] : memref<3276800xi32, #tpu.memory_space<hbm>> -> memref<512xi32, #tpu.memory_space<hbm>>
    %dma_start3A_143 = arith.constant 0 : i32
    %dma_start3A_144 = tpu.memref_slice %arg19[%dma_start3A_138, %dma_start3A_143] : memref<2x512xi32, #tpu.memory_space<vmem>> -> memref<1x512xi32, #tpu.memory_space<vmem>>
    %dma_start3A_145 = tpu.memref_squeeze %dma_start3A_144 : memref<1x512xi32, #tpu.memory_space<vmem>> -> memref<512xi32, #tpu.memory_space<vmem>>
    %dma_start3A_146 = tpu.memref_slice %arg5[%multiple_of3A] : memref<3276800xi32, #tpu.memory_space<hbm>> -> memref<512xi32, #tpu.memory_space<hbm>>
    tpu.enqueue_dma source(%dma_start3A_146 : memref<512xi32, #tpu.memory_space<hbm>>) target(%dma_start3A_145 : memref<512xi32, #tpu.memory_space<vmem>>) target_semaphore(%arg24 : memref<!tpu.dma_semaphore, #tpu.memory_space<semaphore_mem>>)
    %scan3A = arith.constant 0 : i32
    %scan3A_147 = arith.constant 0 : i32
    %scan3A_148 = arith.constant 200 : i32
    %scan3A_149 = arith.addi %scan3A_147, %scan3A_148 : i32
    %scan3A_150 = arith.constant 1 : i32
    %scan3A_151 = scf.for %scan3A_183 = %scan3A_147 to %scan3A_149 step %scan3A_150 iter_args(%scan3A_184 = %scan3A) -> (i32)  : i32 {
      %jit3A_185 = arith.constant 2 : i32
      %eq3A = arith.constant 0 : i32
      %eq3A_186 = arith.cmpi eq, %jit3A_185, %eq3A : i32
      %jit3A_187 = arith.constant 1 : i32
      %select_n3A_188 = arith.select %eq3A_186, %jit3A_187, %jit3A_185 : i32
      %rem3A_189 = arith.remsi %scan3A_183, %select_n3A_188 : i32
      %ne3A_190 = arith.constant 0 : i32
      %ne3A_191 = arith.cmpi ne, %rem3A_189, %ne3A_190 : i32
      %lt3A = arith.constant 0 : i32
      %lt3A_192 = arith.cmpi slt, %rem3A_189, %lt3A : i32
      %lt3A_193 = arith.constant 0 : i32
      %lt3A_194 = arith.cmpi slt, %select_n3A_188, %lt3A_193 : i32
      %ne3A_195 = arith.xori %lt3A_192, %lt3A_194 : i1
      %and3A_196 = arith.andi %ne3A_195, %ne3A_191 : i1
      %add3A_197 = arith.addi %rem3A_189, %select_n3A_188 : i32
      %select_n3A_198 = arith.select %and3A_196, %add3A_197, %rem3A_189 : i32
      %mul3A_199 = arith.constant 512 : i32
      %mul3A_200 = arith.muli %scan3A_183, %mul3A_199 : i32
      %add3A_201 = arith.addi %mul3A_109, %mul3A_200 : i32
      %multiple_of3A_202 = tpu.assume_multiple %add3A_201, 512 : i32
      %dma_wait3A_203 = arith.constant 0 : i32
      %dma_wait3A_204 = tpu.memref_slice %arg16[%select_n3A_198, %dma_wait3A_203] : memref<2x512xi32, #tpu.memory_space<vmem>> -> memref<1x512xi32, #tpu.memory_space<vmem>>
      %dma_wait3A_205 = tpu.memref_squeeze %dma_wait3A_204 : memref<1x512xi32, #tpu.memory_space<vmem>> -> memref<512xi32, #tpu.memory_space<vmem>>
      %dma_wait3A_206 = arith.constant 0 : i32
      %dma_wait3A_207 = tpu.memref_slice %arg2[%dma_wait3A_206] : memref<3276800xi32, #tpu.memory_space<hbm>> -> memref<512xi32, #tpu.memory_space<hbm>>
      %dma_wait3A_208 = arith.constant 0 : i32
      %dma_wait3A_209 = tpu.memref_slice %arg16[%select_n3A_198, %dma_wait3A_208] : memref<2x512xi32, #tpu.memory_space<vmem>> -> memref<1x512xi32, #tpu.memory_space<vmem>>
      %dma_wait3A_210 = tpu.memref_squeeze %dma_wait3A_209 : memref<1x512xi32, #tpu.memory_space<vmem>> -> memref<512xi32, #tpu.memory_space<vmem>>
      %dma_wait3A_211 = arith.constant 0 : i32
      %dma_wait3A_212 = tpu.memref_slice %arg2[%dma_wait3A_211] : memref<3276800xi32, #tpu.memory_space<hbm>> -> memref<512xi32, #tpu.memory_space<hbm>>
      tpu.wait_dma2 semaphore(%arg24 : memref<!tpu.dma_semaphore, #tpu.memory_space<semaphore_mem>>) src(%dma_wait3A_212 : memref<512xi32, #tpu.memory_space<hbm>>) dst(%dma_wait3A_210 : memref<512xi32, #tpu.memory_space<vmem>>)
      %dma_wait3A_213 = arith.constant 0 : i32
      %dma_wait3A_214 = tpu.memref_slice %arg17[%select_n3A_198, %dma_wait3A_213] : memref<2x512xi32, #tpu.memory_space<vmem>> -> memref<1x512xi32, #tpu.memory_space<vmem>>
      %dma_wait3A_215 = tpu.memref_squeeze %dma_wait3A_214 : memref<1x512xi32, #tpu.memory_space<vmem>> -> memref<512xi32, #tpu.memory_space<vmem>>
      %dma_wait3A_216 = arith.constant 0 : i32
      %dma_wait3A_217 = tpu.memref_slice %arg2[%dma_wait3A_216] : memref<3276800xi32, #tpu.memory_space<hbm>> -> memref<512xi32, #tpu.memory_space<hbm>>
      %dma_wait3A_218 = arith.constant 0 : i32
      %dma_wait3A_219 = tpu.memref_slice %arg17[%select_n3A_198, %dma_wait3A_218] : memref<2x512xi32, #tpu.memory_space<vmem>> -> memref<1x512xi32, #tpu.memory_space<vmem>>
      %dma_wait3A_220 = tpu.memref_squeeze %dma_wait3A_219 : memref<1x512xi32, #tpu.memory_space<vmem>> -> memref<512xi32, #tpu.memory_space<vmem>>
      %dma_wait3A_221 = arith.constant 0 : i32
      %dma_wait3A_222 = tpu.memref_slice %arg2[%dma_wait3A_221] : memref<3276800xi32, #tpu.memory_space<hbm>> -> memref<512xi32, #tpu.memory_space<hbm>>
      tpu.wait_dma2 semaphore(%arg24 : memref<!tpu.dma_semaphore, #tpu.memory_space<semaphore_mem>>) src(%dma_wait3A_222 : memref<512xi32, #tpu.memory_space<hbm>>) dst(%dma_wait3A_220 : memref<512xi32, #tpu.memory_space<vmem>>)
      %dma_wait3A_223 = arith.constant 0 : i32
      %dma_wait3A_224 = tpu.memref_slice %arg18[%select_n3A_198, %dma_wait3A_223] : memref<2x512xi32, #tpu.memory_space<vmem>> -> memref<1x512xi32, #tpu.memory_space<vmem>>
      %dma_wait3A_225 = tpu.memref_squeeze %dma_wait3A_224 : memref<1x512xi32, #tpu.memory_space<vmem>> -> memref<512xi32, #tpu.memory_space<vmem>>
      %dma_wait3A_226 = arith.constant 0 : i32
      %dma_wait3A_227 = tpu.memref_slice %arg2[%dma_wait3A_226] : memref<3276800xi32, #tpu.memory_space<hbm>> -> memref<512xi32, #tpu.memory_space<hbm>>
      %dma_wait3A_228 = arith.constant 0 : i32
      %dma_wait3A_229 = tpu.memref_slice %arg18[%select_n3A_198, %dma_wait3A_228] : memref<2x512xi32, #tpu.memory_space<vmem>> -> memref<1x512xi32, #tpu.memory_space<vmem>>
      %dma_wait3A_230 = tpu.memref_squeeze %dma_wait3A_229 : memref<1x512xi32, #tpu.memory_space<vmem>> -> memref<512xi32, #tpu.memory_space<vmem>>
      %dma_wait3A_231 = arith.constant 0 : i32
      %dma_wait3A_232 = tpu.memref_slice %arg2[%dma_wait3A_231] : memref<3276800xi32, #tpu.memory_space<hbm>> -> memref<512xi32, #tpu.memory_space<hbm>>
      tpu.wait_dma2 semaphore(%arg24 : memref<!tpu.dma_semaphore, #tpu.memory_space<semaphore_mem>>) src(%dma_wait3A_232 : memref<512xi32, #tpu.memory_space<hbm>>) dst(%dma_wait3A_230 : memref<512xi32, #tpu.memory_space<vmem>>)
      %dma_wait3A_233 = arith.constant 0 : i32
      %dma_wait3A_234 = tpu.memref_slice %arg19[%select_n3A_198, %dma_wait3A_233] : memref<2x512xi32, #tpu.memory_space<vmem>> -> memref<1x512xi32, #tpu.memory_space<vmem>>
      %dma_wait3A_235 = tpu.memref_squeeze %dma_wait3A_234 : memref<1x512xi32, #tpu.memory_space<vmem>> -> memref<512xi32, #tpu.memory_space<vmem>>
      %dma_wait3A_236 = arith.constant 0 : i32
      %dma_wait3A_237 = tpu.memref_slice %arg2[%dma_wait3A_236] : memref<3276800xi32, #tpu.memory_space<hbm>> -> memref<512xi32, #tpu.memory_space<hbm>>
      %dma_wait3A_238 = arith.constant 0 : i32
      %dma_wait3A_239 = tpu.memref_slice %arg19[%select_n3A_198, %dma_wait3A_238] : memref<2x512xi32, #tpu.memory_space<vmem>> -> memref<1x512xi32, #tpu.memory_space<vmem>>
      %dma_wait3A_240 = tpu.memref_squeeze %dma_wait3A_239 : memref<1x512xi32, #tpu.memory_space<vmem>> -> memref<512xi32, #tpu.memory_space<vmem>>
      %dma_wait3A_241 = arith.constant 0 : i32
      %dma_wait3A_242 = tpu.memref_slice %arg2[%dma_wait3A_241] : memref<3276800xi32, #tpu.memory_space<hbm>> -> memref<512xi32, #tpu.memory_space<hbm>>
      tpu.wait_dma2 semaphore(%arg24 : memref<!tpu.dma_semaphore, #tpu.memory_space<semaphore_mem>>) src(%dma_wait3A_242 : memref<512xi32, #tpu.memory_space<hbm>>) dst(%dma_wait3A_240 : memref<512xi32, #tpu.memory_space<vmem>>)
      %add3A_243 = arith.constant 1 : i32
      %add3A_244 = arith.addi %scan3A_183, %add3A_243 : i32
      %lt3A_245 = arith.constant 200 : i32
      %lt3A_246 = arith.cmpi slt, %add3A_244, %lt3A_245 : i32
      %convert_element_type3A = arith.extui %lt3A_246 : i1 to i32
      %cond3A = arith.constant 0 : i32
      %cond3A_247 = arith.cmpi ne, %convert_element_type3A, %cond3A : i32
      scf.if %cond3A_247 {
        %add3A_1599 = arith.constant 1 : i32
        %add3A_1600 = arith.addi %scan3A_183, %add3A_1599 : i32
        %sub3A_1601 = arith.constant 1 : i32
        %sub3A_1602 = arith.subi %sub3A_1601, %select_n3A_198 : i32
        %mul3A_1603 = arith.constant 512 : i32
        %mul3A_1604 = arith.muli %add3A_1600, %mul3A_1603 : i32
        %add3A_1605 = arith.addi %mul3A_109, %mul3A_1604 : i32
        %multiple_of3A_1606 = tpu.assume_multiple %add3A_1605, 512 : i32
        %dma_start3A_1607 = arith.constant 0 : i32
        %dma_start3A_1608 = tpu.memref_slice %arg16[%sub3A_1602, %dma_start3A_1607] : memref<2x512xi32, #tpu.memory_space<vmem>> -> memref<1x512xi32, #tpu.memory_space<vmem>>
        %dma_start3A_1609 = tpu.memref_squeeze %dma_start3A_1608 : memref<1x512xi32, #tpu.memory_space<vmem>> -> memref<512xi32, #tpu.memory_space<vmem>>
        %dma_start3A_1610 = tpu.memref_slice %arg2[%multiple_of3A_1606] : memref<3276800xi32, #tpu.memory_space<hbm>> -> memref<512xi32, #tpu.memory_space<hbm>>
        %dma_start3A_1611 = arith.constant 0 : i32
        %dma_start3A_1612 = tpu.memref_slice %arg16[%sub3A_1602, %dma_start3A_1611] : memref<2x512xi32, #tpu.memory_space<vmem>> -> memref<1x512xi32, #tpu.memory_space<vmem>>
        %dma_start3A_1613 = tpu.memref_squeeze %dma_start3A_1612 : memref<1x512xi32, #tpu.memory_space<vmem>> -> memref<512xi32, #tpu.memory_space<vmem>>
        %dma_start3A_1614 = tpu.memref_slice %arg2[%multiple_of3A_1606] : memref<3276800xi32, #tpu.memory_space<hbm>> -> memref<512xi32, #tpu.memory_space<hbm>>
        tpu.enqueue_dma source(%dma_start3A_1614 : memref<512xi32, #tpu.memory_space<hbm>>) target(%dma_start3A_1613 : memref<512xi32, #tpu.memory_space<vmem>>) target_semaphore(%arg24 : memref<!tpu.dma_semaphore, #tpu.memory_space<semaphore_mem>>)
        %dma_start3A_1615 = arith.constant 0 : i32
        %dma_start3A_1616 = tpu.memref_slice %arg17[%sub3A_1602, %dma_start3A_1615] : memref<2x512xi32, #tpu.memory_space<vmem>> -> memref<1x512xi32, #tpu.memory_space<vmem>>
        %dma_start3A_1617 = tpu.memref_squeeze %dma_start3A_1616 : memref<1x512xi32, #tpu.memory_space<vmem>> -> memref<512xi32, #tpu.memory_space<vmem>>
        %dma_start3A_1618 = tpu.memref_slice %arg3[%multiple_of3A_1606] : memref<3276800xi32, #tpu.memory_space<hbm>> -> memref<512xi32, #tpu.memory_space<hbm>>
        %dma_start3A_1619 = arith.constant 0 : i32
        %dma_start3A_1620 = tpu.memref_slice %arg17[%sub3A_1602, %dma_start3A_1619] : memref<2x512xi32, #tpu.memory_space<vmem>> -> memref<1x512xi32, #tpu.memory_space<vmem>>
        %dma_start3A_1621 = tpu.memref_squeeze %dma_start3A_1620 : memref<1x512xi32, #tpu.memory_space<vmem>> -> memref<512xi32, #tpu.memory_space<vmem>>
        %dma_start3A_1622 = tpu.memref_slice %arg3[%multiple_of3A_1606] : memref<3276800xi32, #tpu.memory_space<hbm>> -> memref<512xi32, #tpu.memory_space<hbm>>
        tpu.enqueue_dma source(%dma_start3A_1622 : memref<512xi32, #tpu.memory_space<hbm>>) target(%dma_start3A_1621 : memref<512xi32, #tpu.memory_space<vmem>>) target_semaphore(%arg24 : memref<!tpu.dma_semaphore, #tpu.memory_space<semaphore_mem>>)
        %dma_start3A_1623 = arith.constant 0 : i32
        %dma_start3A_1624 = tpu.memref_slice %arg18[%sub3A_1602, %dma_start3A_1623] : memref<2x512xi32, #tpu.memory_space<vmem>> -> memref<1x512xi32, #tpu.memory_space<vmem>>
        %dma_start3A_1625 = tpu.memref_squeeze %dma_start3A_1624 : memref<1x512xi32, #tpu.memory_space<vmem>> -> memref<512xi32, #tpu.memory_space<vmem>>
        %dma_start3A_1626 = tpu.memref_slice %arg4[%multiple_of3A_1606] : memref<3276800xi32, #tpu.memory_space<hbm>> -> memref<512xi32, #tpu.memory_space<hbm>>
        %dma_start3A_1627 = arith.constant 0 : i32
        %dma_start3A_1628 = tpu.memref_slice %arg18[%sub3A_1602, %dma_start3A_1627] : memref<2x512xi32, #tpu.memory_space<vmem>> -> memref<1x512xi32, #tpu.memory_space<vmem>>
        %dma_start3A_1629 = tpu.memref_squeeze %dma_start3A_1628 : memref<1x512xi32, #tpu.memory_space<vmem>> -> memref<512xi32, #tpu.memory_space<vmem>>
        %dma_start3A_1630 = tpu.memref_slice %arg4[%multiple_of3A_1606] : memref<3276800xi32, #tpu.memory_space<hbm>> -> memref<512xi32, #tpu.memory_space<hbm>>
        tpu.enqueue_dma source(%dma_start3A_1630 : memref<512xi32, #tpu.memory_space<hbm>>) target(%dma_start3A_1629 : memref<512xi32, #tpu.memory_space<vmem>>) target_semaphore(%arg24 : memref<!tpu.dma_semaphore, #tpu.memory_space<semaphore_mem>>)
        %dma_start3A_1631 = arith.constant 0 : i32
        %dma_start3A_1632 = tpu.memref_slice %arg19[%sub3A_1602, %dma_start3A_1631] : memref<2x512xi32, #tpu.memory_space<vmem>> -> memref<1x512xi32, #tpu.memory_space<vmem>>
        %dma_start3A_1633 = tpu.memref_squeeze %dma_start3A_1632 : memref<1x512xi32, #tpu.memory_space<vmem>> -> memref<512xi32, #tpu.memory_space<vmem>>
        %dma_start3A_1634 = tpu.memref_slice %arg5[%multiple_of3A_1606] : memref<3276800xi32, #tpu.memory_space<hbm>> -> memref<512xi32, #tpu.memory_space<hbm>>
        %dma_start3A_1635 = arith.constant 0 : i32
        %dma_start3A_1636 = tpu.memref_slice %arg19[%sub3A_1602, %dma_start3A_1635] : memref<2x512xi32, #tpu.memory_space<vmem>> -> memref<1x512xi32, #tpu.memory_space<vmem>>
        %dma_start3A_1637 = tpu.memref_squeeze %dma_start3A_1636 : memref<1x512xi32, #tpu.memory_space<vmem>> -> memref<512xi32, #tpu.memory_space<vmem>>
        %dma_start3A_1638 = tpu.memref_slice %arg5[%multiple_of3A_1606] : memref<3276800xi32, #tpu.memory_space<hbm>> -> memref<512xi32, #tpu.memory_space<hbm>>
        tpu.enqueue_dma source(%dma_start3A_1638 : memref<512xi32, #tpu.memory_space<hbm>>) target(%dma_start3A_1637 : memref<512xi32, #tpu.memory_space<vmem>>) target_semaphore(%arg24 : memref<!tpu.dma_semaphore, #tpu.memory_space<semaphore_mem>>)
      } else {
      }
      %scan3A_248 = arith.constant 0 : i32
      %scan3A_249 = arith.constant 0 : i32
      %mul3A_250 = arith.constant 16 : i32
      %mul3A_251 = arith.muli %scan3A_249, %mul3A_250 : i32
      %add3A_252 = arith.constant 0 : i32
      %add3A_253 = arith.addi %add3A_252, %mul3A_251 : i32
      %get3A = arith.index_cast %select_n3A_198 : i32 to index
      %get3A_254 = arith.index_cast %add3A_253 : i32 to index
      %get3A_255 = tpu.vector_load %arg16[%get3A, %get3A_254] {strides = array<i32>} : memref<2x512xi32, #tpu.memory_space<vmem>>, vector<16xi32>,
      %mul3A_256 = arith.constant 2184 : i32
      %mul3A_257 = vector.broadcast %mul3A_256 : i32 to vector<16xi32>
      %mul3A_258 = arith.muli %get3A_255, %mul3A_257 : vector<16xi32>
      %get3A_259 = arith.index_cast %select_n3A_198 : i32 to index
      %get3A_260 = arith.index_cast %add3A_253 : i32 to index
      %get3A_261 = tpu.vector_load %arg17[%get3A_259, %get3A_260] {strides = array<i32>} : memref<2x512xi32, #tpu.memory_space<vmem>>, vector<16xi32>,
      %mul3A_262 = arith.constant 168 : i32
      %mul3A_263 = vector.broadcast %mul3A_262 : i32 to vector<16xi32>
      %mul3A_264 = arith.muli %get3A_261, %mul3A_263 : vector<16xi32>
      %add3A_265 = arith.addi %mul3A_258, %mul3A_264 : vector<16xi32>
      %get3A_266 = arith.index_cast %select_n3A_198 : i32 to index
      %get3A_267 = arith.index_cast %add3A_253 : i32 to index
      %get3A_268 = tpu.vector_load %arg18[%get3A_266, %get3A_267] {strides = array<i32>} : memref<2x512xi32, #tpu.memory_space<vmem>>, vector<16xi32>,
      %mul3A_269 = arith.constant 24 : i32
      %mul3A_270 = vector.broadcast %mul3A_269 : i32 to vector<16xi32>
      %mul3A_271 = arith.muli %get3A_268, %mul3A_270 : vector<16xi32>
      %add3A_272 = arith.addi %add3A_265, %mul3A_271 : vector<16xi32>
      %get3A_273 = arith.index_cast %select_n3A_198 : i32 to index
      %get3A_274 = arith.index_cast %add3A_253 : i32 to index
      %get3A_275 = tpu.vector_load %arg19[%get3A_273, %get3A_274] {strides = array<i32>} : memref<2x512xi32, #tpu.memory_space<vmem>>, vector<16xi32>,
      %add3A_276 = arith.addi %add3A_272, %get3A_275 : vector<16xi32>
      %mul3A_277 = arith.constant 16 : i32
      %mul3A_278 = arith.muli %scan3A_249, %mul3A_277 : i32
      %swap3A = arith.constant 0 : i32
      %swap3A_279 = arith.index_cast %select_n3A_198 : i32 to index
      %swap3A_280 = arith.index_cast %swap3A : i32 to index
      %swap3A_281 = arith.index_cast %mul3A_278 : i32 to index
      %swap3A_282 = tpu.vector_load %arg20[%swap3A_279, %swap3A_280, %swap3A_281] {strides = array<i32>} : memref<2x4x128xi32, #tpu.memory_space<vmem>>, vector<16xi32>,
      tpu.vector_store %arg20[%swap3A_279, %swap3A_280, %swap3A_281], %add3A_276 {strides = array<i32>} : memref<2x4x128xi32, #tpu.memory_space<vmem>>, vector<16xi32>,
      %scan3A_283 = arith.constant 0 : i32
      %scan3A_284 = arith.constant 1 : i32
      %mul3A_285 = arith.constant 16 : i32
      %mul3A_286 = arith.muli %scan3A_284, %mul3A_285 : i32
      %add3A_287 = arith.constant 0 : i32
      %add3A_288 = arith.addi %add3A_287, %mul3A_286 : i32
      %get3A_289 = arith.index_cast %select_n3A_198 : i32 to index
      %get3A_290 = arith.index_cast %add3A_288 : i32 to index
      %get3A_291 = tpu.vector_load %arg16[%get3A_289, %get3A_290] {strides = array<i32>} : memref<2x512xi32, #tpu.memory_space<vmem>>, vector<16xi32>,
      %mul3A_292 = arith.constant 2184 : i32
      %mul3A_293 = vector.broadcast %mul3A_292 : i32 to vector<16xi32>
      %mul3A_294 = arith.muli %get3A_291, %mul3A_293 : vector<16xi32>
      %get3A_295 = arith.index_cast %select_n3A_198 : i32 to index
      %get3A_296 = arith.index_cast %add3A_288 : i32 to index
      %get3A_297 = tpu.vector_load %arg17[%get3A_295, %get3A_296] {strides = array<i32>} : memref<2x512xi32, #tpu.memory_space<vmem>>, vector<16xi32>,
      %mul3A_298 = arith.constant 168 : i32
      %mul3A_299 = vector.broadcast %mul3A_298 : i32 to vector<16xi32>
      %mul3A_300 = arith.muli %get3A_297, %mul3A_299 : vector<16xi32>
      %add3A_301 = arith.addi %mul3A_294, %mul3A_300 : vector<16xi32>
      %get3A_302 = arith.index_cast %select_n3A_198 : i32 to index
      %get3A_303 = arith.index_cast %add3A_288 : i32 to index
      %get3A_304 = tpu.vector_load %arg18[%get3A_302, %get3A_303] {strides = array<i32>} : memref<2x512xi32, #tpu.memory_space<vmem>>, vector<16xi32>,
      %mul3A_305 = arith.constant 24 : i32
      %mul3A_306 = vector.broadcast %mul3A_305 : i32 to vector<16xi32>
      %mul3A_307 = arith.muli %get3A_304, %mul3A_306 : vector<16xi32>
      %add3A_308 = arith.addi %add3A_301, %mul3A_307 : vector<16xi32>
      %get3A_309 = arith.index_cast %select_n3A_198 : i32 to index
      %get3A_310 = arith.index_cast %add3A_288 : i32 to index
      %get3A_311 = tpu.vector_load %arg19[%get3A_309, %get3A_310] {strides = array<i32>} : memref<2x512xi32, #tpu.memory_space<vmem>>, vector<16xi32>,
      %add3A_312 = arith.addi %add3A_308, %get3A_311 : vector<16xi32>
      %mul3A_313 = arith.constant 16 : i32
      %mul3A_314 = arith.muli %scan3A_284, %mul3A_313 : i32
      %swap3A_315 = arith.constant 0 : i32
      %swap3A_316 = arith.index_cast %select_n3A_198 : i32 to index
      %swap3A_317 = arith.index_cast %swap3A_315 : i32 to index
      %swap3A_318 = arith.index_cast %mul3A_314 : i32 to index
      %swap3A_319 = tpu.vector_load %arg20[%swap3A_316, %swap3A_317, %swap3A_318] {strides = array<i32>} : memref<2x4x128xi32, #tpu.memory_space<vmem>>, vector<16xi32>,
      tpu.vector_store %arg20[%swap3A_316, %swap3A_317, %swap3A_318], %add3A_312 {strides = array<i32>} : memref<2x4x128xi32, #tpu.memory_space<vmem>>, vector<16xi32>,
      %scan3A_320 = arith.constant 0 : i32
      %scan3A_321 = arith.constant 2 : i32
      %mul3A_322 = arith.constant 16 : i32
      %mul3A_323 = arith.muli %scan3A_321, %mul3A_322 : i32
      %add3A_324 = arith.constant 0 : i32
      %add3A_325 = arith.addi %add3A_324, %mul3A_323 : i32
      %get3A_326 = arith.index_cast %select_n3A_198 : i32 to index
      %get3A_327 = arith.index_cast %add3A_325 : i32 to index
      %get3A_328 = tpu.vector_load %arg16[%get3A_326, %get3A_327] {strides = array<i32>} : memref<2x512xi32, #tpu.memory_space<vmem>>, vector<16xi32>,
      %mul3A_329 = arith.constant 2184 : i32
      %mul3A_330 = vector.broadcast %mul3A_329 : i32 to vector<16xi32>
      %mul3A_331 = arith.muli %get3A_328, %mul3A_330 : vector<16xi32>
      %get3A_332 = arith.index_cast %select_n3A_198 : i32 to index
      %get3A_333 = arith.index_cast %add3A_325 : i32 to index
      %get3A_334 = tpu.vector_load %arg17[%get3A_332, %get3A_333] {strides = array<i32>} : memref<2x512xi32, #tpu.memory_space<vmem>>, vector<16xi32>,
      %mul3A_335 = arith.constant 168 : i32
      %mul3A_336 = vector.broadcast %mul3A_335 : i32 to vector<16xi32>
      %mul3A_337 = arith.muli %get3A_334, %mul3A_336 : vector<16xi32>
      %add3A_338 = arith.addi %mul3A_331, %mul3A_337 : vector<16xi32>
      %get3A_339 = arith.index_cast %select_n3A_198 : i32 to index
      %get3A_340 = arith.index_cast %add3A_325 : i32 to index
      %get3A_341 = tpu.vector_load %arg18[%get3A_339, %get3A_340] {strides = array<i32>} : memref<2x512xi32, #tpu.memory_space<vmem>>, vector<16xi32>,
      %mul3A_342 = arith.constant 24 : i32
      %mul3A_343 = vector.broadcast %mul3A_342 : i32 to vector<16xi32>
      %mul3A_344 = arith.muli %get3A_341, %mul3A_343 : vector<16xi32>
      %add3A_345 = arith.addi %add3A_338, %mul3A_344 : vector<16xi32>
      %get3A_346 = arith.index_cast %select_n3A_198 : i32 to index
      %get3A_347 = arith.index_cast %add3A_325 : i32 to index
      %get3A_348 = tpu.vector_load %arg19[%get3A_346, %get3A_347] {strides = array<i32>} : memref<2x512xi32, #tpu.memory_space<vmem>>, vector<16xi32>,
      %add3A_349 = arith.addi %add3A_345, %get3A_348 : vector<16xi32>
      %mul3A_350 = arith.constant 16 : i32
      %mul3A_351 = arith.muli %scan3A_321, %mul3A_350 : i32
      %swap3A_352 = arith.constant 0 : i32
      %swap3A_353 = arith.index_cast %select_n3A_198 : i32 to index
      %swap3A_354 = arith.index_cast %swap3A_352 : i32 to index
      %swap3A_355 = arith.index_cast %mul3A_351 : i32 to index
      %swap3A_356 = tpu.vector_load %arg20[%swap3A_353, %swap3A_354, %swap3A_355] {strides = array<i32>} : memref<2x4x128xi32, #tpu.memory_space<vmem>>, vector<16xi32>,
      tpu.vector_store %arg20[%swap3A_353, %swap3A_354, %swap3A_355], %add3A_349 {strides = array<i32>} : memref<2x4x128xi32, #tpu.memory_space<vmem>>, vector<16xi32>,
      %scan3A_357 = arith.constant 0 : i32
      %scan3A_358 = arith.constant 3 : i32
      %mul3A_359 = arith.constant 16 : i32
      %mul3A_360 = arith.muli %scan3A_358, %mul3A_359 : i32
      %add3A_361 = arith.constant 0 : i32
      %add3A_362 = arith.addi %add3A_361, %mul3A_360 : i32
      %get3A_363 = arith.index_cast %select_n3A_198 : i32 to index
      %get3A_364 = arith.index_cast %add3A_362 : i32 to index
      %get3A_365 = tpu.vector_load %arg16[%get3A_363, %get3A_364] {strides = array<i32>} : memref<2x512xi32, #tpu.memory_space<vmem>>, vector<16xi32>,
      %mul3A_366 = arith.constant 2184 : i32
      %mul3A_367 = vector.broadcast %mul3A_366 : i32 to vector<16xi32>
      %mul3A_368 = arith.muli %get3A_365, %mul3A_367 : vector<16xi32>
      %get3A_369 = arith.index_cast %select_n3A_198 : i32 to index
      %get3A_370 = arith.index_cast %add3A_362 : i32 to index
      %get3A_371 = tpu.vector_load %arg17[%get3A_369, %get3A_370] {strides = array<i32>} : memref<2x512xi32, #tpu.memory_space<vmem>>, vector<16xi32>,
      %mul3A_372 = arith.constant 168 : i32
      %mul3A_373 = vector.broadcast %mul3A_372 : i32 to vector<16xi32>
      %mul3A_374 = arith.muli %get3A_371, %mul3A_373 : vector<16xi32>
      %add3A_375 = arith.addi %mul3A_368, %mul3A_374 : vector<16xi32>
      %get3A_376 = arith.index_cast %select_n3A_198 : i32 to index
      %get3A_377 = arith.index_cast %add3A_362 : i32 to index
      %get3A_378 = tpu.vector_load %arg18[%get3A_376, %get3A_377] {strides = array<i32>} : memref<2x512xi32, #tpu.memory_space<vmem>>, vector<16xi32>,
      %mul3A_379 = arith.constant 24 : i32
      %mul3A_380 = vector.broadcast %mul3A_379 : i32 to vector<16xi32>
      %mul3A_381 = arith.muli %get3A_378, %mul3A_380 : vector<16xi32>
      %add3A_382 = arith.addi %add3A_375, %mul3A_381 : vector<16xi32>
      %get3A_383 = arith.index_cast %select_n3A_198 : i32 to index
      %get3A_384 = arith.index_cast %add3A_362 : i32 to index
      %get3A_385 = tpu.vector_load %arg19[%get3A_383, %get3A_384] {strides = array<i32>} : memref<2x512xi32, #tpu.memory_space<vmem>>, vector<16xi32>,
      %add3A_386 = arith.addi %add3A_382, %get3A_385 : vector<16xi32>
      %mul3A_387 = arith.constant 16 : i32
      %mul3A_388 = arith.muli %scan3A_358, %mul3A_387 : i32
      %swap3A_389 = arith.constant 0 : i32
      %swap3A_390 = arith.index_cast %select_n3A_198 : i32 to index
      %swap3A_391 = arith.index_cast %swap3A_389 : i32 to index
      %swap3A_392 = arith.index_cast %mul3A_388 : i32 to index
      %swap3A_393 = tpu.vector_load %arg20[%swap3A_390, %swap3A_391, %swap3A_392] {strides = array<i32>} : memref<2x4x128xi32, #tpu.memory_space<vmem>>, vector<16xi32>,
      tpu.vector_store %arg20[%swap3A_390, %swap3A_391, %swap3A_392], %add3A_386 {strides = array<i32>} : memref<2x4x128xi32, #tpu.memory_space<vmem>>, vector<16xi32>,
      %scan3A_394 = arith.constant 0 : i32
      %scan3A_395 = arith.constant 4 : i32
      %mul3A_396 = arith.constant 16 : i32
      %mul3A_397 = arith.muli %scan3A_395, %mul3A_396 : i32
      %add3A_398 = arith.constant 0 : i32
      %add3A_399 = arith.addi %add3A_398, %mul3A_397 : i32
      %get3A_400 = arith.index_cast %select_n3A_198 : i32 to index
      %get3A_401 = arith.index_cast %add3A_399 : i32 to index
      %get3A_402 = tpu.vector_load %arg16[%get3A_400, %get3A_401] {strides = array<i32>} : memref<2x512xi32, #tpu.memory_space<vmem>>, vector<16xi32>,
      %mul3A_403 = arith.constant 2184 : i32
      %mul3A_404 = vector.broadcast %mul3A_403 : i32 to vector<16xi32>
      %mul3A_405 = arith.muli %get3A_402, %mul3A_404 : vector<16xi32>
      %get3A_406 = arith.index_cast %select_n3A_198 : i32 to index
      %get3A_407 = arith.index_cast %add3A_399 : i32 to index
      %get3A_408 = tpu.vector_load %arg17[%get3A_406, %get3A_407] {strides = array<i32>} : memref<2x512xi32, #tpu.memory_space<vmem>>, vector<16xi32>,
      %mul3A_409 = arith.constant 168 : i32
      %mul3A_410 = vector.broadcast %mul3A_409 : i32 to vector<16xi32>
      %mul3A_411 = arith.muli %get3A_408, %mul3A_410 : vector<16xi32>
      %add3A_412 = arith.addi %mul3A_405, %mul3A_411 : vector<16xi32>
      %get3A_413 = arith.index_cast %select_n3A_198 : i32 to index
      %get3A_414 = arith.index_cast %add3A_399 : i32 to index
      %get3A_415 = tpu.vector_load %arg18[%get3A_413, %get3A_414] {strides = array<i32>} : memref<2x512xi32, #tpu.memory_space<vmem>>, vector<16xi32>,
      %mul3A_416 = arith.constant 24 : i32
      %mul3A_417 = vector.broadcast %mul3A_416 : i32 to vector<16xi32>
      %mul3A_418 = arith.muli %get3A_415, %mul3A_417 : vector<16xi32>
      %add3A_419 = arith.addi %add3A_412, %mul3A_418 : vector<16xi32>
      %get3A_420 = arith.index_cast %select_n3A_198 : i32 to index
      %get3A_421 = arith.index_cast %add3A_399 : i32 to index
      %get3A_422 = tpu.vector_load %arg19[%get3A_420, %get3A_421] {strides = array<i32>} : memref<2x512xi32, #tpu.memory_space<vmem>>, vector<16xi32>,
      %add3A_423 = arith.addi %add3A_419, %get3A_422 : vector<16xi32>
      %mul3A_424 = arith.constant 16 : i32
      %mul3A_425 = arith.muli %scan3A_395, %mul3A_424 : i32
      %swap3A_426 = arith.constant 0 : i32
      %swap3A_427 = arith.index_cast %select_n3A_198 : i32 to index
      %swap3A_428 = arith.index_cast %swap3A_426 : i32 to index
      %swap3A_429 = arith.index_cast %mul3A_425 : i32 to index
      %swap3A_430 = tpu.vector_load %arg20[%swap3A_427, %swap3A_428, %swap3A_429] {strides = array<i32>} : memref<2x4x128xi32, #tpu.memory_space<vmem>>, vector<16xi32>,
      tpu.vector_store %arg20[%swap3A_427, %swap3A_428, %swap3A_429], %add3A_423 {strides = array<i32>} : memref<2x4x128xi32, #tpu.memory_space<vmem>>, vector<16xi32>,
      %scan3A_431 = arith.constant 0 : i32
      %scan3A_432 = arith.constant 5 : i32
      %mul3A_433 = arith.constant 16 : i32
      %mul3A_434 = arith.muli %scan3A_432, %mul3A_433 : i32
      %add3A_435 = arith.constant 0 : i32
      %add3A_436 = arith.addi %add3A_435, %mul3A_434 : i32
      %get3A_437 = arith.index_cast %select_n3A_198 : i32 to index
      %get3A_438 = arith.index_cast %add3A_436 : i32 to index
      %get3A_439 = tpu.vector_load %arg16[%get3A_437, %get3A_438] {strides = array<i32>} : memref<2x512xi32, #tpu.memory_space<vmem>>, vector<16xi32>,
      %mul3A_440 = arith.constant 2184 : i32
      %mul3A_441 = vector.broadcast %mul3A_440 : i32 to vector<16xi32>
      %mul3A_442 = arith.muli %get3A_439, %mul3A_441 : vector<16xi32>
      %get3A_443 = arith.index_cast %select_n3A_198 : i32 to index
      %get3A_444 = arith.index_cast %add3A_436 : i32 to index
      %get3A_445 = tpu.vector_load %arg17[%get3A_443, %get3A_444] {strides = array<i32>} : memref<2x512xi32, #tpu.memory_space<vmem>>, vector<16xi32>,
      %mul3A_446 = arith.constant 168 : i32
      %mul3A_447 = vector.broadcast %mul3A_446 : i32 to vector<16xi32>
      %mul3A_448 = arith.muli %get3A_445, %mul3A_447 : vector<16xi32>
      %add3A_449 = arith.addi %mul3A_442, %mul3A_448 : vector<16xi32>
      %get3A_450 = arith.index_cast %select_n3A_198 : i32 to index
      %get3A_451 = arith.index_cast %add3A_436 : i32 to index
      %get3A_452 = tpu.vector_load %arg18[%get3A_450, %get3A_451] {strides = array<i32>} : memref<2x512xi32, #tpu.memory_space<vmem>>, vector<16xi32>,
      %mul3A_453 = arith.constant 24 : i32
      %mul3A_454 = vector.broadcast %mul3A_453 : i32 to vector<16xi32>
      %mul3A_455 = arith.muli %get3A_452, %mul3A_454 : vector<16xi32>
      %add3A_456 = arith.addi %add3A_449, %mul3A_455 : vector<16xi32>
      %get3A_457 = arith.index_cast %select_n3A_198 : i32 to index
      %get3A_458 = arith.index_cast %add3A_436 : i32 to index
      %get3A_459 = tpu.vector_load %arg19[%get3A_457, %get3A_458] {strides = array<i32>} : memref<2x512xi32, #tpu.memory_space<vmem>>, vector<16xi32>,
      %add3A_460 = arith.addi %add3A_456, %get3A_459 : vector<16xi32>
      %mul3A_461 = arith.constant 16 : i32
      %mul3A_462 = arith.muli %scan3A_432, %mul3A_461 : i32
      %swap3A_463 = arith.constant 0 : i32
      %swap3A_464 = arith.index_cast %select_n3A_198 : i32 to index
      %swap3A_465 = arith.index_cast %swap3A_463 : i32 to index
      %swap3A_466 = arith.index_cast %mul3A_462 : i32 to index
      %swap3A_467 = tpu.vector_load %arg20[%swap3A_464, %swap3A_465, %swap3A_466] {strides = array<i32>} : memref<2x4x128xi32, #tpu.memory_space<vmem>>, vector<16xi32>,
      tpu.vector_store %arg20[%swap3A_464, %swap3A_465, %swap3A_466], %add3A_460 {strides = array<i32>} : memref<2x4x128xi32, #tpu.memory_space<vmem>>, vector<16xi32>,
      %scan3A_468 = arith.constant 0 : i32
      %scan3A_469 = arith.constant 6 : i32
      %mul3A_470 = arith.constant 16 : i32
      %mul3A_471 = arith.muli %scan3A_469, %mul3A_470 : i32
      %add3A_472 = arith.constant 0 : i32
      %add3A_473 = arith.addi %add3A_472, %mul3A_471 : i32
      %get3A_474 = arith.index_cast %select_n3A_198 : i32 to index
      %get3A_475 = arith.index_cast %add3A_473 : i32 to index
      %get3A_476 = tpu.vector_load %arg16[%get3A_474, %get3A_475] {strides = array<i32>} : memref<2x512xi32, #tpu.memory_space<vmem>>, vector<16xi32>,
      %mul3A_477 = arith.constant 2184 : i32
      %mul3A_478 = vector.broadcast %mul3A_477 : i32 to vector<16xi32>
      %mul3A_479 = arith.muli %get3A_476, %mul3A_478 : vector<16xi32>
      %get3A_480 = arith.index_cast %select_n3A_198 : i32 to index
      %get3A_481 = arith.index_cast %add3A_473 : i32 to index
      %get3A_482 = tpu.vector_load %arg17[%get3A_480, %get3A_481] {strides = array<i32>} : memref<2x512xi32, #tpu.memory_space<vmem>>, vector<16xi32>,
      %mul3A_483 = arith.constant 168 : i32
      %mul3A_484 = vector.broadcast %mul3A_483 : i32 to vector<16xi32>
      %mul3A_485 = arith.muli %get3A_482, %mul3A_484 : vector<16xi32>
      %add3A_486 = arith.addi %mul3A_479, %mul3A_485 : vector<16xi32>
      %get3A_487 = arith.index_cast %select_n3A_198 : i32 to index
      %get3A_488 = arith.index_cast %add3A_473 : i32 to index
      %get3A_489 = tpu.vector_load %arg18[%get3A_487, %get3A_488] {strides = array<i32>} : memref<2x512xi32, #tpu.memory_space<vmem>>, vector<16xi32>,
      %mul3A_490 = arith.constant 24 : i32
      %mul3A_491 = vector.broadcast %mul3A_490 : i32 to vector<16xi32>
      %mul3A_492 = arith.muli %get3A_489, %mul3A_491 : vector<16xi32>
      %add3A_493 = arith.addi %add3A_486, %mul3A_492 : vector<16xi32>
      %get3A_494 = arith.index_cast %select_n3A_198 : i32 to index
      %get3A_495 = arith.index_cast %add3A_473 : i32 to index
      %get3A_496 = tpu.vector_load %arg19[%get3A_494, %get3A_495] {strides = array<i32>} : memref<2x512xi32, #tpu.memory_space<vmem>>, vector<16xi32>,
      %add3A_497 = arith.addi %add3A_493, %get3A_496 : vector<16xi32>
      %mul3A_498 = arith.constant 16 : i32
      %mul3A_499 = arith.muli %scan3A_469, %mul3A_498 : i32
      %swap3A_500 = arith.constant 0 : i32
      %swap3A_501 = arith.index_cast %select_n3A_198 : i32 to index
      %swap3A_502 = arith.index_cast %swap3A_500 : i32 to index
      %swap3A_503 = arith.index_cast %mul3A_499 : i32 to index
      %swap3A_504 = tpu.vector_load %arg20[%swap3A_501, %swap3A_502, %swap3A_503] {strides = array<i32>} : memref<2x4x128xi32, #tpu.memory_space<vmem>>, vector<16xi32>,
      tpu.vector_store %arg20[%swap3A_501, %swap3A_502, %swap3A_503], %add3A_497 {strides = array<i32>} : memref<2x4x128xi32, #tpu.memory_space<vmem>>, vector<16xi32>,
      %scan3A_505 = arith.constant 0 : i32
      %scan3A_506 = arith.constant 7 : i32
      %mul3A_507 = arith.constant 16 : i32
      %mul3A_508 = arith.muli %scan3A_506, %mul3A_507 : i32
      %add3A_509 = arith.constant 0 : i32
      %add3A_510 = arith.addi %add3A_509, %mul3A_508 : i32
      %get3A_511 = arith.index_cast %select_n3A_198 : i32 to index
      %get3A_512 = arith.index_cast %add3A_510 : i32 to index
      %get3A_513 = tpu.vector_load %arg16[%get3A_511, %get3A_512] {strides = array<i32>} : memref<2x512xi32, #tpu.memory_space<vmem>>, vector<16xi32>,
      %mul3A_514 = arith.constant 2184 : i32
      %mul3A_515 = vector.broadcast %mul3A_514 : i32 to vector<16xi32>
      %mul3A_516 = arith.muli %get3A_513, %mul3A_515 : vector<16xi32>
      %get3A_517 = arith.index_cast %select_n3A_198 : i32 to index
      %get3A_518 = arith.index_cast %add3A_510 : i32 to index
      %get3A_519 = tpu.vector_load %arg17[%get3A_517, %get3A_518] {strides = array<i32>} : memref<2x512xi32, #tpu.memory_space<vmem>>, vector<16xi32>,
      %mul3A_520 = arith.constant 168 : i32
      %mul3A_521 = vector.broadcast %mul3A_520 : i32 to vector<16xi32>
      %mul3A_522 = arith.muli %get3A_519, %mul3A_521 : vector<16xi32>
      %add3A_523 = arith.addi %mul3A_516, %mul3A_522 : vector<16xi32>
      %get3A_524 = arith.index_cast %select_n3A_198 : i32 to index
      %get3A_525 = arith.index_cast %add3A_510 : i32 to index
      %get3A_526 = tpu.vector_load %arg18[%get3A_524, %get3A_525] {strides = array<i32>} : memref<2x512xi32, #tpu.memory_space<vmem>>, vector<16xi32>,
      %mul3A_527 = arith.constant 24 : i32
      %mul3A_528 = vector.broadcast %mul3A_527 : i32 to vector<16xi32>
      %mul3A_529 = arith.muli %get3A_526, %mul3A_528 : vector<16xi32>
      %add3A_530 = arith.addi %add3A_523, %mul3A_529 : vector<16xi32>
      %get3A_531 = arith.index_cast %select_n3A_198 : i32 to index
      %get3A_532 = arith.index_cast %add3A_510 : i32 to index
      %get3A_533 = tpu.vector_load %arg19[%get3A_531, %get3A_532] {strides = array<i32>} : memref<2x512xi32, #tpu.memory_space<vmem>>, vector<16xi32>,
      %add3A_534 = arith.addi %add3A_530, %get3A_533 : vector<16xi32>
      %mul3A_535 = arith.constant 16 : i32
      %mul3A_536 = arith.muli %scan3A_506, %mul3A_535 : i32
      %swap3A_537 = arith.constant 0 : i32
      %swap3A_538 = arith.index_cast %select_n3A_198 : i32 to index
      %swap3A_539 = arith.index_cast %swap3A_537 : i32 to index
      %swap3A_540 = arith.index_cast %mul3A_536 : i32 to index
      %swap3A_541 = tpu.vector_load %arg20[%swap3A_538, %swap3A_539, %swap3A_540] {strides = array<i32>} : memref<2x4x128xi32, #tpu.memory_space<vmem>>, vector<16xi32>,
      tpu.vector_store %arg20[%swap3A_538, %swap3A_539, %swap3A_540], %add3A_534 {strides = array<i32>} : memref<2x4x128xi32, #tpu.memory_space<vmem>>, vector<16xi32>,
      %scan3A_542 = arith.constant 0 : i32
      %scan3A_543 = arith.constant 8 : i32
      %scan3A_544 = arith.constant 0 : i32
      %scan3A_545 = arith.constant 0 : i32
      %mul3A_546 = arith.constant 16 : i32
      %mul3A_547 = arith.muli %scan3A_545, %mul3A_546 : i32
      %add3A_548 = arith.constant 128 : i32
      %add3A_549 = arith.addi %add3A_548, %mul3A_547 : i32
      %get3A_550 = arith.index_cast %select_n3A_198 : i32 to index
      %get3A_551 = arith.index_cast %add3A_549 : i32 to index
      %get3A_552 = tpu.vector_load %arg16[%get3A_550, %get3A_551] {strides = array<i32>} : memref<2x512xi32, #tpu.memory_space<vmem>>, vector<16xi32>,
      %mul3A_553 = arith.constant 2184 : i32
      %mul3A_554 = vector.broadcast %mul3A_553 : i32 to vector<16xi32>
      %mul3A_555 = arith.muli %get3A_552, %mul3A_554 : vector<16xi32>
      %get3A_556 = arith.index_cast %select_n3A_198 : i32 to index
      %get3A_557 = arith.index_cast %add3A_549 : i32 to index
      %get3A_558 = tpu.vector_load %arg17[%get3A_556, %get3A_557] {strides = array<i32>} : memref<2x512xi32, #tpu.memory_space<vmem>>, vector<16xi32>,
      %mul3A_559 = arith.constant 168 : i32
      %mul3A_560 = vector.broadcast %mul3A_559 : i32 to vector<16xi32>
      %mul3A_561 = arith.muli %get3A_558, %mul3A_560 : vector<16xi32>
      %add3A_562 = arith.addi %mul3A_555, %mul3A_561 : vector<16xi32>
      %get3A_563 = arith.index_cast %select_n3A_198 : i32 to index
      %get3A_564 = arith.index_cast %add3A_549 : i32 to index
      %get3A_565 = tpu.vector_load %arg18[%get3A_563, %get3A_564] {strides = array<i32>} : memref<2x512xi32, #tpu.memory_space<vmem>>, vector<16xi32>,
      %mul3A_566 = arith.constant 24 : i32
      %mul3A_567 = vector.broadcast %mul3A_566 : i32 to vector<16xi32>
      %mul3A_568 = arith.muli %get3A_565, %mul3A_567 : vector<16xi32>
      %add3A_569 = arith.addi %add3A_562, %mul3A_568 : vector<16xi32>
      %get3A_570 = arith.index_cast %select_n3A_198 : i32 to index
      %get3A_571 = arith.index_cast %add3A_549 : i32 to index
      %get3A_572 = tpu.vector_load %arg19[%get3A_570, %get3A_571] {strides = array<i32>} : memref<2x512xi32, #tpu.memory_space<vmem>>, vector<16xi32>,
      %add3A_573 = arith.addi %add3A_569, %get3A_572 : vector<16xi32>
      %mul3A_574 = arith.constant 16 : i32
      %mul3A_575 = arith.muli %scan3A_545, %mul3A_574 : i32
      %swap3A_576 = arith.constant 1 : i32
      %swap3A_577 = arith.index_cast %select_n3A_198 : i32 to index
      %swap3A_578 = arith.index_cast %swap3A_576 : i32 to index
      %swap3A_579 = arith.index_cast %mul3A_575 : i32 to index
      %swap3A_580 = tpu.vector_load %arg20[%swap3A_577, %swap3A_578, %swap3A_579] {strides = array<i32>} : memref<2x4x128xi32, #tpu.memory_space<vmem>>, vector<16xi32>,
      tpu.vector_store %arg20[%swap3A_577, %swap3A_578, %swap3A_579], %add3A_573 {strides = array<i32>} : memref<2x4x128xi32, #tpu.memory_space<vmem>>, vector<16xi32>,
      %scan3A_581 = arith.constant 0 : i32
      %scan3A_582 = arith.constant 1 : i32
      %mul3A_583 = arith.constant 16 : i32
      %mul3A_584 = arith.muli %scan3A_582, %mul3A_583 : i32
      %add3A_585 = arith.constant 128 : i32
      %add3A_586 = arith.addi %add3A_585, %mul3A_584 : i32
      %get3A_587 = arith.index_cast %select_n3A_198 : i32 to index
      %get3A_588 = arith.index_cast %add3A_586 : i32 to index
      %get3A_589 = tpu.vector_load %arg16[%get3A_587, %get3A_588] {strides = array<i32>} : memref<2x512xi32, #tpu.memory_space<vmem>>, vector<16xi32>,
      %mul3A_590 = arith.constant 2184 : i32
      %mul3A_591 = vector.broadcast %mul3A_590 : i32 to vector<16xi32>
      %mul3A_592 = arith.muli %get3A_589, %mul3A_591 : vector<16xi32>
      %get3A_593 = arith.index_cast %select_n3A_198 : i32 to index
      %get3A_594 = arith.index_cast %add3A_586 : i32 to index
      %get3A_595 = tpu.vector_load %arg17[%get3A_593, %get3A_594] {strides = array<i32>} : memref<2x512xi32, #tpu.memory_space<vmem>>, vector<16xi32>,
      %mul3A_596 = arith.constant 168 : i32
      %mul3A_597 = vector.broadcast %mul3A_596 : i32 to vector<16xi32>
      %mul3A_598 = arith.muli %get3A_595, %mul3A_597 : vector<16xi32>
      %add3A_599 = arith.addi %mul3A_592, %mul3A_598 : vector<16xi32>
      %get3A_600 = arith.index_cast %select_n3A_198 : i32 to index
      %get3A_601 = arith.index_cast %add3A_586 : i32 to index
      %get3A_602 = tpu.vector_load %arg18[%get3A_600, %get3A_601] {strides = array<i32>} : memref<2x512xi32, #tpu.memory_space<vmem>>, vector<16xi32>,
      %mul3A_603 = arith.constant 24 : i32
      %mul3A_604 = vector.broadcast %mul3A_603 : i32 to vector<16xi32>
      %mul3A_605 = arith.muli %get3A_602, %mul3A_604 : vector<16xi32>
      %add3A_606 = arith.addi %add3A_599, %mul3A_605 : vector<16xi32>
      %get3A_607 = arith.index_cast %select_n3A_198 : i32 to index
      %get3A_608 = arith.index_cast %add3A_586 : i32 to index
      %get3A_609 = tpu.vector_load %arg19[%get3A_607, %get3A_608] {strides = array<i32>} : memref<2x512xi32, #tpu.memory_space<vmem>>, vector<16xi32>,
      %add3A_610 = arith.addi %add3A_606, %get3A_609 : vector<16xi32>
      %mul3A_611 = arith.constant 16 : i32
      %mul3A_612 = arith.muli %scan3A_582, %mul3A_611 : i32
      %swap3A_613 = arith.constant 1 : i32
      %swap3A_614 = arith.index_cast %select_n3A_198 : i32 to index
      %swap3A_615 = arith.index_cast %swap3A_613 : i32 to index
      %swap3A_616 = arith.index_cast %mul3A_612 : i32 to index
      %swap3A_617 = tpu.vector_load %arg20[%swap3A_614, %swap3A_615, %swap3A_616] {strides = array<i32>} : memref<2x4x128xi32, #tpu.memory_space<vmem>>, vector<16xi32>,
      tpu.vector_store %arg20[%swap3A_614, %swap3A_615, %swap3A_616], %add3A_610 {strides = array<i32>} : memref<2x4x128xi32, #tpu.memory_space<vmem>>, vector<16xi32>,
      %scan3A_618 = arith.constant 0 : i32
      %scan3A_619 = arith.constant 2 : i32
      %mul3A_620 = arith.constant 16 : i32
      %mul3A_621 = arith.muli %scan3A_619, %mul3A_620 : i32
      %add3A_622 = arith.constant 128 : i32
      %add3A_623 = arith.addi %add3A_622, %mul3A_621 : i32
      %get3A_624 = arith.index_cast %select_n3A_198 : i32 to index
      %get3A_625 = arith.index_cast %add3A_623 : i32 to index
      %get3A_626 = tpu.vector_load %arg16[%get3A_624, %get3A_625] {strides = array<i32>} : memref<2x512xi32, #tpu.memory_space<vmem>>, vector<16xi32>,
      %mul3A_627 = arith.constant 2184 : i32
      %mul3A_628 = vector.broadcast %mul3A_627 : i32 to vector<16xi32>
      %mul3A_629 = arith.muli %get3A_626, %mul3A_628 : vector<16xi32>
      %get3A_630 = arith.index_cast %select_n3A_198 : i32 to index
      %get3A_631 = arith.index_cast %add3A_623 : i32 to index
      %get3A_632 = tpu.vector_load %arg17[%get3A_630, %get3A_631] {strides = array<i32>} : memref<2x512xi32, #tpu.memory_space<vmem>>, vector<16xi32>,
      %mul3A_633 = arith.constant 168 : i32
      %mul3A_634 = vector.broadcast %mul3A_633 : i32 to vector<16xi32>
      %mul3A_635 = arith.muli %get3A_632, %mul3A_634 : vector<16xi32>
      %add3A_636 = arith.addi %mul3A_629, %mul3A_635 : vector<16xi32>
      %get3A_637 = arith.index_cast %select_n3A_198 : i32 to index
      %get3A_638 = arith.index_cast %add3A_623 : i32 to index
      %get3A_639 = tpu.vector_load %arg18[%get3A_637, %get3A_638] {strides = array<i32>} : memref<2x512xi32, #tpu.memory_space<vmem>>, vector<16xi32>,
      %mul3A_640 = arith.constant 24 : i32
      %mul3A_641 = vector.broadcast %mul3A_640 : i32 to vector<16xi32>
      %mul3A_642 = arith.muli %get3A_639, %mul3A_641 : vector<16xi32>
      %add3A_643 = arith.addi %add3A_636, %mul3A_642 : vector<16xi32>
      %get3A_644 = arith.index_cast %select_n3A_198 : i32 to index
      %get3A_645 = arith.index_cast %add3A_623 : i32 to index
      %get3A_646 = tpu.vector_load %arg19[%get3A_644, %get3A_645] {strides = array<i32>} : memref<2x512xi32, #tpu.memory_space<vmem>>, vector<16xi32>,
      %add3A_647 = arith.addi %add3A_643, %get3A_646 : vector<16xi32>
      %mul3A_648 = arith.constant 16 : i32
      %mul3A_649 = arith.muli %scan3A_619, %mul3A_648 : i32
      %swap3A_650 = arith.constant 1 : i32
      %swap3A_651 = arith.index_cast %select_n3A_198 : i32 to index
      %swap3A_652 = arith.index_cast %swap3A_650 : i32 to index
      %swap3A_653 = arith.index_cast %mul3A_649 : i32 to index
      %swap3A_654 = tpu.vector_load %arg20[%swap3A_651, %swap3A_652, %swap3A_653] {strides = array<i32>} : memref<2x4x128xi32, #tpu.memory_space<vmem>>, vector<16xi32>,
      tpu.vector_store %arg20[%swap3A_651, %swap3A_652, %swap3A_653], %add3A_647 {strides = array<i32>} : memref<2x4x128xi32, #tpu.memory_space<vmem>>, vector<16xi32>,
      %scan3A_655 = arith.constant 0 : i32
      %scan3A_656 = arith.constant 3 : i32
      %mul3A_657 = arith.constant 16 : i32
      %mul3A_658 = arith.muli %scan3A_656, %mul3A_657 : i32
      %add3A_659 = arith.constant 128 : i32
      %add3A_660 = arith.addi %add3A_659, %mul3A_658 : i32
      %get3A_661 = arith.index_cast %select_n3A_198 : i32 to index
      %get3A_662 = arith.index_cast %add3A_660 : i32 to index
      %get3A_663 = tpu.vector_load %arg16[%get3A_661, %get3A_662] {strides = array<i32>} : memref<2x512xi32, #tpu.memory_space<vmem>>, vector<16xi32>,
      %mul3A_664 = arith.constant 2184 : i32
      %mul3A_665 = vector.broadcast %mul3A_664 : i32 to vector<16xi32>
      %mul3A_666 = arith.muli %get3A_663, %mul3A_665 : vector<16xi32>
      %get3A_667 = arith.index_cast %select_n3A_198 : i32 to index
      %get3A_668 = arith.index_cast %add3A_660 : i32 to index
      %get3A_669 = tpu.vector_load %arg17[%get3A_667, %get3A_668] {strides = array<i32>} : memref<2x512xi32, #tpu.memory_space<vmem>>, vector<16xi32>,
      %mul3A_670 = arith.constant 168 : i32
      %mul3A_671 = vector.broadcast %mul3A_670 : i32 to vector<16xi32>
      %mul3A_672 = arith.muli %get3A_669, %mul3A_671 : vector<16xi32>
      %add3A_673 = arith.addi %mul3A_666, %mul3A_672 : vector<16xi32>
      %get3A_674 = arith.index_cast %select_n3A_198 : i32 to index
      %get3A_675 = arith.index_cast %add3A_660 : i32 to index
      %get3A_676 = tpu.vector_load %arg18[%get3A_674, %get3A_675] {strides = array<i32>} : memref<2x512xi32, #tpu.memory_space<vmem>>, vector<16xi32>,
      %mul3A_677 = arith.constant 24 : i32
      %mul3A_678 = vector.broadcast %mul3A_677 : i32 to vector<16xi32>
      %mul3A_679 = arith.muli %get3A_676, %mul3A_678 : vector<16xi32>
      %add3A_680 = arith.addi %add3A_673, %mul3A_679 : vector<16xi32>
      %get3A_681 = arith.index_cast %select_n3A_198 : i32 to index
      %get3A_682 = arith.index_cast %add3A_660 : i32 to index
      %get3A_683 = tpu.vector_load %arg19[%get3A_681, %get3A_682] {strides = array<i32>} : memref<2x512xi32, #tpu.memory_space<vmem>>, vector<16xi32>,
      %add3A_684 = arith.addi %add3A_680, %get3A_683 : vector<16xi32>
      %mul3A_685 = arith.constant 16 : i32
      %mul3A_686 = arith.muli %scan3A_656, %mul3A_685 : i32
      %swap3A_687 = arith.constant 1 : i32
      %swap3A_688 = arith.index_cast %select_n3A_198 : i32 to index
      %swap3A_689 = arith.index_cast %swap3A_687 : i32 to index
      %swap3A_690 = arith.index_cast %mul3A_686 : i32 to index
      %swap3A_691 = tpu.vector_load %arg20[%swap3A_688, %swap3A_689, %swap3A_690] {strides = array<i32>} : memref<2x4x128xi32, #tpu.memory_space<vmem>>, vector<16xi32>,
      tpu.vector_store %arg20[%swap3A_688, %swap3A_689, %swap3A_690], %add3A_684 {strides = array<i32>} : memref<2x4x128xi32, #tpu.memory_space<vmem>>, vector<16xi32>,
      %scan3A_692 = arith.constant 0 : i32
      %scan3A_693 = arith.constant 4 : i32
      %mul3A_694 = arith.constant 16 : i32
      %mul3A_695 = arith.muli %scan3A_693, %mul3A_694 : i32
      %add3A_696 = arith.constant 128 : i32
      %add3A_697 = arith.addi %add3A_696, %mul3A_695 : i32
      %get3A_698 = arith.index_cast %select_n3A_198 : i32 to index
      %get3A_699 = arith.index_cast %add3A_697 : i32 to index
      %get3A_700 = tpu.vector_load %arg16[%get3A_698, %get3A_699] {strides = array<i32>} : memref<2x512xi32, #tpu.memory_space<vmem>>, vector<16xi32>,
      %mul3A_701 = arith.constant 2184 : i32
      %mul3A_702 = vector.broadcast %mul3A_701 : i32 to vector<16xi32>
      %mul3A_703 = arith.muli %get3A_700, %mul3A_702 : vector<16xi32>
      %get3A_704 = arith.index_cast %select_n3A_198 : i32 to index
      %get3A_705 = arith.index_cast %add3A_697 : i32 to index
      %get3A_706 = tpu.vector_load %arg17[%get3A_704, %get3A_705] {strides = array<i32>} : memref<2x512xi32, #tpu.memory_space<vmem>>, vector<16xi32>,
      %mul3A_707 = arith.constant 168 : i32
      %mul3A_708 = vector.broadcast %mul3A_707 : i32 to vector<16xi32>
      %mul3A_709 = arith.muli %get3A_706, %mul3A_708 : vector<16xi32>
      %add3A_710 = arith.addi %mul3A_703, %mul3A_709 : vector<16xi32>
      %get3A_711 = arith.index_cast %select_n3A_198 : i32 to index
      %get3A_712 = arith.index_cast %add3A_697 : i32 to index
      %get3A_713 = tpu.vector_load %arg18[%get3A_711, %get3A_712] {strides = array<i32>} : memref<2x512xi32, #tpu.memory_space<vmem>>, vector<16xi32>,
      %mul3A_714 = arith.constant 24 : i32
      %mul3A_715 = vector.broadcast %mul3A_714 : i32 to vector<16xi32>
      %mul3A_716 = arith.muli %get3A_713, %mul3A_715 : vector<16xi32>
      %add3A_717 = arith.addi %add3A_710, %mul3A_716 : vector<16xi32>
      %get3A_718 = arith.index_cast %select_n3A_198 : i32 to index
      %get3A_719 = arith.index_cast %add3A_697 : i32 to index
      %get3A_720 = tpu.vector_load %arg19[%get3A_718, %get3A_719] {strides = array<i32>} : memref<2x512xi32, #tpu.memory_space<vmem>>, vector<16xi32>,
      %add3A_721 = arith.addi %add3A_717, %get3A_720 : vector<16xi32>
      %mul3A_722 = arith.constant 16 : i32
      %mul3A_723 = arith.muli %scan3A_693, %mul3A_722 : i32
      %swap3A_724 = arith.constant 1 : i32
      %swap3A_725 = arith.index_cast %select_n3A_198 : i32 to index
      %swap3A_726 = arith.index_cast %swap3A_724 : i32 to index
      %swap3A_727 = arith.index_cast %mul3A_723 : i32 to index
      %swap3A_728 = tpu.vector_load %arg20[%swap3A_725, %swap3A_726, %swap3A_727] {strides = array<i32>} : memref<2x4x128xi32, #tpu.memory_space<vmem>>, vector<16xi32>,
      tpu.vector_store %arg20[%swap3A_725, %swap3A_726, %swap3A_727], %add3A_721 {strides = array<i32>} : memref<2x4x128xi32, #tpu.memory_space<vmem>>, vector<16xi32>,
      %scan3A_729 = arith.constant 0 : i32
      %scan3A_730 = arith.constant 5 : i32
      %mul3A_731 = arith.constant 16 : i32
      %mul3A_732 = arith.muli %scan3A_730, %mul3A_731 : i32
      %add3A_733 = arith.constant 128 : i32
      %add3A_734 = arith.addi %add3A_733, %mul3A_732 : i32
      %get3A_735 = arith.index_cast %select_n3A_198 : i32 to index
      %get3A_736 = arith.index_cast %add3A_734 : i32 to index
      %get3A_737 = tpu.vector_load %arg16[%get3A_735, %get3A_736] {strides = array<i32>} : memref<2x512xi32, #tpu.memory_space<vmem>>, vector<16xi32>,
      %mul3A_738 = arith.constant 2184 : i32
      %mul3A_739 = vector.broadcast %mul3A_738 : i32 to vector<16xi32>
      %mul3A_740 = arith.muli %get3A_737, %mul3A_739 : vector<16xi32>
      %get3A_741 = arith.index_cast %select_n3A_198 : i32 to index
      %get3A_742 = arith.index_cast %add3A_734 : i32 to index
      %get3A_743 = tpu.vector_load %arg17[%get3A_741, %get3A_742] {strides = array<i32>} : memref<2x512xi32, #tpu.memory_space<vmem>>, vector<16xi32>,
      %mul3A_744 = arith.constant 168 : i32
      %mul3A_745 = vector.broadcast %mul3A_744 : i32 to vector<16xi32>
      %mul3A_746 = arith.muli %get3A_743, %mul3A_745 : vector<16xi32>
      %add3A_747 = arith.addi %mul3A_740, %mul3A_746 : vector<16xi32>
      %get3A_748 = arith.index_cast %select_n3A_198 : i32 to index
      %get3A_749 = arith.index_cast %add3A_734 : i32 to index
      %get3A_750 = tpu.vector_load %arg18[%get3A_748, %get3A_749] {strides = array<i32>} : memref<2x512xi32, #tpu.memory_space<vmem>>, vector<16xi32>,
      %mul3A_751 = arith.constant 24 : i32
      %mul3A_752 = vector.broadcast %mul3A_751 : i32 to vector<16xi32>
      %mul3A_753 = arith.muli %get3A_750, %mul3A_752 : vector<16xi32>
      %add3A_754 = arith.addi %add3A_747, %mul3A_753 : vector<16xi32>
      %get3A_755 = arith.index_cast %select_n3A_198 : i32 to index
      %get3A_756 = arith.index_cast %add3A_734 : i32 to index
      %get3A_757 = tpu.vector_load %arg19[%get3A_755, %get3A_756] {strides = array<i32>} : memref<2x512xi32, #tpu.memory_space<vmem>>, vector<16xi32>,
      %add3A_758 = arith.addi %add3A_754, %get3A_757 : vector<16xi32>
      %mul3A_759 = arith.constant 16 : i32
      %mul3A_760 = arith.muli %scan3A_730, %mul3A_759 : i32
      %swap3A_761 = arith.constant 1 : i32
      %swap3A_762 = arith.index_cast %select_n3A_198 : i32 to index
      %swap3A_763 = arith.index_cast %swap3A_761 : i32 to index
      %swap3A_764 = arith.index_cast %mul3A_760 : i32 to index
      %swap3A_765 = tpu.vector_load %arg20[%swap3A_762, %swap3A_763, %swap3A_764] {strides = array<i32>} : memref<2x4x128xi32, #tpu.memory_space<vmem>>, vector<16xi32>,
      tpu.vector_store %arg20[%swap3A_762, %swap3A_763, %swap3A_764], %add3A_758 {strides = array<i32>} : memref<2x4x128xi32, #tpu.memory_space<vmem>>, vector<16xi32>,
      %scan3A_766 = arith.constant 0 : i32
      %scan3A_767 = arith.constant 6 : i32
      %mul3A_768 = arith.constant 16 : i32
      %mul3A_769 = arith.muli %scan3A_767, %mul3A_768 : i32
      %add3A_770 = arith.constant 128 : i32
      %add3A_771 = arith.addi %add3A_770, %mul3A_769 : i32
      %get3A_772 = arith.index_cast %select_n3A_198 : i32 to index
      %get3A_773 = arith.index_cast %add3A_771 : i32 to index
      %get3A_774 = tpu.vector_load %arg16[%get3A_772, %get3A_773] {strides = array<i32>} : memref<2x512xi32, #tpu.memory_space<vmem>>, vector<16xi32>,
      %mul3A_775 = arith.constant 2184 : i32
      %mul3A_776 = vector.broadcast %mul3A_775 : i32 to vector<16xi32>
      %mul3A_777 = arith.muli %get3A_774, %mul3A_776 : vector<16xi32>
      %get3A_778 = arith.index_cast %select_n3A_198 : i32 to index
      %get3A_779 = arith.index_cast %add3A_771 : i32 to index
      %get3A_780 = tpu.vector_load %arg17[%get3A_778, %get3A_779] {strides = array<i32>} : memref<2x512xi32, #tpu.memory_space<vmem>>, vector<16xi32>,
      %mul3A_781 = arith.constant 168 : i32
      %mul3A_782 = vector.broadcast %mul3A_781 : i32 to vector<16xi32>
      %mul3A_783 = arith.muli %get3A_780, %mul3A_782 : vector<16xi32>
      %add3A_784 = arith.addi %mul3A_777, %mul3A_783 : vector<16xi32>
      %get3A_785 = arith.index_cast %select_n3A_198 : i32 to index
      %get3A_786 = arith.index_cast %add3A_771 : i32 to index
      %get3A_787 = tpu.vector_load %arg18[%get3A_785, %get3A_786] {strides = array<i32>} : memref<2x512xi32, #tpu.memory_space<vmem>>, vector<16xi32>,
      %mul3A_788 = arith.constant 24 : i32
      %mul3A_789 = vector.broadcast %mul3A_788 : i32 to vector<16xi32>
      %mul3A_790 = arith.muli %get3A_787, %mul3A_789 : vector<16xi32>
      %add3A_791 = arith.addi %add3A_784, %mul3A_790 : vector<16xi32>
      %get3A_792 = arith.index_cast %select_n3A_198 : i32 to index
      %get3A_793 = arith.index_cast %add3A_771 : i32 to index
      %get3A_794 = tpu.vector_load %arg19[%get3A_792, %get3A_793] {strides = array<i32>} : memref<2x512xi32, #tpu.memory_space<vmem>>, vector<16xi32>,
      %add3A_795 = arith.addi %add3A_791, %get3A_794 : vector<16xi32>
      %mul3A_796 = arith.constant 16 : i32
      %mul3A_797 = arith.muli %scan3A_767, %mul3A_796 : i32
      %swap3A_798 = arith.constant 1 : i32
      %swap3A_799 = arith.index_cast %select_n3A_198 : i32 to index
      %swap3A_800 = arith.index_cast %swap3A_798 : i32 to index
      %swap3A_801 = arith.index_cast %mul3A_797 : i32 to index
      %swap3A_802 = tpu.vector_load %arg20[%swap3A_799, %swap3A_800, %swap3A_801] {strides = array<i32>} : memref<2x4x128xi32, #tpu.memory_space<vmem>>, vector<16xi32>,
      tpu.vector_store %arg20[%swap3A_799, %swap3A_800, %swap3A_801], %add3A_795 {strides = array<i32>} : memref<2x4x128xi32, #tpu.memory_space<vmem>>, vector<16xi32>,
      %scan3A_803 = arith.constant 0 : i32
      %scan3A_804 = arith.constant 7 : i32
      %mul3A_805 = arith.constant 16 : i32
      %mul3A_806 = arith.muli %scan3A_804, %mul3A_805 : i32
      %add3A_807 = arith.constant 128 : i32
      %add3A_808 = arith.addi %add3A_807, %mul3A_806 : i32
      %get3A_809 = arith.index_cast %select_n3A_198 : i32 to index
      %get3A_810 = arith.index_cast %add3A_808 : i32 to index
      %get3A_811 = tpu.vector_load %arg16[%get3A_809, %get3A_810] {strides = array<i32>} : memref<2x512xi32, #tpu.memory_space<vmem>>, vector<16xi32>,
      %mul3A_812 = arith.constant 2184 : i32
      %mul3A_813 = vector.broadcast %mul3A_812 : i32 to vector<16xi32>
      %mul3A_814 = arith.muli %get3A_811, %mul3A_813 : vector<16xi32>
      %get3A_815 = arith.index_cast %select_n3A_198 : i32 to index
      %get3A_816 = arith.index_cast %add3A_808 : i32 to index
      %get3A_817 = tpu.vector_load %arg17[%get3A_815, %get3A_816] {strides = array<i32>} : memref<2x512xi32, #tpu.memory_space<vmem>>, vector<16xi32>,
      %mul3A_818 = arith.constant 168 : i32
      %mul3A_819 = vector.broadcast %mul3A_818 : i32 to vector<16xi32>
      %mul3A_820 = arith.muli %get3A_817, %mul3A_819 : vector<16xi32>
      %add3A_821 = arith.addi %mul3A_814, %mul3A_820 : vector<16xi32>
      %get3A_822 = arith.index_cast %select_n3A_198 : i32 to index
      %get3A_823 = arith.index_cast %add3A_808 : i32 to index
      %get3A_824 = tpu.vector_load %arg18[%get3A_822, %get3A_823] {strides = array<i32>} : memref<2x512xi32, #tpu.memory_space<vmem>>, vector<16xi32>,
      %mul3A_825 = arith.constant 24 : i32
      %mul3A_826 = vector.broadcast %mul3A_825 : i32 to vector<16xi32>
      %mul3A_827 = arith.muli %get3A_824, %mul3A_826 : vector<16xi32>
      %add3A_828 = arith.addi %add3A_821, %mul3A_827 : vector<16xi32>
      %get3A_829 = arith.index_cast %select_n3A_198 : i32 to index
      %get3A_830 = arith.index_cast %add3A_808 : i32 to index
      %get3A_831 = tpu.vector_load %arg19[%get3A_829, %get3A_830] {strides = array<i32>} : memref<2x512xi32, #tpu.memory_space<vmem>>, vector<16xi32>,
      %add3A_832 = arith.addi %add3A_828, %get3A_831 : vector<16xi32>
      %mul3A_833 = arith.constant 16 : i32
      %mul3A_834 = arith.muli %scan3A_804, %mul3A_833 : i32
      %swap3A_835 = arith.constant 1 : i32
      %swap3A_836 = arith.index_cast %select_n3A_198 : i32 to index
      %swap3A_837 = arith.index_cast %swap3A_835 : i32 to index
      %swap3A_838 = arith.index_cast %mul3A_834 : i32 to index
      %swap3A_839 = tpu.vector_load %arg20[%swap3A_836, %swap3A_837, %swap3A_838] {strides = array<i32>} : memref<2x4x128xi32, #tpu.memory_space<vmem>>, vector<16xi32>,
      tpu.vector_store %arg20[%swap3A_836, %swap3A_837, %swap3A_838], %add3A_832 {strides = array<i32>} : memref<2x4x128xi32, #tpu.memory_space<vmem>>, vector<16xi32>,
      %scan3A_840 = arith.constant 0 : i32
      %scan3A_841 = arith.constant 8 : i32
      %scan3A_842 = arith.constant 0 : i32
      %scan3A_843 = arith.constant 0 : i32
      %mul3A_844 = arith.constant 16 : i32
      %mul3A_845 = arith.muli %scan3A_843, %mul3A_844 : i32
      %add3A_846 = arith.constant 256 : i32
      %add3A_847 = arith.addi %add3A_846, %mul3A_845 : i32
      %get3A_848 = arith.index_cast %select_n3A_198 : i32 to index
      %get3A_849 = arith.index_cast %add3A_847 : i32 to index
      %get3A_850 = tpu.vector_load %arg16[%get3A_848, %get3A_849] {strides = array<i32>} : memref<2x512xi32, #tpu.memory_space<vmem>>, vector<16xi32>,
      %mul3A_851 = arith.constant 2184 : i32
      %mul3A_852 = vector.broadcast %mul3A_851 : i32 to vector<16xi32>
      %mul3A_853 = arith.muli %get3A_850, %mul3A_852 : vector<16xi32>
      %get3A_854 = arith.index_cast %select_n3A_198 : i32 to index
      %get3A_855 = arith.index_cast %add3A_847 : i32 to index
      %get3A_856 = tpu.vector_load %arg17[%get3A_854, %get3A_855] {strides = array<i32>} : memref<2x512xi32, #tpu.memory_space<vmem>>, vector<16xi32>,
      %mul3A_857 = arith.constant 168 : i32
      %mul3A_858 = vector.broadcast %mul3A_857 : i32 to vector<16xi32>
      %mul3A_859 = arith.muli %get3A_856, %mul3A_858 : vector<16xi32>
      %add3A_860 = arith.addi %mul3A_853, %mul3A_859 : vector<16xi32>
      %get3A_861 = arith.index_cast %select_n3A_198 : i32 to index
      %get3A_862 = arith.index_cast %add3A_847 : i32 to index
      %get3A_863 = tpu.vector_load %arg18[%get3A_861, %get3A_862] {strides = array<i32>} : memref<2x512xi32, #tpu.memory_space<vmem>>, vector<16xi32>,
      %mul3A_864 = arith.constant 24 : i32
      %mul3A_865 = vector.broadcast %mul3A_864 : i32 to vector<16xi32>
      %mul3A_866 = arith.muli %get3A_863, %mul3A_865 : vector<16xi32>
      %add3A_867 = arith.addi %add3A_860, %mul3A_866 : vector<16xi32>
      %get3A_868 = arith.index_cast %select_n3A_198 : i32 to index
      %get3A_869 = arith.index_cast %add3A_847 : i32 to index
      %get3A_870 = tpu.vector_load %arg19[%get3A_868, %get3A_869] {strides = array<i32>} : memref<2x512xi32, #tpu.memory_space<vmem>>, vector<16xi32>,
      %add3A_871 = arith.addi %add3A_867, %get3A_870 : vector<16xi32>
      %mul3A_872 = arith.constant 16 : i32
      %mul3A_873 = arith.muli %scan3A_843, %mul3A_872 : i32
      %swap3A_874 = arith.constant 2 : i32
      %swap3A_875 = arith.index_cast %select_n3A_198 : i32 to index
      %swap3A_876 = arith.index_cast %swap3A_874 : i32 to index
      %swap3A_877 = arith.index_cast %mul3A_873 : i32 to index
      %swap3A_878 = tpu.vector_load %arg20[%swap3A_875, %swap3A_876, %swap3A_877] {strides = array<i32>} : memref<2x4x128xi32, #tpu.memory_space<vmem>>, vector<16xi32>,
      tpu.vector_store %arg20[%swap3A_875, %swap3A_876, %swap3A_877], %add3A_871 {strides = array<i32>} : memref<2x4x128xi32, #tpu.memory_space<vmem>>, vector<16xi32>,
      %scan3A_879 = arith.constant 0 : i32
      %scan3A_880 = arith.constant 1 : i32
      %mul3A_881 = arith.constant 16 : i32
      %mul3A_882 = arith.muli %scan3A_880, %mul3A_881 : i32
      %add3A_883 = arith.constant 256 : i32
      %add3A_884 = arith.addi %add3A_883, %mul3A_882 : i32
      %get3A_885 = arith.index_cast %select_n3A_198 : i32 to index
      %get3A_886 = arith.index_cast %add3A_884 : i32 to index
      %get3A_887 = tpu.vector_load %arg16[%get3A_885, %get3A_886] {strides = array<i32>} : memref<2x512xi32, #tpu.memory_space<vmem>>, vector<16xi32>,
      %mul3A_888 = arith.constant 2184 : i32
      %mul3A_889 = vector.broadcast %mul3A_888 : i32 to vector<16xi32>
      %mul3A_890 = arith.muli %get3A_887, %mul3A_889 : vector<16xi32>
      %get3A_891 = arith.index_cast %select_n3A_198 : i32 to index
      %get3A_892 = arith.index_cast %add3A_884 : i32 to index
      %get3A_893 = tpu.vector_load %arg17[%get3A_891, %get3A_892] {strides = array<i32>} : memref<2x512xi32, #tpu.memory_space<vmem>>, vector<16xi32>,
      %mul3A_894 = arith.constant 168 : i32
      %mul3A_895 = vector.broadcast %mul3A_894 : i32 to vector<16xi32>
      %mul3A_896 = arith.muli %get3A_893, %mul3A_895 : vector<16xi32>
      %add3A_897 = arith.addi %mul3A_890, %mul3A_896 : vector<16xi32>
      %get3A_898 = arith.index_cast %select_n3A_198 : i32 to index
      %get3A_899 = arith.index_cast %add3A_884 : i32 to index
      %get3A_900 = tpu.vector_load %arg18[%get3A_898, %get3A_899] {strides = array<i32>} : memref<2x512xi32, #tpu.memory_space<vmem>>, vector<16xi32>,
      %mul3A_901 = arith.constant 24 : i32
      %mul3A_902 = vector.broadcast %mul3A_901 : i32 to vector<16xi32>
      %mul3A_903 = arith.muli %get3A_900, %mul3A_902 : vector<16xi32>
      %add3A_904 = arith.addi %add3A_897, %mul3A_903 : vector<16xi32>
      %get3A_905 = arith.index_cast %select_n3A_198 : i32 to index
      %get3A_906 = arith.index_cast %add3A_884 : i32 to index
      %get3A_907 = tpu.vector_load %arg19[%get3A_905, %get3A_906] {strides = array<i32>} : memref<2x512xi32, #tpu.memory_space<vmem>>, vector<16xi32>,
      %add3A_908 = arith.addi %add3A_904, %get3A_907 : vector<16xi32>
      %mul3A_909 = arith.constant 16 : i32
      %mul3A_910 = arith.muli %scan3A_880, %mul3A_909 : i32
      %swap3A_911 = arith.constant 2 : i32
      %swap3A_912 = arith.index_cast %select_n3A_198 : i32 to index
      %swap3A_913 = arith.index_cast %swap3A_911 : i32 to index
      %swap3A_914 = arith.index_cast %mul3A_910 : i32 to index
      %swap3A_915 = tpu.vector_load %arg20[%swap3A_912, %swap3A_913, %swap3A_914] {strides = array<i32>} : memref<2x4x128xi32, #tpu.memory_space<vmem>>, vector<16xi32>,
      tpu.vector_store %arg20[%swap3A_912, %swap3A_913, %swap3A_914], %add3A_908 {strides = array<i32>} : memref<2x4x128xi32, #tpu.memory_space<vmem>>, vector<16xi32>,
      %scan3A_916 = arith.constant 0 : i32
      %scan3A_917 = arith.constant 2 : i32
      %mul3A_918 = arith.constant 16 : i32
      %mul3A_919 = arith.muli %scan3A_917, %mul3A_918 : i32
      %add3A_920 = arith.constant 256 : i32
      %add3A_921 = arith.addi %add3A_920, %mul3A_919 : i32
      %get3A_922 = arith.index_cast %select_n3A_198 : i32 to index
      %get3A_923 = arith.index_cast %add3A_921 : i32 to index
      %get3A_924 = tpu.vector_load %arg16[%get3A_922, %get3A_923] {strides = array<i32>} : memref<2x512xi32, #tpu.memory_space<vmem>>, vector<16xi32>,
      %mul3A_925 = arith.constant 2184 : i32
      %mul3A_926 = vector.broadcast %mul3A_925 : i32 to vector<16xi32>
      %mul3A_927 = arith.muli %get3A_924, %mul3A_926 : vector<16xi32>
      %get3A_928 = arith.index_cast %select_n3A_198 : i32 to index
      %get3A_929 = arith.index_cast %add3A_921 : i32 to index
      %get3A_930 = tpu.vector_load %arg17[%get3A_928, %get3A_929] {strides = array<i32>} : memref<2x512xi32, #tpu.memory_space<vmem>>, vector<16xi32>,
      %mul3A_931 = arith.constant 168 : i32
      %mul3A_932 = vector.broadcast %mul3A_931 : i32 to vector<16xi32>
      %mul3A_933 = arith.muli %get3A_930, %mul3A_932 : vector<16xi32>
      %add3A_934 = arith.addi %mul3A_927, %mul3A_933 : vector<16xi32>
      %get3A_935 = arith.index_cast %select_n3A_198 : i32 to index
      %get3A_936 = arith.index_cast %add3A_921 : i32 to index
      %get3A_937 = tpu.vector_load %arg18[%get3A_935, %get3A_936] {strides = array<i32>} : memref<2x512xi32, #tpu.memory_space<vmem>>, vector<16xi32>,
      %mul3A_938 = arith.constant 24 : i32
      %mul3A_939 = vector.broadcast %mul3A_938 : i32 to vector<16xi32>
      %mul3A_940 = arith.muli %get3A_937, %mul3A_939 : vector<16xi32>
      %add3A_941 = arith.addi %add3A_934, %mul3A_940 : vector<16xi32>
      %get3A_942 = arith.index_cast %select_n3A_198 : i32 to index
      %get3A_943 = arith.index_cast %add3A_921 : i32 to index
      %get3A_944 = tpu.vector_load %arg19[%get3A_942, %get3A_943] {strides = array<i32>} : memref<2x512xi32, #tpu.memory_space<vmem>>, vector<16xi32>,
      %add3A_945 = arith.addi %add3A_941, %get3A_944 : vector<16xi32>
      %mul3A_946 = arith.constant 16 : i32
      %mul3A_947 = arith.muli %scan3A_917, %mul3A_946 : i32
      %swap3A_948 = arith.constant 2 : i32
      %swap3A_949 = arith.index_cast %select_n3A_198 : i32 to index
      %swap3A_950 = arith.index_cast %swap3A_948 : i32 to index
      %swap3A_951 = arith.index_cast %mul3A_947 : i32 to index
      %swap3A_952 = tpu.vector_load %arg20[%swap3A_949, %swap3A_950, %swap3A_951] {strides = array<i32>} : memref<2x4x128xi32, #tpu.memory_space<vmem>>, vector<16xi32>,
      tpu.vector_store %arg20[%swap3A_949, %swap3A_950, %swap3A_951], %add3A_945 {strides = array<i32>} : memref<2x4x128xi32, #tpu.memory_space<vmem>>, vector<16xi32>,
      %scan3A_953 = arith.constant 0 : i32
      %scan3A_954 = arith.constant 3 : i32
      %mul3A_955 = arith.constant 16 : i32
      %mul3A_956 = arith.muli %scan3A_954, %mul3A_955 : i32
      %add3A_957 = arith.constant 256 : i32
      %add3A_958 = arith.addi %add3A_957, %mul3A_956 : i32
      %get3A_959 = arith.index_cast %select_n3A_198 : i32 to index
      %get3A_960 = arith.index_cast %add3A_958 : i32 to index
      %get3A_961 = tpu.vector_load %arg16[%get3A_959, %get3A_960] {strides = array<i32>} : memref<2x512xi32, #tpu.memory_space<vmem>>, vector<16xi32>,
      %mul3A_962 = arith.constant 2184 : i32
      %mul3A_963 = vector.broadcast %mul3A_962 : i32 to vector<16xi32>
      %mul3A_964 = arith.muli %get3A_961, %mul3A_963 : vector<16xi32>
      %get3A_965 = arith.index_cast %select_n3A_198 : i32 to index
      %get3A_966 = arith.index_cast %add3A_958 : i32 to index
      %get3A_967 = tpu.vector_load %arg17[%get3A_965, %get3A_966] {strides = array<i32>} : memref<2x512xi32, #tpu.memory_space<vmem>>, vector<16xi32>,
      %mul3A_968 = arith.constant 168 : i32
      %mul3A_969 = vector.broadcast %mul3A_968 : i32 to vector<16xi32>
      %mul3A_970 = arith.muli %get3A_967, %mul3A_969 : vector<16xi32>
      %add3A_971 = arith.addi %mul3A_964, %mul3A_970 : vector<16xi32>
      %get3A_972 = arith.index_cast %select_n3A_198 : i32 to index
      %get3A_973 = arith.index_cast %add3A_958 : i32 to index
      %get3A_974 = tpu.vector_load %arg18[%get3A_972, %get3A_973] {strides = array<i32>} : memref<2x512xi32, #tpu.memory_space<vmem>>, vector<16xi32>,
      %mul3A_975 = arith.constant 24 : i32
      %mul3A_976 = vector.broadcast %mul3A_975 : i32 to vector<16xi32>
      %mul3A_977 = arith.muli %get3A_974, %mul3A_976 : vector<16xi32>
      %add3A_978 = arith.addi %add3A_971, %mul3A_977 : vector<16xi32>
      %get3A_979 = arith.index_cast %select_n3A_198 : i32 to index
      %get3A_980 = arith.index_cast %add3A_958 : i32 to index
      %get3A_981 = tpu.vector_load %arg19[%get3A_979, %get3A_980] {strides = array<i32>} : memref<2x512xi32, #tpu.memory_space<vmem>>, vector<16xi32>,
      %add3A_982 = arith.addi %add3A_978, %get3A_981 : vector<16xi32>
      %mul3A_983 = arith.constant 16 : i32
      %mul3A_984 = arith.muli %scan3A_954, %mul3A_983 : i32
      %swap3A_985 = arith.constant 2 : i32
      %swap3A_986 = arith.index_cast %select_n3A_198 : i32 to index
      %swap3A_987 = arith.index_cast %swap3A_985 : i32 to index
      %swap3A_988 = arith.index_cast %mul3A_984 : i32 to index
      %swap3A_989 = tpu.vector_load %arg20[%swap3A_986, %swap3A_987, %swap3A_988] {strides = array<i32>} : memref<2x4x128xi32, #tpu.memory_space<vmem>>, vector<16xi32>,
      tpu.vector_store %arg20[%swap3A_986, %swap3A_987, %swap3A_988], %add3A_982 {strides = array<i32>} : memref<2x4x128xi32, #tpu.memory_space<vmem>>, vector<16xi32>,
      %scan3A_990 = arith.constant 0 : i32
      %scan3A_991 = arith.constant 4 : i32
      %mul3A_992 = arith.constant 16 : i32
      %mul3A_993 = arith.muli %scan3A_991, %mul3A_992 : i32
      %add3A_994 = arith.constant 256 : i32
      %add3A_995 = arith.addi %add3A_994, %mul3A_993 : i32
      %get3A_996 = arith.index_cast %select_n3A_198 : i32 to index
      %get3A_997 = arith.index_cast %add3A_995 : i32 to index
      %get3A_998 = tpu.vector_load %arg16[%get3A_996, %get3A_997] {strides = array<i32>} : memref<2x512xi32, #tpu.memory_space<vmem>>, vector<16xi32>,
      %mul3A_999 = arith.constant 2184 : i32
      %mul3A_1000 = vector.broadcast %mul3A_999 : i32 to vector<16xi32>
      %mul3A_1001 = arith.muli %get3A_998, %mul3A_1000 : vector<16xi32>
      %get3A_1002 = arith.index_cast %select_n3A_198 : i32 to index
      %get3A_1003 = arith.index_cast %add3A_995 : i32 to index
      %get3A_1004 = tpu.vector_load %arg17[%get3A_1002, %get3A_1003] {strides = array<i32>} : memref<2x512xi32, #tpu.memory_space<vmem>>, vector<16xi32>,
      %mul3A_1005 = arith.constant 168 : i32
      %mul3A_1006 = vector.broadcast %mul3A_1005 : i32 to vector<16xi32>
      %mul3A_1007 = arith.muli %get3A_1004, %mul3A_1006 : vector<16xi32>
      %add3A_1008 = arith.addi %mul3A_1001, %mul3A_1007 : vector<16xi32>
      %get3A_1009 = arith.index_cast %select_n3A_198 : i32 to index
      %get3A_1010 = arith.index_cast %add3A_995 : i32 to index
      %get3A_1011 = tpu.vector_load %arg18[%get3A_1009, %get3A_1010] {strides = array<i32>} : memref<2x512xi32, #tpu.memory_space<vmem>>, vector<16xi32>,
      %mul3A_1012 = arith.constant 24 : i32
      %mul3A_1013 = vector.broadcast %mul3A_1012 : i32 to vector<16xi32>
      %mul3A_1014 = arith.muli %get3A_1011, %mul3A_1013 : vector<16xi32>
      %add3A_1015 = arith.addi %add3A_1008, %mul3A_1014 : vector<16xi32>
      %get3A_1016 = arith.index_cast %select_n3A_198 : i32 to index
      %get3A_1017 = arith.index_cast %add3A_995 : i32 to index
      %get3A_1018 = tpu.vector_load %arg19[%get3A_1016, %get3A_1017] {strides = array<i32>} : memref<2x512xi32, #tpu.memory_space<vmem>>, vector<16xi32>,
      %add3A_1019 = arith.addi %add3A_1015, %get3A_1018 : vector<16xi32>
      %mul3A_1020 = arith.constant 16 : i32
      %mul3A_1021 = arith.muli %scan3A_991, %mul3A_1020 : i32
      %swap3A_1022 = arith.constant 2 : i32
      %swap3A_1023 = arith.index_cast %select_n3A_198 : i32 to index
      %swap3A_1024 = arith.index_cast %swap3A_1022 : i32 to index
      %swap3A_1025 = arith.index_cast %mul3A_1021 : i32 to index
      %swap3A_1026 = tpu.vector_load %arg20[%swap3A_1023, %swap3A_1024, %swap3A_1025] {strides = array<i32>} : memref<2x4x128xi32, #tpu.memory_space<vmem>>, vector<16xi32>,
      tpu.vector_store %arg20[%swap3A_1023, %swap3A_1024, %swap3A_1025], %add3A_1019 {strides = array<i32>} : memref<2x4x128xi32, #tpu.memory_space<vmem>>, vector<16xi32>,
      %scan3A_1027 = arith.constant 0 : i32
      %scan3A_1028 = arith.constant 5 : i32
      %mul3A_1029 = arith.constant 16 : i32
      %mul3A_1030 = arith.muli %scan3A_1028, %mul3A_1029 : i32
      %add3A_1031 = arith.constant 256 : i32
      %add3A_1032 = arith.addi %add3A_1031, %mul3A_1030 : i32
      %get3A_1033 = arith.index_cast %select_n3A_198 : i32 to index
      %get3A_1034 = arith.index_cast %add3A_1032 : i32 to index
      %get3A_1035 = tpu.vector_load %arg16[%get3A_1033, %get3A_1034] {strides = array<i32>} : memref<2x512xi32, #tpu.memory_space<vmem>>, vector<16xi32>,
      %mul3A_1036 = arith.constant 2184 : i32
      %mul3A_1037 = vector.broadcast %mul3A_1036 : i32 to vector<16xi32>
      %mul3A_1038 = arith.muli %get3A_1035, %mul3A_1037 : vector<16xi32>
      %get3A_1039 = arith.index_cast %select_n3A_198 : i32 to index
      %get3A_1040 = arith.index_cast %add3A_1032 : i32 to index
      %get3A_1041 = tpu.vector_load %arg17[%get3A_1039, %get3A_1040] {strides = array<i32>} : memref<2x512xi32, #tpu.memory_space<vmem>>, vector<16xi32>,
      %mul3A_1042 = arith.constant 168 : i32
      %mul3A_1043 = vector.broadcast %mul3A_1042 : i32 to vector<16xi32>
      %mul3A_1044 = arith.muli %get3A_1041, %mul3A_1043 : vector<16xi32>
      %add3A_1045 = arith.addi %mul3A_1038, %mul3A_1044 : vector<16xi32>
      %get3A_1046 = arith.index_cast %select_n3A_198 : i32 to index
      %get3A_1047 = arith.index_cast %add3A_1032 : i32 to index
      %get3A_1048 = tpu.vector_load %arg18[%get3A_1046, %get3A_1047] {strides = array<i32>} : memref<2x512xi32, #tpu.memory_space<vmem>>, vector<16xi32>,
      %mul3A_1049 = arith.constant 24 : i32
      %mul3A_1050 = vector.broadcast %mul3A_1049 : i32 to vector<16xi32>
      %mul3A_1051 = arith.muli %get3A_1048, %mul3A_1050 : vector<16xi32>
      %add3A_1052 = arith.addi %add3A_1045, %mul3A_1051 : vector<16xi32>
      %get3A_1053 = arith.index_cast %select_n3A_198 : i32 to index
      %get3A_1054 = arith.index_cast %add3A_1032 : i32 to index
      %get3A_1055 = tpu.vector_load %arg19[%get3A_1053, %get3A_1054] {strides = array<i32>} : memref<2x512xi32, #tpu.memory_space<vmem>>, vector<16xi32>,
      %add3A_1056 = arith.addi %add3A_1052, %get3A_1055 : vector<16xi32>
      %mul3A_1057 = arith.constant 16 : i32
      %mul3A_1058 = arith.muli %scan3A_1028, %mul3A_1057 : i32
      %swap3A_1059 = arith.constant 2 : i32
      %swap3A_1060 = arith.index_cast %select_n3A_198 : i32 to index
      %swap3A_1061 = arith.index_cast %swap3A_1059 : i32 to index
      %swap3A_1062 = arith.index_cast %mul3A_1058 : i32 to index
      %swap3A_1063 = tpu.vector_load %arg20[%swap3A_1060, %swap3A_1061, %swap3A_1062] {strides = array<i32>} : memref<2x4x128xi32, #tpu.memory_space<vmem>>, vector<16xi32>,
      tpu.vector_store %arg20[%swap3A_1060, %swap3A_1061, %swap3A_1062], %add3A_1056 {strides = array<i32>} : memref<2x4x128xi32, #tpu.memory_space<vmem>>, vector<16xi32>,
      %scan3A_1064 = arith.constant 0 : i32
      %scan3A_1065 = arith.constant 6 : i32
      %mul3A_1066 = arith.constant 16 : i32
      %mul3A_1067 = arith.muli %scan3A_1065, %mul3A_1066 : i32
      %add3A_1068 = arith.constant 256 : i32
      %add3A_1069 = arith.addi %add3A_1068, %mul3A_1067 : i32
      %get3A_1070 = arith.index_cast %select_n3A_198 : i32 to index
      %get3A_1071 = arith.index_cast %add3A_1069 : i32 to index
      %get3A_1072 = tpu.vector_load %arg16[%get3A_1070, %get3A_1071] {strides = array<i32>} : memref<2x512xi32, #tpu.memory_space<vmem>>, vector<16xi32>,
      %mul3A_1073 = arith.constant 2184 : i32
      %mul3A_1074 = vector.broadcast %mul3A_1073 : i32 to vector<16xi32>
      %mul3A_1075 = arith.muli %get3A_1072, %mul3A_1074 : vector<16xi32>
      %get3A_1076 = arith.index_cast %select_n3A_198 : i32 to index
      %get3A_1077 = arith.index_cast %add3A_1069 : i32 to index
      %get3A_1078 = tpu.vector_load %arg17[%get3A_1076, %get3A_1077] {strides = array<i32>} : memref<2x512xi32, #tpu.memory_space<vmem>>, vector<16xi32>,
      %mul3A_1079 = arith.constant 168 : i32
      %mul3A_1080 = vector.broadcast %mul3A_1079 : i32 to vector<16xi32>
      %mul3A_1081 = arith.muli %get3A_1078, %mul3A_1080 : vector<16xi32>
      %add3A_1082 = arith.addi %mul3A_1075, %mul3A_1081 : vector<16xi32>
      %get3A_1083 = arith.index_cast %select_n3A_198 : i32 to index
      %get3A_1084 = arith.index_cast %add3A_1069 : i32 to index
      %get3A_1085 = tpu.vector_load %arg18[%get3A_1083, %get3A_1084] {strides = array<i32>} : memref<2x512xi32, #tpu.memory_space<vmem>>, vector<16xi32>,
      %mul3A_1086 = arith.constant 24 : i32
      %mul3A_1087 = vector.broadcast %mul3A_1086 : i32 to vector<16xi32>
      %mul3A_1088 = arith.muli %get3A_1085, %mul3A_1087 : vector<16xi32>
      %add3A_1089 = arith.addi %add3A_1082, %mul3A_1088 : vector<16xi32>
      %get3A_1090 = arith.index_cast %select_n3A_198 : i32 to index
      %get3A_1091 = arith.index_cast %add3A_1069 : i32 to index
      %get3A_1092 = tpu.vector_load %arg19[%get3A_1090, %get3A_1091] {strides = array<i32>} : memref<2x512xi32, #tpu.memory_space<vmem>>, vector<16xi32>,
      %add3A_1093 = arith.addi %add3A_1089, %get3A_1092 : vector<16xi32>
      %mul3A_1094 = arith.constant 16 : i32
      %mul3A_1095 = arith.muli %scan3A_1065, %mul3A_1094 : i32
      %swap3A_1096 = arith.constant 2 : i32
      %swap3A_1097 = arith.index_cast %select_n3A_198 : i32 to index
      %swap3A_1098 = arith.index_cast %swap3A_1096 : i32 to index
      %swap3A_1099 = arith.index_cast %mul3A_1095 : i32 to index
      %swap3A_1100 = tpu.vector_load %arg20[%swap3A_1097, %swap3A_1098, %swap3A_1099] {strides = array<i32>} : memref<2x4x128xi32, #tpu.memory_space<vmem>>, vector<16xi32>,
      tpu.vector_store %arg20[%swap3A_1097, %swap3A_1098, %swap3A_1099], %add3A_1093 {strides = array<i32>} : memref<2x4x128xi32, #tpu.memory_space<vmem>>, vector<16xi32>,
      %scan3A_1101 = arith.constant 0 : i32
      %scan3A_1102 = arith.constant 7 : i32
      %mul3A_1103 = arith.constant 16 : i32
      %mul3A_1104 = arith.muli %scan3A_1102, %mul3A_1103 : i32
      %add3A_1105 = arith.constant 256 : i32
      %add3A_1106 = arith.addi %add3A_1105, %mul3A_1104 : i32
      %get3A_1107 = arith.index_cast %select_n3A_198 : i32 to index
      %get3A_1108 = arith.index_cast %add3A_1106 : i32 to index
      %get3A_1109 = tpu.vector_load %arg16[%get3A_1107, %get3A_1108] {strides = array<i32>} : memref<2x512xi32, #tpu.memory_space<vmem>>, vector<16xi32>,
      %mul3A_1110 = arith.constant 2184 : i32
      %mul3A_1111 = vector.broadcast %mul3A_1110 : i32 to vector<16xi32>
      %mul3A_1112 = arith.muli %get3A_1109, %mul3A_1111 : vector<16xi32>
      %get3A_1113 = arith.index_cast %select_n3A_198 : i32 to index
      %get3A_1114 = arith.index_cast %add3A_1106 : i32 to index
      %get3A_1115 = tpu.vector_load %arg17[%get3A_1113, %get3A_1114] {strides = array<i32>} : memref<2x512xi32, #tpu.memory_space<vmem>>, vector<16xi32>,
      %mul3A_1116 = arith.constant 168 : i32
      %mul3A_1117 = vector.broadcast %mul3A_1116 : i32 to vector<16xi32>
      %mul3A_1118 = arith.muli %get3A_1115, %mul3A_1117 : vector<16xi32>
      %add3A_1119 = arith.addi %mul3A_1112, %mul3A_1118 : vector<16xi32>
      %get3A_1120 = arith.index_cast %select_n3A_198 : i32 to index
      %get3A_1121 = arith.index_cast %add3A_1106 : i32 to index
      %get3A_1122 = tpu.vector_load %arg18[%get3A_1120, %get3A_1121] {strides = array<i32>} : memref<2x512xi32, #tpu.memory_space<vmem>>, vector<16xi32>,
      %mul3A_1123 = arith.constant 24 : i32
      %mul3A_1124 = vector.broadcast %mul3A_1123 : i32 to vector<16xi32>
      %mul3A_1125 = arith.muli %get3A_1122, %mul3A_1124 : vector<16xi32>
      %add3A_1126 = arith.addi %add3A_1119, %mul3A_1125 : vector<16xi32>
      %get3A_1127 = arith.index_cast %select_n3A_198 : i32 to index
      %get3A_1128 = arith.index_cast %add3A_1106 : i32 to index
      %get3A_1129 = tpu.vector_load %arg19[%get3A_1127, %get3A_1128] {strides = array<i32>} : memref<2x512xi32, #tpu.memory_space<vmem>>, vector<16xi32>,
      %add3A_1130 = arith.addi %add3A_1126, %get3A_1129 : vector<16xi32>
      %mul3A_1131 = arith.constant 16 : i32
      %mul3A_1132 = arith.muli %scan3A_1102, %mul3A_1131 : i32
      %swap3A_1133 = arith.constant 2 : i32
      %swap3A_1134 = arith.index_cast %select_n3A_198 : i32 to index
      %swap3A_1135 = arith.index_cast %swap3A_1133 : i32 to index
      %swap3A_1136 = arith.index_cast %mul3A_1132 : i32 to index
      %swap3A_1137 = tpu.vector_load %arg20[%swap3A_1134, %swap3A_1135, %swap3A_1136] {strides = array<i32>} : memref<2x4x128xi32, #tpu.memory_space<vmem>>, vector<16xi32>,
      tpu.vector_store %arg20[%swap3A_1134, %swap3A_1135, %swap3A_1136], %add3A_1130 {strides = array<i32>} : memref<2x4x128xi32, #tpu.memory_space<vmem>>, vector<16xi32>,
      %scan3A_1138 = arith.constant 0 : i32
      %scan3A_1139 = arith.constant 8 : i32
      %scan3A_1140 = arith.constant 0 : i32
      %scan3A_1141 = arith.constant 0 : i32
      %mul3A_1142 = arith.constant 16 : i32
      %mul3A_1143 = arith.muli %scan3A_1141, %mul3A_1142 : i32
      %add3A_1144 = arith.constant 384 : i32
      %add3A_1145 = arith.addi %add3A_1144, %mul3A_1143 : i32
      %get3A_1146 = arith.index_cast %select_n3A_198 : i32 to index
      %get3A_1147 = arith.index_cast %add3A_1145 : i32 to index
      %get3A_1148 = tpu.vector_load %arg16[%get3A_1146, %get3A_1147] {strides = array<i32>} : memref<2x512xi32, #tpu.memory_space<vmem>>, vector<16xi32>,
      %mul3A_1149 = arith.constant 2184 : i32
      %mul3A_1150 = vector.broadcast %mul3A_1149 : i32 to vector<16xi32>
      %mul3A_1151 = arith.muli %get3A_1148, %mul3A_1150 : vector<16xi32>
      %get3A_1152 = arith.index_cast %select_n3A_198 : i32 to index
      %get3A_1153 = arith.index_cast %add3A_1145 : i32 to index
      %get3A_1154 = tpu.vector_load %arg17[%get3A_1152, %get3A_1153] {strides = array<i32>} : memref<2x512xi32, #tpu.memory_space<vmem>>, vector<16xi32>,
      %mul3A_1155 = arith.constant 168 : i32
      %mul3A_1156 = vector.broadcast %mul3A_1155 : i32 to vector<16xi32>
      %mul3A_1157 = arith.muli %get3A_1154, %mul3A_1156 : vector<16xi32>
      %add3A_1158 = arith.addi %mul3A_1151, %mul3A_1157 : vector<16xi32>
      %get3A_1159 = arith.index_cast %select_n3A_198 : i32 to index
      %get3A_1160 = arith.index_cast %add3A_1145 : i32 to index
      %get3A_1161 = tpu.vector_load %arg18[%get3A_1159, %get3A_1160] {strides = array<i32>} : memref<2x512xi32, #tpu.memory_space<vmem>>, vector<16xi32>,
      %mul3A_1162 = arith.constant 24 : i32
      %mul3A_1163 = vector.broadcast %mul3A_1162 : i32 to vector<16xi32>
      %mul3A_1164 = arith.muli %get3A_1161, %mul3A_1163 : vector<16xi32>
      %add3A_1165 = arith.addi %add3A_1158, %mul3A_1164 : vector<16xi32>
      %get3A_1166 = arith.index_cast %select_n3A_198 : i32 to index
      %get3A_1167 = arith.index_cast %add3A_1145 : i32 to index
      %get3A_1168 = tpu.vector_load %arg19[%get3A_1166, %get3A_1167] {strides = array<i32>} : memref<2x512xi32, #tpu.memory_space<vmem>>, vector<16xi32>,
      %add3A_1169 = arith.addi %add3A_1165, %get3A_1168 : vector<16xi32>
      %mul3A_1170 = arith.constant 16 : i32
      %mul3A_1171 = arith.muli %scan3A_1141, %mul3A_1170 : i32
      %swap3A_1172 = arith.constant 3 : i32
      %swap3A_1173 = arith.index_cast %select_n3A_198 : i32 to index
      %swap3A_1174 = arith.index_cast %swap3A_1172 : i32 to index
      %swap3A_1175 = arith.index_cast %mul3A_1171 : i32 to index
      %swap3A_1176 = tpu.vector_load %arg20[%swap3A_1173, %swap3A_1174, %swap3A_1175] {strides = array<i32>} : memref<2x4x128xi32, #tpu.memory_space<vmem>>, vector<16xi32>,
      tpu.vector_store %arg20[%swap3A_1173, %swap3A_1174, %swap3A_1175], %add3A_1169 {strides = array<i32>} : memref<2x4x128xi32, #tpu.memory_space<vmem>>, vector<16xi32>,
      %scan3A_1177 = arith.constant 0 : i32
      %scan3A_1178 = arith.constant 1 : i32
      %mul3A_1179 = arith.constant 16 : i32
      %mul3A_1180 = arith.muli %scan3A_1178, %mul3A_1179 : i32
      %add3A_1181 = arith.constant 384 : i32
      %add3A_1182 = arith.addi %add3A_1181, %mul3A_1180 : i32
      %get3A_1183 = arith.index_cast %select_n3A_198 : i32 to index
      %get3A_1184 = arith.index_cast %add3A_1182 : i32 to index
      %get3A_1185 = tpu.vector_load %arg16[%get3A_1183, %get3A_1184] {strides = array<i32>} : memref<2x512xi32, #tpu.memory_space<vmem>>, vector<16xi32>,
      %mul3A_1186 = arith.constant 2184 : i32
      %mul3A_1187 = vector.broadcast %mul3A_1186 : i32 to vector<16xi32>
      %mul3A_1188 = arith.muli %get3A_1185, %mul3A_1187 : vector<16xi32>
      %get3A_1189 = arith.index_cast %select_n3A_198 : i32 to index
      %get3A_1190 = arith.index_cast %add3A_1182 : i32 to index
      %get3A_1191 = tpu.vector_load %arg17[%get3A_1189, %get3A_1190] {strides = array<i32>} : memref<2x512xi32, #tpu.memory_space<vmem>>, vector<16xi32>,
      %mul3A_1192 = arith.constant 168 : i32
      %mul3A_1193 = vector.broadcast %mul3A_1192 : i32 to vector<16xi32>
      %mul3A_1194 = arith.muli %get3A_1191, %mul3A_1193 : vector<16xi32>
      %add3A_1195 = arith.addi %mul3A_1188, %mul3A_1194 : vector<16xi32>
      %get3A_1196 = arith.index_cast %select_n3A_198 : i32 to index
      %get3A_1197 = arith.index_cast %add3A_1182 : i32 to index
      %get3A_1198 = tpu.vector_load %arg18[%get3A_1196, %get3A_1197] {strides = array<i32>} : memref<2x512xi32, #tpu.memory_space<vmem>>, vector<16xi32>,
      %mul3A_1199 = arith.constant 24 : i32
      %mul3A_1200 = vector.broadcast %mul3A_1199 : i32 to vector<16xi32>
      %mul3A_1201 = arith.muli %get3A_1198, %mul3A_1200 : vector<16xi32>
      %add3A_1202 = arith.addi %add3A_1195, %mul3A_1201 : vector<16xi32>
      %get3A_1203 = arith.index_cast %select_n3A_198 : i32 to index
      %get3A_1204 = arith.index_cast %add3A_1182 : i32 to index
      %get3A_1205 = tpu.vector_load %arg19[%get3A_1203, %get3A_1204] {strides = array<i32>} : memref<2x512xi32, #tpu.memory_space<vmem>>, vector<16xi32>,
      %add3A_1206 = arith.addi %add3A_1202, %get3A_1205 : vector<16xi32>
      %mul3A_1207 = arith.constant 16 : i32
      %mul3A_1208 = arith.muli %scan3A_1178, %mul3A_1207 : i32
      %swap3A_1209 = arith.constant 3 : i32
      %swap3A_1210 = arith.index_cast %select_n3A_198 : i32 to index
      %swap3A_1211 = arith.index_cast %swap3A_1209 : i32 to index
      %swap3A_1212 = arith.index_cast %mul3A_1208 : i32 to index
      %swap3A_1213 = tpu.vector_load %arg20[%swap3A_1210, %swap3A_1211, %swap3A_1212] {strides = array<i32>} : memref<2x4x128xi32, #tpu.memory_space<vmem>>, vector<16xi32>,
      tpu.vector_store %arg20[%swap3A_1210, %swap3A_1211, %swap3A_1212], %add3A_1206 {strides = array<i32>} : memref<2x4x128xi32, #tpu.memory_space<vmem>>, vector<16xi32>,
      %scan3A_1214 = arith.constant 0 : i32
      %scan3A_1215 = arith.constant 2 : i32
      %mul3A_1216 = arith.constant 16 : i32
      %mul3A_1217 = arith.muli %scan3A_1215, %mul3A_1216 : i32
      %add3A_1218 = arith.constant 384 : i32
      %add3A_1219 = arith.addi %add3A_1218, %mul3A_1217 : i32
      %get3A_1220 = arith.index_cast %select_n3A_198 : i32 to index
      %get3A_1221 = arith.index_cast %add3A_1219 : i32 to index
      %get3A_1222 = tpu.vector_load %arg16[%get3A_1220, %get3A_1221] {strides = array<i32>} : memref<2x512xi32, #tpu.memory_space<vmem>>, vector<16xi32>,
      %mul3A_1223 = arith.constant 2184 : i32
      %mul3A_1224 = vector.broadcast %mul3A_1223 : i32 to vector<16xi32>
      %mul3A_1225 = arith.muli %get3A_1222, %mul3A_1224 : vector<16xi32>
      %get3A_1226 = arith.index_cast %select_n3A_198 : i32 to index
      %get3A_1227 = arith.index_cast %add3A_1219 : i32 to index
      %get3A_1228 = tpu.vector_load %arg17[%get3A_1226, %get3A_1227] {strides = array<i32>} : memref<2x512xi32, #tpu.memory_space<vmem>>, vector<16xi32>,
      %mul3A_1229 = arith.constant 168 : i32
      %mul3A_1230 = vector.broadcast %mul3A_1229 : i32 to vector<16xi32>
      %mul3A_1231 = arith.muli %get3A_1228, %mul3A_1230 : vector<16xi32>
      %add3A_1232 = arith.addi %mul3A_1225, %mul3A_1231 : vector<16xi32>
      %get3A_1233 = arith.index_cast %select_n3A_198 : i32 to index
      %get3A_1234 = arith.index_cast %add3A_1219 : i32 to index
      %get3A_1235 = tpu.vector_load %arg18[%get3A_1233, %get3A_1234] {strides = array<i32>} : memref<2x512xi32, #tpu.memory_space<vmem>>, vector<16xi32>,
      %mul3A_1236 = arith.constant 24 : i32
      %mul3A_1237 = vector.broadcast %mul3A_1236 : i32 to vector<16xi32>
      %mul3A_1238 = arith.muli %get3A_1235, %mul3A_1237 : vector<16xi32>
      %add3A_1239 = arith.addi %add3A_1232, %mul3A_1238 : vector<16xi32>
      %get3A_1240 = arith.index_cast %select_n3A_198 : i32 to index
      %get3A_1241 = arith.index_cast %add3A_1219 : i32 to index
      %get3A_1242 = tpu.vector_load %arg19[%get3A_1240, %get3A_1241] {strides = array<i32>} : memref<2x512xi32, #tpu.memory_space<vmem>>, vector<16xi32>,
      %add3A_1243 = arith.addi %add3A_1239, %get3A_1242 : vector<16xi32>
      %mul3A_1244 = arith.constant 16 : i32
      %mul3A_1245 = arith.muli %scan3A_1215, %mul3A_1244 : i32
      %swap3A_1246 = arith.constant 3 : i32
      %swap3A_1247 = arith.index_cast %select_n3A_198 : i32 to index
      %swap3A_1248 = arith.index_cast %swap3A_1246 : i32 to index
      %swap3A_1249 = arith.index_cast %mul3A_1245 : i32 to index
      %swap3A_1250 = tpu.vector_load %arg20[%swap3A_1247, %swap3A_1248, %swap3A_1249] {strides = array<i32>} : memref<2x4x128xi32, #tpu.memory_space<vmem>>, vector<16xi32>,
      tpu.vector_store %arg20[%swap3A_1247, %swap3A_1248, %swap3A_1249], %add3A_1243 {strides = array<i32>} : memref<2x4x128xi32, #tpu.memory_space<vmem>>, vector<16xi32>,
      %scan3A_1251 = arith.constant 0 : i32
      %scan3A_1252 = arith.constant 3 : i32
      %mul3A_1253 = arith.constant 16 : i32
      %mul3A_1254 = arith.muli %scan3A_1252, %mul3A_1253 : i32
      %add3A_1255 = arith.constant 384 : i32
      %add3A_1256 = arith.addi %add3A_1255, %mul3A_1254 : i32
      %get3A_1257 = arith.index_cast %select_n3A_198 : i32 to index
      %get3A_1258 = arith.index_cast %add3A_1256 : i32 to index
      %get3A_1259 = tpu.vector_load %arg16[%get3A_1257, %get3A_1258] {strides = array<i32>} : memref<2x512xi32, #tpu.memory_space<vmem>>, vector<16xi32>,
      %mul3A_1260 = arith.constant 2184 : i32
      %mul3A_1261 = vector.broadcast %mul3A_1260 : i32 to vector<16xi32>
      %mul3A_1262 = arith.muli %get3A_1259, %mul3A_1261 : vector<16xi32>
      %get3A_1263 = arith.index_cast %select_n3A_198 : i32 to index
      %get3A_1264 = arith.index_cast %add3A_1256 : i32 to index
      %get3A_1265 = tpu.vector_load %arg17[%get3A_1263, %get3A_1264] {strides = array<i32>} : memref<2x512xi32, #tpu.memory_space<vmem>>, vector<16xi32>,
      %mul3A_1266 = arith.constant 168 : i32
      %mul3A_1267 = vector.broadcast %mul3A_1266 : i32 to vector<16xi32>
      %mul3A_1268 = arith.muli %get3A_1265, %mul3A_1267 : vector<16xi32>
      %add3A_1269 = arith.addi %mul3A_1262, %mul3A_1268 : vector<16xi32>
      %get3A_1270 = arith.index_cast %select_n3A_198 : i32 to index
      %get3A_1271 = arith.index_cast %add3A_1256 : i32 to index
      %get3A_1272 = tpu.vector_load %arg18[%get3A_1270, %get3A_1271] {strides = array<i32>} : memref<2x512xi32, #tpu.memory_space<vmem>>, vector<16xi32>,
      %mul3A_1273 = arith.constant 24 : i32
      %mul3A_1274 = vector.broadcast %mul3A_1273 : i32 to vector<16xi32>
      %mul3A_1275 = arith.muli %get3A_1272, %mul3A_1274 : vector<16xi32>
      %add3A_1276 = arith.addi %add3A_1269, %mul3A_1275 : vector<16xi32>
      %get3A_1277 = arith.index_cast %select_n3A_198 : i32 to index
      %get3A_1278 = arith.index_cast %add3A_1256 : i32 to index
      %get3A_1279 = tpu.vector_load %arg19[%get3A_1277, %get3A_1278] {strides = array<i32>} : memref<2x512xi32, #tpu.memory_space<vmem>>, vector<16xi32>,
      %add3A_1280 = arith.addi %add3A_1276, %get3A_1279 : vector<16xi32>
      %mul3A_1281 = arith.constant 16 : i32
      %mul3A_1282 = arith.muli %scan3A_1252, %mul3A_1281 : i32
      %swap3A_1283 = arith.constant 3 : i32
      %swap3A_1284 = arith.index_cast %select_n3A_198 : i32 to index
      %swap3A_1285 = arith.index_cast %swap3A_1283 : i32 to index
      %swap3A_1286 = arith.index_cast %mul3A_1282 : i32 to index
      %swap3A_1287 = tpu.vector_load %arg20[%swap3A_1284, %swap3A_1285, %swap3A_1286] {strides = array<i32>} : memref<2x4x128xi32, #tpu.memory_space<vmem>>, vector<16xi32>,
      tpu.vector_store %arg20[%swap3A_1284, %swap3A_1285, %swap3A_1286], %add3A_1280 {strides = array<i32>} : memref<2x4x128xi32, #tpu.memory_space<vmem>>, vector<16xi32>,
      %scan3A_1288 = arith.constant 0 : i32
      %scan3A_1289 = arith.constant 4 : i32
      %mul3A_1290 = arith.constant 16 : i32
      %mul3A_1291 = arith.muli %scan3A_1289, %mul3A_1290 : i32
      %add3A_1292 = arith.constant 384 : i32
      %add3A_1293 = arith.addi %add3A_1292, %mul3A_1291 : i32
      %get3A_1294 = arith.index_cast %select_n3A_198 : i32 to index
      %get3A_1295 = arith.index_cast %add3A_1293 : i32 to index
      %get3A_1296 = tpu.vector_load %arg16[%get3A_1294, %get3A_1295] {strides = array<i32>} : memref<2x512xi32, #tpu.memory_space<vmem>>, vector<16xi32>,
      %mul3A_1297 = arith.constant 2184 : i32
      %mul3A_1298 = vector.broadcast %mul3A_1297 : i32 to vector<16xi32>
      %mul3A_1299 = arith.muli %get3A_1296, %mul3A_1298 : vector<16xi32>
      %get3A_1300 = arith.index_cast %select_n3A_198 : i32 to index
      %get3A_1301 = arith.index_cast %add3A_1293 : i32 to index
      %get3A_1302 = tpu.vector_load %arg17[%get3A_1300, %get3A_1301] {strides = array<i32>} : memref<2x512xi32, #tpu.memory_space<vmem>>, vector<16xi32>,
      %mul3A_1303 = arith.constant 168 : i32
      %mul3A_1304 = vector.broadcast %mul3A_1303 : i32 to vector<16xi32>
      %mul3A_1305 = arith.muli %get3A_1302, %mul3A_1304 : vector<16xi32>
      %add3A_1306 = arith.addi %mul3A_1299, %mul3A_1305 : vector<16xi32>
      %get3A_1307 = arith.index_cast %select_n3A_198 : i32 to index
      %get3A_1308 = arith.index_cast %add3A_1293 : i32 to index
      %get3A_1309 = tpu.vector_load %arg18[%get3A_1307, %get3A_1308] {strides = array<i32>} : memref<2x512xi32, #tpu.memory_space<vmem>>, vector<16xi32>,
      %mul3A_1310 = arith.constant 24 : i32
      %mul3A_1311 = vector.broadcast %mul3A_1310 : i32 to vector<16xi32>
      %mul3A_1312 = arith.muli %get3A_1309, %mul3A_1311 : vector<16xi32>
      %add3A_1313 = arith.addi %add3A_1306, %mul3A_1312 : vector<16xi32>
      %get3A_1314 = arith.index_cast %select_n3A_198 : i32 to index
      %get3A_1315 = arith.index_cast %add3A_1293 : i32 to index
      %get3A_1316 = tpu.vector_load %arg19[%get3A_1314, %get3A_1315] {strides = array<i32>} : memref<2x512xi32, #tpu.memory_space<vmem>>, vector<16xi32>,
      %add3A_1317 = arith.addi %add3A_1313, %get3A_1316 : vector<16xi32>
      %mul3A_1318 = arith.constant 16 : i32
      %mul3A_1319 = arith.muli %scan3A_1289, %mul3A_1318 : i32
      %swap3A_1320 = arith.constant 3 : i32
      %swap3A_1321 = arith.index_cast %select_n3A_198 : i32 to index
      %swap3A_1322 = arith.index_cast %swap3A_1320 : i32 to index
      %swap3A_1323 = arith.index_cast %mul3A_1319 : i32 to index
      %swap3A_1324 = tpu.vector_load %arg20[%swap3A_1321, %swap3A_1322, %swap3A_1323] {strides = array<i32>} : memref<2x4x128xi32, #tpu.memory_space<vmem>>, vector<16xi32>,
      tpu.vector_store %arg20[%swap3A_1321, %swap3A_1322, %swap3A_1323], %add3A_1317 {strides = array<i32>} : memref<2x4x128xi32, #tpu.memory_space<vmem>>, vector<16xi32>,
      %scan3A_1325 = arith.constant 0 : i32
      %scan3A_1326 = arith.constant 5 : i32
      %mul3A_1327 = arith.constant 16 : i32
      %mul3A_1328 = arith.muli %scan3A_1326, %mul3A_1327 : i32
      %add3A_1329 = arith.constant 384 : i32
      %add3A_1330 = arith.addi %add3A_1329, %mul3A_1328 : i32
      %get3A_1331 = arith.index_cast %select_n3A_198 : i32 to index
      %get3A_1332 = arith.index_cast %add3A_1330 : i32 to index
      %get3A_1333 = tpu.vector_load %arg16[%get3A_1331, %get3A_1332] {strides = array<i32>} : memref<2x512xi32, #tpu.memory_space<vmem>>, vector<16xi32>,
      %mul3A_1334 = arith.constant 2184 : i32
      %mul3A_1335 = vector.broadcast %mul3A_1334 : i32 to vector<16xi32>
      %mul3A_1336 = arith.muli %get3A_1333, %mul3A_1335 : vector<16xi32>
      %get3A_1337 = arith.index_cast %select_n3A_198 : i32 to index
      %get3A_1338 = arith.index_cast %add3A_1330 : i32 to index
      %get3A_1339 = tpu.vector_load %arg17[%get3A_1337, %get3A_1338] {strides = array<i32>} : memref<2x512xi32, #tpu.memory_space<vmem>>, vector<16xi32>,
      %mul3A_1340 = arith.constant 168 : i32
      %mul3A_1341 = vector.broadcast %mul3A_1340 : i32 to vector<16xi32>
      %mul3A_1342 = arith.muli %get3A_1339, %mul3A_1341 : vector<16xi32>
      %add3A_1343 = arith.addi %mul3A_1336, %mul3A_1342 : vector<16xi32>
      %get3A_1344 = arith.index_cast %select_n3A_198 : i32 to index
      %get3A_1345 = arith.index_cast %add3A_1330 : i32 to index
      %get3A_1346 = tpu.vector_load %arg18[%get3A_1344, %get3A_1345] {strides = array<i32>} : memref<2x512xi32, #tpu.memory_space<vmem>>, vector<16xi32>,
      %mul3A_1347 = arith.constant 24 : i32
      %mul3A_1348 = vector.broadcast %mul3A_1347 : i32 to vector<16xi32>
      %mul3A_1349 = arith.muli %get3A_1346, %mul3A_1348 : vector<16xi32>
      %add3A_1350 = arith.addi %add3A_1343, %mul3A_1349 : vector<16xi32>
      %get3A_1351 = arith.index_cast %select_n3A_198 : i32 to index
      %get3A_1352 = arith.index_cast %add3A_1330 : i32 to index
      %get3A_1353 = tpu.vector_load %arg19[%get3A_1351, %get3A_1352] {strides = array<i32>} : memref<2x512xi32, #tpu.memory_space<vmem>>, vector<16xi32>,
      %add3A_1354 = arith.addi %add3A_1350, %get3A_1353 : vector<16xi32>
      %mul3A_1355 = arith.constant 16 : i32
      %mul3A_1356 = arith.muli %scan3A_1326, %mul3A_1355 : i32
      %swap3A_1357 = arith.constant 3 : i32
      %swap3A_1358 = arith.index_cast %select_n3A_198 : i32 to index
      %swap3A_1359 = arith.index_cast %swap3A_1357 : i32 to index
      %swap3A_1360 = arith.index_cast %mul3A_1356 : i32 to index
      %swap3A_1361 = tpu.vector_load %arg20[%swap3A_1358, %swap3A_1359, %swap3A_1360] {strides = array<i32>} : memref<2x4x128xi32, #tpu.memory_space<vmem>>, vector<16xi32>,
      tpu.vector_store %arg20[%swap3A_1358, %swap3A_1359, %swap3A_1360], %add3A_1354 {strides = array<i32>} : memref<2x4x128xi32, #tpu.memory_space<vmem>>, vector<16xi32>,
      %scan3A_1362 = arith.constant 0 : i32
      %scan3A_1363 = arith.constant 6 : i32
      %mul3A_1364 = arith.constant 16 : i32
      %mul3A_1365 = arith.muli %scan3A_1363, %mul3A_1364 : i32
      %add3A_1366 = arith.constant 384 : i32
      %add3A_1367 = arith.addi %add3A_1366, %mul3A_1365 : i32
      %get3A_1368 = arith.index_cast %select_n3A_198 : i32 to index
      %get3A_1369 = arith.index_cast %add3A_1367 : i32 to index
      %get3A_1370 = tpu.vector_load %arg16[%get3A_1368, %get3A_1369] {strides = array<i32>} : memref<2x512xi32, #tpu.memory_space<vmem>>, vector<16xi32>,
      %mul3A_1371 = arith.constant 2184 : i32
      %mul3A_1372 = vector.broadcast %mul3A_1371 : i32 to vector<16xi32>
      %mul3A_1373 = arith.muli %get3A_1370, %mul3A_1372 : vector<16xi32>
      %get3A_1374 = arith.index_cast %select_n3A_198 : i32 to index
      %get3A_1375 = arith.index_cast %add3A_1367 : i32 to index
      %get3A_1376 = tpu.vector_load %arg17[%get3A_1374, %get3A_1375] {strides = array<i32>} : memref<2x512xi32, #tpu.memory_space<vmem>>, vector<16xi32>,
      %mul3A_1377 = arith.constant 168 : i32
      %mul3A_1378 = vector.broadcast %mul3A_1377 : i32 to vector<16xi32>
      %mul3A_1379 = arith.muli %get3A_1376, %mul3A_1378 : vector<16xi32>
      %add3A_1380 = arith.addi %mul3A_1373, %mul3A_1379 : vector<16xi32>
      %get3A_1381 = arith.index_cast %select_n3A_198 : i32 to index
      %get3A_1382 = arith.index_cast %add3A_1367 : i32 to index
      %get3A_1383 = tpu.vector_load %arg18[%get3A_1381, %get3A_1382] {strides = array<i32>} : memref<2x512xi32, #tpu.memory_space<vmem>>, vector<16xi32>,
      %mul3A_1384 = arith.constant 24 : i32
      %mul3A_1385 = vector.broadcast %mul3A_1384 : i32 to vector<16xi32>
      %mul3A_1386 = arith.muli %get3A_1383, %mul3A_1385 : vector<16xi32>
      %add3A_1387 = arith.addi %add3A_1380, %mul3A_1386 : vector<16xi32>
      %get3A_1388 = arith.index_cast %select_n3A_198 : i32 to index
      %get3A_1389 = arith.index_cast %add3A_1367 : i32 to index
      %get3A_1390 = tpu.vector_load %arg19[%get3A_1388, %get3A_1389] {strides = array<i32>} : memref<2x512xi32, #tpu.memory_space<vmem>>, vector<16xi32>,
      %add3A_1391 = arith.addi %add3A_1387, %get3A_1390 : vector<16xi32>
      %mul3A_1392 = arith.constant 16 : i32
      %mul3A_1393 = arith.muli %scan3A_1363, %mul3A_1392 : i32
      %swap3A_1394 = arith.constant 3 : i32
      %swap3A_1395 = arith.index_cast %select_n3A_198 : i32 to index
      %swap3A_1396 = arith.index_cast %swap3A_1394 : i32 to index
      %swap3A_1397 = arith.index_cast %mul3A_1393 : i32 to index
      %swap3A_1398 = tpu.vector_load %arg20[%swap3A_1395, %swap3A_1396, %swap3A_1397] {strides = array<i32>} : memref<2x4x128xi32, #tpu.memory_space<vmem>>, vector<16xi32>,
      tpu.vector_store %arg20[%swap3A_1395, %swap3A_1396, %swap3A_1397], %add3A_1391 {strides = array<i32>} : memref<2x4x128xi32, #tpu.memory_space<vmem>>, vector<16xi32>,
      %scan3A_1399 = arith.constant 0 : i32
      %scan3A_1400 = arith.constant 7 : i32
      %mul3A_1401 = arith.constant 16 : i32
      %mul3A_1402 = arith.muli %scan3A_1400, %mul3A_1401 : i32
      %add3A_1403 = arith.constant 384 : i32
      %add3A_1404 = arith.addi %add3A_1403, %mul3A_1402 : i32
      %get3A_1405 = arith.index_cast %select_n3A_198 : i32 to index
      %get3A_1406 = arith.index_cast %add3A_1404 : i32 to index
      %get3A_1407 = tpu.vector_load %arg16[%get3A_1405, %get3A_1406] {strides = array<i32>} : memref<2x512xi32, #tpu.memory_space<vmem>>, vector<16xi32>,
      %mul3A_1408 = arith.constant 2184 : i32
      %mul3A_1409 = vector.broadcast %mul3A_1408 : i32 to vector<16xi32>
      %mul3A_1410 = arith.muli %get3A_1407, %mul3A_1409 : vector<16xi32>
      %get3A_1411 = arith.index_cast %select_n3A_198 : i32 to index
      %get3A_1412 = arith.index_cast %add3A_1404 : i32 to index
      %get3A_1413 = tpu.vector_load %arg17[%get3A_1411, %get3A_1412] {strides = array<i32>} : memref<2x512xi32, #tpu.memory_space<vmem>>, vector<16xi32>,
      %mul3A_1414 = arith.constant 168 : i32
      %mul3A_1415 = vector.broadcast %mul3A_1414 : i32 to vector<16xi32>
      %mul3A_1416 = arith.muli %get3A_1413, %mul3A_1415 : vector<16xi32>
      %add3A_1417 = arith.addi %mul3A_1410, %mul3A_1416 : vector<16xi32>
      %get3A_1418 = arith.index_cast %select_n3A_198 : i32 to index
      %get3A_1419 = arith.index_cast %add3A_1404 : i32 to index
      %get3A_1420 = tpu.vector_load %arg18[%get3A_1418, %get3A_1419] {strides = array<i32>} : memref<2x512xi32, #tpu.memory_space<vmem>>, vector<16xi32>,
      %mul3A_1421 = arith.constant 24 : i32
      %mul3A_1422 = vector.broadcast %mul3A_1421 : i32 to vector<16xi32>
      %mul3A_1423 = arith.muli %get3A_1420, %mul3A_1422 : vector<16xi32>
      %add3A_1424 = arith.addi %add3A_1417, %mul3A_1423 : vector<16xi32>
      %get3A_1425 = arith.index_cast %select_n3A_198 : i32 to index
      %get3A_1426 = arith.index_cast %add3A_1404 : i32 to index
      %get3A_1427 = tpu.vector_load %arg19[%get3A_1425, %get3A_1426] {strides = array<i32>} : memref<2x512xi32, #tpu.memory_space<vmem>>, vector<16xi32>,
      %add3A_1428 = arith.addi %add3A_1424, %get3A_1427 : vector<16xi32>
      %mul3A_1429 = arith.constant 16 : i32
      %mul3A_1430 = arith.muli %scan3A_1400, %mul3A_1429 : i32
      %swap3A_1431 = arith.constant 3 : i32
      %swap3A_1432 = arith.index_cast %select_n3A_198 : i32 to index
      %swap3A_1433 = arith.index_cast %swap3A_1431 : i32 to index
      %swap3A_1434 = arith.index_cast %mul3A_1430 : i32 to index
      %swap3A_1435 = tpu.vector_load %arg20[%swap3A_1432, %swap3A_1433, %swap3A_1434] {strides = array<i32>} : memref<2x4x128xi32, #tpu.memory_space<vmem>>, vector<16xi32>,
      tpu.vector_store %arg20[%swap3A_1432, %swap3A_1433, %swap3A_1434], %add3A_1428 {strides = array<i32>} : memref<2x4x128xi32, #tpu.memory_space<vmem>>, vector<16xi32>,
      %scan3A_1436 = arith.constant 0 : i32
      %scan3A_1437 = arith.constant 8 : i32
      %ge3A = arith.constant 2 : i32
      %ge3A_1438 = arith.cmpi sge, %scan3A_183, %ge3A : i32
      %convert_element_type3A_1439 = arith.extui %ge3A_1438 : i1 to i32
      %cond3A_1440 = arith.constant 0 : i32
      %cond3A_1441 = arith.cmpi ne, %convert_element_type3A_1439, %cond3A_1440 : i32
      scf.if %cond3A_1441 {
        %dma_wait3A_1599 = arith.constant 0 : i32
        %dma_wait3A_1600 = arith.constant 0 : i32
        %dma_wait3A_1601 = tpu.memref_slice %arg21[%select_n3A_198, %dma_wait3A_1599, %dma_wait3A_1600] : memref<2x512x64xf32, #tpu.memory_space<vmem>> -> memref<1x512x64xf32, #tpu.memory_space<vmem>>
        %dma_wait3A_1602 = tpu.memref_squeeze %dma_wait3A_1601 : memref<1x512x64xf32, #tpu.memory_space<vmem>> -> memref<512x64xf32, #tpu.memory_space<vmem>>
        %dma_wait3A_1603 = arith.constant 0 : i32
        %dma_wait3A_1604 = arith.constant 0 : i32
        %dma_wait3A_1605 = tpu.memref_slice %arg10[%dma_wait3A_1603, %dma_wait3A_1604] : memref<3276800x64xf32, #tpu.memory_space<hbm>> -> memref<512x64xf32, #tpu.memory_space<hbm>>
        %dma_wait3A_1606 = arith.constant 0 : i32
        %dma_wait3A_1607 = arith.constant 0 : i32
        %dma_wait3A_1608 = tpu.memref_slice %arg10[%dma_wait3A_1606, %dma_wait3A_1607] : memref<3276800x64xf32, #tpu.memory_space<hbm>> -> memref<512x64xf32, #tpu.memory_space<hbm>>
        %dma_wait3A_1609 = arith.constant 0 : i32
        %dma_wait3A_1610 = arith.constant 0 : i32
        %dma_wait3A_1611 = tpu.memref_slice %arg21[%select_n3A_198, %dma_wait3A_1609, %dma_wait3A_1610] : memref<2x512x64xf32, #tpu.memory_space<vmem>> -> memref<1x512x64xf32, #tpu.memory_space<vmem>>
        %dma_wait3A_1612 = tpu.memref_squeeze %dma_wait3A_1611 : memref<1x512x64xf32, #tpu.memory_space<vmem>> -> memref<512x64xf32, #tpu.memory_space<vmem>>
        tpu.wait_dma2 semaphore(%arg26 : memref<!tpu.dma_semaphore, #tpu.memory_space<semaphore_mem>>) src(%dma_wait3A_1612 : memref<512x64xf32, #tpu.memory_space<vmem>>) dst(%dma_wait3A_1608 : memref<512x64xf32, #tpu.memory_space<hbm>>)
      } else {
      }
      %dma_start3A_1442 = arith.constant 0 : i32
      %dma_start3A_1443 = arith.constant 0 : i32
      %dma_start3A_1444 = arith.constant 0 : i32
      %dma_start3A_1445 = tpu.memref_slice %arg21[%select_n3A_198, %dma_start3A_1443, %dma_start3A_1444] : memref<2x512x64xf32, #tpu.memory_space<vmem>> -> memref<1x512x64xf32, #tpu.memory_space<vmem>>
      %dma_start3A_1446 = tpu.memref_squeeze %dma_start3A_1445 : memref<1x512x64xf32, #tpu.memory_space<vmem>> -> memref<512x64xf32, #tpu.memory_space<vmem>>
      %dma_start3A_1447 = arith.constant 0 : i32
      %dma_start3A_1448 = arith.constant 0 : i32
      %dma_start3A_1449 = tpu.memref_slice %dma_start3A_1446[%dma_start3A_1447, %dma_start3A_1448] : memref<512x64xf32, #tpu.memory_space<vmem>> -> memref<128x64xf32, #tpu.memory_space<vmem>>
      %dma_start3A_1450 = arith.constant 0 : i32
      %dma_start3A_1451 = tpu.memref_slice %arg20[%select_n3A_198, %dma_start3A_1442, %dma_start3A_1450] : memref<2x4x128xi32, #tpu.memory_space<vmem>> -> memref<1x1x128xi32, #tpu.memory_space<vmem>>
      %dma_start3A_1452 = tpu.memref_squeeze %dma_start3A_1451 : memref<1x1x128xi32, #tpu.memory_space<vmem>> -> memref<128xi32, #tpu.memory_space<vmem>>
      %dma_start3A_1453 = arith.constant 0 : i32
      %dma_start3A_1454 = arith.constant 0 : i32
      %dma_start3A_1455 = tpu.memref_slice %arg22[%arg0, %dma_start3A_1453, %dma_start3A_1454] : memref<2x218400x64xf32, #tpu.memory_space<hbm>> -> memref<1x218400x64xf32, #tpu.memory_space<hbm>>
      %dma_start3A_1456 = tpu.memref_squeeze %dma_start3A_1455 : memref<1x218400x64xf32, #tpu.memory_space<hbm>> -> memref<218400x64xf32, #tpu.memory_space<hbm>>
      %dma_start3A_1457 = arith.constant 0 : i32
      %dma_start3A_1458 = arith.constant 0 : i32
      %dma_start3A_1459 = tpu.memref_slice %dma_start3A_1456[%dma_start3A_1457, %dma_start3A_1458] : memref<218400x64xf32, #tpu.memory_space<hbm>> -> memref<218400x64xf32, #tpu.memory_space<hbm>>
      tpu.enqueue_indirect_dma source(%dma_start3A_1459 : memref<218400x64xf32, #tpu.memory_space<hbm>>) target(%dma_start3A_1449 : memref<128x64xf32, #tpu.memory_space<vmem>>) offsets(%dma_start3A_1452 : memref<128xi32, #tpu.memory_space<vmem>>) semaphore(%arg25 : memref<!tpu.dma_semaphore, #tpu.memory_space<semaphore_mem>>)
      %dma_start3A_1460 = arith.constant 1 : i32
      %dma_start3A_1461 = arith.constant 0 : i32
      %dma_start3A_1462 = arith.constant 0 : i32
      %dma_start3A_1463 = tpu.memref_slice %arg21[%select_n3A_198, %dma_start3A_1461, %dma_start3A_1462] : memref<2x512x64xf32, #tpu.memory_space<vmem>> -> memref<1x512x64xf32, #tpu.memory_space<vmem>>
      %dma_start3A_1464 = tpu.memref_squeeze %dma_start3A_1463 : memref<1x512x64xf32, #tpu.memory_space<vmem>> -> memref<512x64xf32, #tpu.memory_space<vmem>>
      %dma_start3A_1465 = arith.constant 128 : i32
      %dma_start3A_1466 = arith.constant 0 : i32
      %dma_start3A_1467 = tpu.memref_slice %dma_start3A_1464[%dma_start3A_1465, %dma_start3A_1466] : memref<512x64xf32, #tpu.memory_space<vmem>> -> memref<128x64xf32, #tpu.memory_space<vmem>>
      %dma_start3A_1468 = arith.constant 0 : i32
      %dma_start3A_1469 = tpu.memref_slice %arg20[%select_n3A_198, %dma_start3A_1460, %dma_start3A_1468] : memref<2x4x128xi32, #tpu.memory_space<vmem>> -> memref<1x1x128xi32, #tpu.memory_space<vmem>>
      %dma_start3A_1470 = tpu.memref_squeeze %dma_start3A_1469 : memref<1x1x128xi32, #tpu.memory_space<vmem>> -> memref<128xi32, #tpu.memory_space<vmem>>
      %dma_start3A_1471 = arith.constant 0 : i32
      %dma_start3A_1472 = arith.constant 0 : i32
      %dma_start3A_1473 = tpu.memref_slice %arg22[%arg0, %dma_start3A_1471, %dma_start3A_1472] : memref<2x218400x64xf32, #tpu.memory_space<hbm>> -> memref<1x218400x64xf32, #tpu.memory_space<hbm>>
      %dma_start3A_1474 = tpu.memref_squeeze %dma_start3A_1473 : memref<1x218400x64xf32, #tpu.memory_space<hbm>> -> memref<218400x64xf32, #tpu.memory_space<hbm>>
      %dma_start3A_1475 = arith.constant 0 : i32
      %dma_start3A_1476 = arith.constant 0 : i32
      %dma_start3A_1477 = tpu.memref_slice %dma_start3A_1474[%dma_start3A_1475, %dma_start3A_1476] : memref<218400x64xf32, #tpu.memory_space<hbm>> -> memref<218400x64xf32, #tpu.memory_space<hbm>>
      tpu.enqueue_indirect_dma source(%dma_start3A_1477 : memref<218400x64xf32, #tpu.memory_space<hbm>>) target(%dma_start3A_1467 : memref<128x64xf32, #tpu.memory_space<vmem>>) offsets(%dma_start3A_1470 : memref<128xi32, #tpu.memory_space<vmem>>) semaphore(%arg25 : memref<!tpu.dma_semaphore, #tpu.memory_space<semaphore_mem>>)
      %dma_start3A_1478 = arith.constant 2 : i32
      %dma_start3A_1479 = arith.constant 0 : i32
      %dma_start3A_1480 = arith.constant 0 : i32
      %dma_start3A_1481 = tpu.memref_slice %arg21[%select_n3A_198, %dma_start3A_1479, %dma_start3A_1480] : memref<2x512x64xf32, #tpu.memory_space<vmem>> -> memref<1x512x64xf32, #tpu.memory_space<vmem>>
      %dma_start3A_1482 = tpu.memref_squeeze %dma_start3A_1481 : memref<1x512x64xf32, #tpu.memory_space<vmem>> -> memref<512x64xf32, #tpu.memory_space<vmem>>
      %dma_start3A_1483 = arith.constant 256 : i32
      %dma_start3A_1484 = arith.constant 0 : i32
      %dma_start3A_1485 = tpu.memref_slice %dma_start3A_1482[%dma_start3A_1483, %dma_start3A_1484] : memref<512x64xf32, #tpu.memory_space<vmem>> -> memref<128x64xf32, #tpu.memory_space<vmem>>
      %dma_start3A_1486 = arith.constant 0 : i32
      %dma_start3A_1487 = tpu.memref_slice %arg20[%select_n3A_198, %dma_start3A_1478, %dma_start3A_1486] : memref<2x4x128xi32, #tpu.memory_space<vmem>> -> memref<1x1x128xi32, #tpu.memory_space<vmem>>
      %dma_start3A_1488 = tpu.memref_squeeze %dma_start3A_1487 : memref<1x1x128xi32, #tpu.memory_space<vmem>> -> memref<128xi32, #tpu.memory_space<vmem>>
      %dma_start3A_1489 = arith.constant 0 : i32
      %dma_start3A_1490 = arith.constant 0 : i32
      %dma_start3A_1491 = tpu.memref_slice %arg22[%arg0, %dma_start3A_1489, %dma_start3A_1490] : memref<2x218400x64xf32, #tpu.memory_space<hbm>> -> memref<1x218400x64xf32, #tpu.memory_space<hbm>>
      %dma_start3A_1492 = tpu.memref_squeeze %dma_start3A_1491 : memref<1x218400x64xf32, #tpu.memory_space<hbm>> -> memref<218400x64xf32, #tpu.memory_space<hbm>>
      %dma_start3A_1493 = arith.constant 0 : i32
      %dma_start3A_1494 = arith.constant 0 : i32
      %dma_start3A_1495 = tpu.memref_slice %dma_start3A_1492[%dma_start3A_1493, %dma_start3A_1494] : memref<218400x64xf32, #tpu.memory_space<hbm>> -> memref<218400x64xf32, #tpu.memory_space<hbm>>
      tpu.enqueue_indirect_dma source(%dma_start3A_1495 : memref<218400x64xf32, #tpu.memory_space<hbm>>) target(%dma_start3A_1485 : memref<128x64xf32, #tpu.memory_space<vmem>>) offsets(%dma_start3A_1488 : memref<128xi32, #tpu.memory_space<vmem>>) semaphore(%arg25 : memref<!tpu.dma_semaphore, #tpu.memory_space<semaphore_mem>>)
      %dma_start3A_1496 = arith.constant 3 : i32
      %dma_start3A_1497 = arith.constant 0 : i32
      %dma_start3A_1498 = arith.constant 0 : i32
      %dma_start3A_1499 = tpu.memref_slice %arg21[%select_n3A_198, %dma_start3A_1497, %dma_start3A_1498] : memref<2x512x64xf32, #tpu.memory_space<vmem>> -> memref<1x512x64xf32, #tpu.memory_space<vmem>>
      %dma_start3A_1500 = tpu.memref_squeeze %dma_start3A_1499 : memref<1x512x64xf32, #tpu.memory_space<vmem>> -> memref<512x64xf32, #tpu.memory_space<vmem>>
      %dma_start3A_1501 = arith.constant 384 : i32
      %dma_start3A_1502 = arith.constant 0 : i32
      %dma_start3A_1503 = tpu.memref_slice %dma_start3A_1500[%dma_start3A_1501, %dma_start3A_1502] : memref<512x64xf32, #tpu.memory_space<vmem>> -> memref<128x64xf32, #tpu.memory_space<vmem>>
      %dma_start3A_1504 = arith.constant 0 : i32
      %dma_start3A_1505 = tpu.memref_slice %arg20[%select_n3A_198, %dma_start3A_1496, %dma_start3A_1504] : memref<2x4x128xi32, #tpu.memory_space<vmem>> -> memref<1x1x128xi32, #tpu.memory_space<vmem>>
      %dma_start3A_1506 = tpu.memref_squeeze %dma_start3A_1505 : memref<1x1x128xi32, #tpu.memory_space<vmem>> -> memref<128xi32, #tpu.memory_space<vmem>>
      %dma_start3A_1507 = arith.constant 0 : i32
      %dma_start3A_1508 = arith.constant 0 : i32
      %dma_start3A_1509 = tpu.memref_slice %arg22[%arg0, %dma_start3A_1507, %dma_start3A_1508] : memref<2x218400x64xf32, #tpu.memory_space<hbm>> -> memref<1x218400x64xf32, #tpu.memory_space<hbm>>
      %dma_start3A_1510 = tpu.memref_squeeze %dma_start3A_1509 : memref<1x218400x64xf32, #tpu.memory_space<hbm>> -> memref<218400x64xf32, #tpu.memory_space<hbm>>
      %dma_start3A_1511 = arith.constant 0 : i32
      %dma_start3A_1512 = arith.constant 0 : i32
      %dma_start3A_1513 = tpu.memref_slice %dma_start3A_1510[%dma_start3A_1511, %dma_start3A_1512] : memref<218400x64xf32, #tpu.memory_space<hbm>> -> memref<218400x64xf32, #tpu.memory_space<hbm>>
      tpu.enqueue_indirect_dma source(%dma_start3A_1513 : memref<218400x64xf32, #tpu.memory_space<hbm>>) target(%dma_start3A_1503 : memref<128x64xf32, #tpu.memory_space<vmem>>) offsets(%dma_start3A_1506 : memref<128xi32, #tpu.memory_space<vmem>>) semaphore(%arg25 : memref<!tpu.dma_semaphore, #tpu.memory_space<semaphore_mem>>)
      %dma_wait3A_1514 = arith.constant 0 : i32
      %dma_wait3A_1515 = arith.constant 0 : i32
      %dma_wait3A_1516 = arith.constant 0 : i32
      %dma_wait3A_1517 = tpu.memref_slice %arg21[%select_n3A_198, %dma_wait3A_1515, %dma_wait3A_1516] : memref<2x512x64xf32, #tpu.memory_space<vmem>> -> memref<1x512x64xf32, #tpu.memory_space<vmem>>
      %dma_wait3A_1518 = tpu.memref_squeeze %dma_wait3A_1517 : memref<1x512x64xf32, #tpu.memory_space<vmem>> -> memref<512x64xf32, #tpu.memory_space<vmem>>
      %dma_wait3A_1519 = arith.constant 0 : i32
      %dma_wait3A_1520 = arith.constant 0 : i32
      %dma_wait3A_1521 = tpu.memref_slice %dma_wait3A_1518[%dma_wait3A_1519, %dma_wait3A_1520] : memref<512x64xf32, #tpu.memory_space<vmem>> -> memref<128x64xf32, #tpu.memory_space<vmem>>
      %dma_wait3A_1522 = arith.constant 0 : i32
      %dma_wait3A_1523 = tpu.memref_slice %arg20[%select_n3A_198, %dma_wait3A_1514, %dma_wait3A_1522] : memref<2x4x128xi32, #tpu.memory_space<vmem>> -> memref<1x1x128xi32, #tpu.memory_space<vmem>>
      %dma_wait3A_1524 = tpu.memref_squeeze %dma_wait3A_1523 : memref<1x1x128xi32, #tpu.memory_space<vmem>> -> memref<128xi32, #tpu.memory_space<vmem>>
      %dma_wait3A_1525 = arith.constant 0 : i32
      %dma_wait3A_1526 = arith.constant 0 : i32
      %dma_wait3A_1527 = tpu.memref_slice %arg22[%arg0, %dma_wait3A_1525, %dma_wait3A_1526] : memref<2x218400x64xf32, #tpu.memory_space<hbm>> -> memref<1x218400x64xf32, #tpu.memory_space<hbm>>
      %dma_wait3A_1528 = tpu.memref_squeeze %dma_wait3A_1527 : memref<1x218400x64xf32, #tpu.memory_space<hbm>> -> memref<218400x64xf32, #tpu.memory_space<hbm>>
      %dma_wait3A_1529 = arith.constant 0 : i32
      %dma_wait3A_1530 = arith.constant 0 : i32
      %dma_wait3A_1531 = tpu.memref_slice %dma_wait3A_1528[%dma_wait3A_1529, %dma_wait3A_1530] : memref<218400x64xf32, #tpu.memory_space<hbm>> -> memref<218400x64xf32, #tpu.memory_space<hbm>>
      tpu.wait_indirect_dma semaphore(%arg25 : memref<!tpu.dma_semaphore, #tpu.memory_space<semaphore_mem>>) src(%dma_wait3A_1531 : memref<218400x64xf32, #tpu.memory_space<hbm>>) dst(%dma_wait3A_1521 : memref<128x64xf32, #tpu.memory_space<vmem>>)
      %dma_wait3A_1532 = arith.constant 1 : i32
      %dma_wait3A_1533 = arith.constant 0 : i32
      %dma_wait3A_1534 = arith.constant 0 : i32
      %dma_wait3A_1535 = tpu.memref_slice %arg21[%select_n3A_198, %dma_wait3A_1533, %dma_wait3A_1534] : memref<2x512x64xf32, #tpu.memory_space<vmem>> -> memref<1x512x64xf32, #tpu.memory_space<vmem>>
      %dma_wait3A_1536 = tpu.memref_squeeze %dma_wait3A_1535 : memref<1x512x64xf32, #tpu.memory_space<vmem>> -> memref<512x64xf32, #tpu.memory_space<vmem>>
      %dma_wait3A_1537 = arith.constant 128 : i32
      %dma_wait3A_1538 = arith.constant 0 : i32
      %dma_wait3A_1539 = tpu.memref_slice %dma_wait3A_1536[%dma_wait3A_1537, %dma_wait3A_1538] : memref<512x64xf32, #tpu.memory_space<vmem>> -> memref<128x64xf32, #tpu.memory_space<vmem>>
      %dma_wait3A_1540 = arith.constant 0 : i32
      %dma_wait3A_1541 = tpu.memref_slice %arg20[%select_n3A_198, %dma_wait3A_1532, %dma_wait3A_1540] : memref<2x4x128xi32, #tpu.memory_space<vmem>> -> memref<1x1x128xi32, #tpu.memory_space<vmem>>
      %dma_wait3A_1542 = tpu.memref_squeeze %dma_wait3A_1541 : memref<1x1x128xi32, #tpu.memory_space<vmem>> -> memref<128xi32, #tpu.memory_space<vmem>>
      %dma_wait3A_1543 = arith.constant 0 : i32
      %dma_wait3A_1544 = arith.constant 0 : i32
      %dma_wait3A_1545 = tpu.memref_slice %arg22[%arg0, %dma_wait3A_1543, %dma_wait3A_1544] : memref<2x218400x64xf32, #tpu.memory_space<hbm>> -> memref<1x218400x64xf32, #tpu.memory_space<hbm>>
      %dma_wait3A_1546 = tpu.memref_squeeze %dma_wait3A_1545 : memref<1x218400x64xf32, #tpu.memory_space<hbm>> -> memref<218400x64xf32, #tpu.memory_space<hbm>>
      %dma_wait3A_1547 = arith.constant 0 : i32
      %dma_wait3A_1548 = arith.constant 0 : i32
      %dma_wait3A_1549 = tpu.memref_slice %dma_wait3A_1546[%dma_wait3A_1547, %dma_wait3A_1548] : memref<218400x64xf32, #tpu.memory_space<hbm>> -> memref<218400x64xf32, #tpu.memory_space<hbm>>
      tpu.wait_indirect_dma semaphore(%arg25 : memref<!tpu.dma_semaphore, #tpu.memory_space<semaphore_mem>>) src(%dma_wait3A_1549 : memref<218400x64xf32, #tpu.memory_space<hbm>>) dst(%dma_wait3A_1539 : memref<128x64xf32, #tpu.memory_space<vmem>>)
      %dma_wait3A_1550 = arith.constant 2 : i32
      %dma_wait3A_1551 = arith.constant 0 : i32
      %dma_wait3A_1552 = arith.constant 0 : i32
      %dma_wait3A_1553 = tpu.memref_slice %arg21[%select_n3A_198, %dma_wait3A_1551, %dma_wait3A_1552] : memref<2x512x64xf32, #tpu.memory_space<vmem>> -> memref<1x512x64xf32, #tpu.memory_space<vmem>>
      %dma_wait3A_1554 = tpu.memref_squeeze %dma_wait3A_1553 : memref<1x512x64xf32, #tpu.memory_space<vmem>> -> memref<512x64xf32, #tpu.memory_space<vmem>>
      %dma_wait3A_1555 = arith.constant 256 : i32
      %dma_wait3A_1556 = arith.constant 0 : i32
      %dma_wait3A_1557 = tpu.memref_slice %dma_wait3A_1554[%dma_wait3A_1555, %dma_wait3A_1556] : memref<512x64xf32, #tpu.memory_space<vmem>> -> memref<128x64xf32, #tpu.memory_space<vmem>>
      %dma_wait3A_1558 = arith.constant 0 : i32
      %dma_wait3A_1559 = tpu.memref_slice %arg20[%select_n3A_198, %dma_wait3A_1550, %dma_wait3A_1558] : memref<2x4x128xi32, #tpu.memory_space<vmem>> -> memref<1x1x128xi32, #tpu.memory_space<vmem>>
      %dma_wait3A_1560 = tpu.memref_squeeze %dma_wait3A_1559 : memref<1x1x128xi32, #tpu.memory_space<vmem>> -> memref<128xi32, #tpu.memory_space<vmem>>
      %dma_wait3A_1561 = arith.constant 0 : i32
      %dma_wait3A_1562 = arith.constant 0 : i32
      %dma_wait3A_1563 = tpu.memref_slice %arg22[%arg0, %dma_wait3A_1561, %dma_wait3A_1562] : memref<2x218400x64xf32, #tpu.memory_space<hbm>> -> memref<1x218400x64xf32, #tpu.memory_space<hbm>>
      %dma_wait3A_1564 = tpu.memref_squeeze %dma_wait3A_1563 : memref<1x218400x64xf32, #tpu.memory_space<hbm>> -> memref<218400x64xf32, #tpu.memory_space<hbm>>
      %dma_wait3A_1565 = arith.constant 0 : i32
      %dma_wait3A_1566 = arith.constant 0 : i32
      %dma_wait3A_1567 = tpu.memref_slice %dma_wait3A_1564[%dma_wait3A_1565, %dma_wait3A_1566] : memref<218400x64xf32, #tpu.memory_space<hbm>> -> memref<218400x64xf32, #tpu.memory_space<hbm>>
      tpu.wait_indirect_dma semaphore(%arg25 : memref<!tpu.dma_semaphore, #tpu.memory_space<semaphore_mem>>) src(%dma_wait3A_1567 : memref<218400x64xf32, #tpu.memory_space<hbm>>) dst(%dma_wait3A_1557 : memref<128x64xf32, #tpu.memory_space<vmem>>)
      %dma_wait3A_1568 = arith.constant 3 : i32
      %dma_wait3A_1569 = arith.constant 0 : i32
      %dma_wait3A_1570 = arith.constant 0 : i32
      %dma_wait3A_1571 = tpu.memref_slice %arg21[%select_n3A_198, %dma_wait3A_1569, %dma_wait3A_1570] : memref<2x512x64xf32, #tpu.memory_space<vmem>> -> memref<1x512x64xf32, #tpu.memory_space<vmem>>
      %dma_wait3A_1572 = tpu.memref_squeeze %dma_wait3A_1571 : memref<1x512x64xf32, #tpu.memory_space<vmem>> -> memref<512x64xf32, #tpu.memory_space<vmem>>
      %dma_wait3A_1573 = arith.constant 384 : i32
      %dma_wait3A_1574 = arith.constant 0 : i32
      %dma_wait3A_1575 = tpu.memref_slice %dma_wait3A_1572[%dma_wait3A_1573, %dma_wait3A_1574] : memref<512x64xf32, #tpu.memory_space<vmem>> -> memref<128x64xf32, #tpu.memory_space<vmem>>
      %dma_wait3A_1576 = arith.constant 0 : i32
      %dma_wait3A_1577 = tpu.memref_slice %arg20[%select_n3A_198, %dma_wait3A_1568, %dma_wait3A_1576] : memref<2x4x128xi32, #tpu.memory_space<vmem>> -> memref<1x1x128xi32, #tpu.memory_space<vmem>>
      %dma_wait3A_1578 = tpu.memref_squeeze %dma_wait3A_1577 : memref<1x1x128xi32, #tpu.memory_space<vmem>> -> memref<128xi32, #tpu.memory_space<vmem>>
      %dma_wait3A_1579 = arith.constant 0 : i32
      %dma_wait3A_1580 = arith.constant 0 : i32
      %dma_wait3A_1581 = tpu.memref_slice %arg22[%arg0, %dma_wait3A_1579, %dma_wait3A_1580] : memref<2x218400x64xf32, #tpu.memory_space<hbm>> -> memref<1x218400x64xf32, #tpu.memory_space<hbm>>
      %dma_wait3A_1582 = tpu.memref_squeeze %dma_wait3A_1581 : memref<1x218400x64xf32, #tpu.memory_space<hbm>> -> memref<218400x64xf32, #tpu.memory_space<hbm>>
      %dma_wait3A_1583 = arith.constant 0 : i32
      %dma_wait3A_1584 = arith.constant 0 : i32
      %dma_wait3A_1585 = tpu.memref_slice %dma_wait3A_1582[%dma_wait3A_1583, %dma_wait3A_1584] : memref<218400x64xf32, #tpu.memory_space<hbm>> -> memref<218400x64xf32, #tpu.memory_space<hbm>>
      tpu.wait_indirect_dma semaphore(%arg25 : memref<!tpu.dma_semaphore, #tpu.memory_space<semaphore_mem>>) src(%dma_wait3A_1585 : memref<218400x64xf32, #tpu.memory_space<hbm>>) dst(%dma_wait3A_1575 : memref<128x64xf32, #tpu.memory_space<vmem>>)
      %dma_start3A_1586 = arith.constant 0 : i32
      %dma_start3A_1587 = arith.constant 0 : i32
      %dma_start3A_1588 = tpu.memref_slice %arg21[%select_n3A_198, %dma_start3A_1586, %dma_start3A_1587] : memref<2x512x64xf32, #tpu.memory_space<vmem>> -> memref<1x512x64xf32, #tpu.memory_space<vmem>>
      %dma_start3A_1589 = tpu.memref_squeeze %dma_start3A_1588 : memref<1x512x64xf32, #tpu.memory_space<vmem>> -> memref<512x64xf32, #tpu.memory_space<vmem>>
      %dma_start3A_1590 = arith.constant 0 : i32
      %dma_start3A_1591 = tpu.memref_slice %arg10[%multiple_of3A_202, %dma_start3A_1590] : memref<3276800x64xf32, #tpu.memory_space<hbm>> -> memref<512x64xf32, #tpu.memory_space<hbm>>
      %dma_start3A_1592 = arith.constant 0 : i32
      %dma_start3A_1593 = tpu.memref_slice %arg10[%multiple_of3A_202, %dma_start3A_1592] : memref<3276800x64xf32, #tpu.memory_space<hbm>> -> memref<512x64xf32, #tpu.memory_space<hbm>>
      %dma_start3A_1594 = arith.constant 0 : i32
      %dma_start3A_1595 = arith.constant 0 : i32
      %dma_start3A_1596 = tpu.memref_slice %arg21[%select_n3A_198, %dma_start3A_1594, %dma_start3A_1595] : memref<2x512x64xf32, #tpu.memory_space<vmem>> -> memref<1x512x64xf32, #tpu.memory_space<vmem>>
      %dma_start3A_1597 = tpu.memref_squeeze %dma_start3A_1596 : memref<1x512x64xf32, #tpu.memory_space<vmem>> -> memref<512x64xf32, #tpu.memory_space<vmem>>
      tpu.enqueue_dma source(%dma_start3A_1597 : memref<512x64xf32, #tpu.memory_space<vmem>>) target(%dma_start3A_1593 : memref<512x64xf32, #tpu.memory_space<hbm>>) target_semaphore(%arg26 : memref<!tpu.dma_semaphore, #tpu.memory_space<semaphore_mem>>)
      %scan3A_1598 = arith.constant 0 : i32
      scf.yield %scan3A_1598 : i32
    }
    %scan3A_152 = arith.constant 200 : i32
    %dma_wait3A_153 = arith.constant 0 : i32
    %dma_wait3A_154 = arith.constant 0 : i32
    %dma_wait3A_155 = arith.constant 0 : i32
    %dma_wait3A_156 = tpu.memref_slice %arg21[%dma_wait3A_153, %dma_wait3A_154, %dma_wait3A_155] : memref<2x512x64xf32, #tpu.memory_space<vmem>> -> memref<1x512x64xf32, #tpu.memory_space<vmem>>
    %dma_wait3A_157 = tpu.memref_squeeze %dma_wait3A_156 : memref<1x512x64xf32, #tpu.memory_space<vmem>> -> memref<512x64xf32, #tpu.memory_space<vmem>>
    %dma_wait3A_158 = arith.constant 0 : i32
    %dma_wait3A_159 = arith.constant 0 : i32
    %dma_wait3A_160 = tpu.memref_slice %arg10[%dma_wait3A_158, %dma_wait3A_159] : memref<3276800x64xf32, #tpu.memory_space<hbm>> -> memref<512x64xf32, #tpu.memory_space<hbm>>
    %dma_wait3A_161 = arith.constant 0 : i32
    %dma_wait3A_162 = arith.constant 0 : i32
    %dma_wait3A_163 = tpu.memref_slice %arg10[%dma_wait3A_161, %dma_wait3A_162] : memref<3276800x64xf32, #tpu.memory_space<hbm>> -> memref<512x64xf32, #tpu.memory_space<hbm>>
    %dma_wait3A_164 = arith.constant 0 : i32
    %dma_wait3A_165 = arith.constant 0 : i32
    %dma_wait3A_166 = tpu.memref_slice %arg21[%dma_wait3A_153, %dma_wait3A_164, %dma_wait3A_165] : memref<2x512x64xf32, #tpu.memory_space<vmem>> -> memref<1x512x64xf32, #tpu.memory_space<vmem>>
    %dma_wait3A_167 = tpu.memref_squeeze %dma_wait3A_166 : memref<1x512x64xf32, #tpu.memory_space<vmem>> -> memref<512x64xf32, #tpu.memory_space<vmem>>
    tpu.wait_dma2 semaphore(%arg26 : memref<!tpu.dma_semaphore, #tpu.memory_space<semaphore_mem>>) src(%dma_wait3A_167 : memref<512x64xf32, #tpu.memory_space<vmem>>) dst(%dma_wait3A_163 : memref<512x64xf32, #tpu.memory_space<hbm>>)
    %dma_wait3A_168 = arith.constant 0 : i32
    %dma_wait3A_169 = arith.constant 0 : i32
    %dma_wait3A_170 = arith.constant 0 : i32
    %dma_wait3A_171 = tpu.memref_slice %arg21[%dma_wait3A_168, %dma_wait3A_169, %dma_wait3A_170] : memref<2x512x64xf32, #tpu.memory_space<vmem>> -> memref<1x512x64xf32, #tpu.memory_space<vmem>>
    %dma_wait3A_172 = tpu.memref_squeeze %dma_wait3A_171 : memref<1x512x64xf32, #tpu.memory_space<vmem>> -> memref<512x64xf32, #tpu.memory_space<vmem>>
    %dma_wait3A_173 = arith.constant 0 : i32
    %dma_wait3A_174 = arith.constant 0 : i32
    %dma_wait3A_175 = tpu.memref_slice %arg10[%dma_wait3A_173, %dma_wait3A_174] : memref<3276800x64xf32, #tpu.memory_space<hbm>> -> memref<512x64xf32, #tpu.memory_space<hbm>>
    %dma_wait3A_176 = arith.constant 0 : i32
    %dma_wait3A_177 = arith.constant 0 : i32
    %dma_wait3A_178 = tpu.memref_slice %arg10[%dma_wait3A_176, %dma_wait3A_177] : memref<3276800x64xf32, #tpu.memory_space<hbm>> -> memref<512x64xf32, #tpu.memory_space<hbm>>
    %dma_wait3A_179 = arith.constant 0 : i32
    %dma_wait3A_180 = arith.constant 0 : i32
    %dma_wait3A_181 = tpu.memref_slice %arg21[%dma_wait3A_168, %dma_wait3A_179, %dma_wait3A_180] : memref<2x512x64xf32, #tpu.memory_space<vmem>> -> memref<1x512x64xf32, #tpu.memory_space<vmem>>
    %dma_wait3A_182 = tpu.memref_squeeze %dma_wait3A_181 : memref<1x512x64xf32, #tpu.memory_space<vmem>> -> memref<512x64xf32, #tpu.memory_space<vmem>>
    tpu.wait_dma2 semaphore(%arg26 : memref<!tpu.dma_semaphore, #tpu.memory_space<semaphore_mem>>) src(%dma_wait3A_182 : memref<512x64xf32, #tpu.memory_space<vmem>>) dst(%dma_wait3A_178 : memref<512x64xf32, #tpu.memory_space<hbm>>)
    return
  }
}

</mosaic_0001>

<sc_bundles>
// kernel: _run.3.cloned.1.call-start
scs
__scs_entry_jumppad:
0x0: {  	(pc) =	sbr.rel $0x88, $3  }
0x1: {  	(tag) =	ssettag $0x0;
	lr =	simm.s32 $0x1  }
0x2: {  	[smem:$0x3F99] =	sst lr;
	_ =	strace $0xD0000000  }
0x3: {  	_ = 	snop  }
0x4: {  	_ = 	snop  }
0x5: {  	_ = 	snop  }
0x6: {  	_ = 	snop  }
0x7: {  	_ = 	snop  }
__scs_overlays_trampoline_lowered:
0x8: {  	[smem:$0x3FA8] =	sst s0  }
0x9: {  	[smem:$0x3FA9] =	sst s1  }
0xa: {  	[smem:$0x3FAA] =	sst s2  }
0xb: {  	[smem:$0x3FAB] =	sst s3  }
0xc: {  	[smem:$0x3FAC] =	sst s4  }
0xd: {  	[smem:$0x3FAD] =	sst s5  }
0xe: {  	[smem:$0x3FAE] =	sst s6  }
0xf: {  	[smem:$0x3FAF] =	sst s7  }
0x10: {  	[smem:$0x3FB0] =	sst s8  }
0x11: {  	[smem:$0x3FB1] =	sst s9;
	s0 =	simm.s32 @!p0 $0x0  }
0x12: {  	s1 =	sld [smem:$0x3F97];
	s0 =	simm.s32 @p0 $0x1  }
0x13: {  	[smem:$0x3FB2] =	sst s0;
	s0 =	simm.s32 @!p1 $0x0  }
0x14: {  	s2 =	sld [smem:$0x3F96];
	s0 =	simm.s32 @p1 $0x1  }
0x15: {  	[smem:$0x3FB3] =	sst s0;
	s0 =	simm.s32 @!p2 $0x0  }
0x16: {  	s3 =	sld [smem:$0x3FDB];
	s0 =	simm.s32 @p2 $0x1  }
0x17: {  	s4 =	simm.s32 $0x1BF5;
	[smem:$0x3FB5] =	sst s0  }
0x18: {  	s0 =	sld [smem:$0x3F98];
	_ =	swait.ge [sflag:s4], $0x0  }
0x19: {  	s7 =	sld [smem:$0x3F99]  }
0x1a: {  	s8 =	sadd.s32 $0xFFFFE003, lr  }
0x1b: {  	s9 =	sadd.s32 $0xFFFFFEF7, lr;
	s5 =	simm.s32 $0xFFFFFFFF;
	p2 =	slt.u32 s8, $0xFFFFF086  }
0x1c: {  	p1 =	slt.u32 s9, $0xF7A;
	s5 =	simm.s32 @!p2 $0x0  }
0x1d: {  	s5 =	simm.s32 @p1 $0x1;
	p0 =	seq.s32 s7, s2  }
0x1e: {  	s7 =	smul.u32 @!p0 $0xF7A, s2;
	p2 =	seq.s32 @!p0 s5, $0x0  }
0x1f: {  	s9 =	smul.u32 $0xF7A, s1;
	s8 =	simm.s32 @!p0 $0x1BF5;
	p2 =	por !p2, p0  }
0x20: {  	[sflag:s8] =	ssyncset.s32 @!p0 $0xFFFFF086;
	s6 =	sadd.s32 @!p0 s3, s7;
	s7 =	simm.s32 @!p0 $0x108  }
0x21: {  	s3 =	sadd.s32 s3, s9;
	s6 =	sadd.s32 @!p0 $0x88, s6;
	s7 =	simm.s32 @p2 $0x1082  }
0x22: {  	[simem:s7], [sflag:s8] =	dma.local @!p0 [hbm:s6], $0xF7A  }
0x23: {  	s9 =	sor.u32 $0xD0000000, s2;
	s6 =	simm.s32 $0x108;
	_ =	swait.ge @!p0 [sflag:s8], $0x0  }
0x24: {  	s3 =	sadd.s32 $0x88, s3;
	s6 =	simm.s32 @!p1 $0x1082;
	[sflag:s4] =	ssyncset.s32 $0xFFFFF086  }
0x25: {  	[simem:s6], [sflag:s4] =	dma.local [hbm:s3], $0xF7A  }
0x26: {  	[smem:$0x3F99] =	sst s1;
	(tag) =	ssettag s2;
	_ =	strace s9  }
0x27: {  	s1 =	sld [smem:$0x3FA9]  }
0x28: {  	s2 =	sld [smem:$0x3FAA]  }
0x29: {  	s4 =	sld [smem:$0x3FAC]  }
0x2a: {  	p0 =	seq.s32 s5, $0x0;
	s5 =	sld [smem:$0x3FAD]  }
0x2b: {  	s6 =	sld [smem:$0x3FAE]  }
0x2c: {  	s7 =	sld [smem:$0x3FAF]  }
0x2d: {  	s3 =	simm.s32 $0x108;
	s8 =	sld [smem:$0x3FB0]  }
0x2e: {  	s3 =	simm.s32 @!p0 $0x1082;
	s9 =	sld [smem:$0x3FB1]  }
0x2f: {  	lr =	sadd.s32 s0, s3;
	s0 =	sld [smem:$0x3FA8]  }
0x30: {  	s3 =	sld [smem:$0x3FAB]  }
0x31: {  	[smem:$0x3FB4] =	sst s10  }
0x32: {  	s10 =	sld [smem:$0x3FB2];
	_ =	sdelay $0x3  }
0x33: {  	p0 =	seq.s32 s10, $0x1;
	s10 =	sld [smem:$0x3FB4];
	_ =	sdelay $0x3  }
0x34: {  	[smem:$0x3FB4] =	sst s10  }
0x35: {  	s10 =	sld [smem:$0x3FB3];
	_ =	sdelay $0x3  }
0x36: {  	p1 =	seq.s32 s10, $0x1;
	s10 =	sld [smem:$0x3FB4];
	_ =	sdelay $0x3  }
0x37: {  	[smem:$0x3FB4] =	sst s10  }
0x38: {  	s10 =	sld [smem:$0x3FB5]  }
0x39: {  	_ = 	snop;
	(pc) =	sbr.ind lr, $3  }
0x3a: {  	_ = 	snop  }
0x3b: {  	_ = 	snop  }
0x3c: {  	p2 =	seq.s32 s10, $0x1;
	s10 =	sld [smem:$0x3FB4]  }
0x3d: {  	_ =	shalt  }
0x3e: {  	_ =	shalt  }
0x3f: {  	_ =	shalt  }
0x40: {  	_ =	shalt  }
0x41: {  	_ =	shalt  }
0x42: {  	_ =	shalt  }
0x43: {  	_ =	shalt  }
0x44: {  	_ =	shalt  }
0x45: {  	_ =	shalt  }
0x46: {  	_ =	shalt  }
0x47: {  	_ =	shalt  }
0x48: {  	_ =	shalt  }
0x49: {  	_ =	shalt  }
0x4a: {  	_ =	shalt  }
0x4b: {  	_ =	shalt  }
0x4c: {  	_ =	shalt  }
0x4d: {  	_ =	shalt  }
0x4e: {  	_ =	shalt  }
0x4f: {  	_ =	shalt  }
0x50: {  	_ =	shalt  }
0x51: {  	_ =	shalt  }
0x52: {  	_ =	shalt  }
0x53: {  	_ =	shalt  }
0x54: {  	_ =	shalt  }
0x55: {  	_ =	shalt  }
0x56: {  	_ =	shalt  }
0x57: {  	_ =	shalt  }
0x58: {  	_ =	shalt  }
0x59: {  	_ =	shalt  }
0x5a: {  	_ =	shalt  }
0x5b: {  	_ =	shalt  }
0x5c: {  	_ =	shalt  }
0x5d: {  	_ =	shalt  }
0x5e: {  	_ =	shalt  }
0x5f: {  	_ =	shalt  }
0x60: {  	_ =	shalt  }
0x61: {  	_ =	shalt  }
0x62: {  	_ =	shalt  }
0x63: {  	_ =	shalt  }
0x64: {  	_ =	shalt  }
0x65: {  	_ =	shalt  }
0x66: {  	_ =	shalt  }
0x67: {  	_ =	shalt  }
0x68: {  	_ =	shalt  }
0x69: {  	_ =	shalt  }
0x6a: {  	_ =	shalt  }
0x6b: {  	_ =	shalt  }
0x6c: {  	_ =	shalt  }
0x6d: {  	_ =	shalt  }
0x6e: {  	_ =	shalt  }
0x6f: {  	_ =	shalt  }
0x70: {  	_ =	shalt  }
0x71: {  	_ =	shalt  }
0x72: {  	_ =	shalt  }
0x73: {  	_ =	shalt  }
0x74: {  	_ =	shalt  }
0x75: {  	_ =	shalt  }
0x76: {  	_ =	shalt  }
0x77: {  	_ =	shalt  }
0x78: {  	_ =	shalt  }
0x79: {  	_ =	shalt  }
0x7a: {  	_ =	shalt  }
0x7b: {  	_ =	shalt  }
0x7c: {  	_ =	shalt  }
0x7d: {  	_ =	shalt  }
0x7e: {  	_ =	shalt  }
0x7f: {  	_ =	shalt  }
0x80: {  	_ =	shalt  }
0x81: {  	_ =	shalt  }
0x82: {  	_ =	shalt  }
0x83: {  	_ =	shalt  }
0x84: {  	_ =	shalt  }
0x85: {  	_ =	shalt  }
0x86: {  	_ =	shalt  }
0x87: {  	_ =	shalt  }
.Lfunc_end0:
.L_simem_size_0:
called_computation.1_lowered:
.L_overlay_start_0:
0x88: {  	s2 =	sld [smem:$0x3FD9]  }
0x89: {  	s3 =	sld [smem:$0x3FFE];
	_ =	sdelay $0x1  }
0x8a: {  	s1 =	srdreg.scid  }
0x8b: {  	s0 =	sand.u32 $0x1, s1  }
0x8c: {  	s18 =	sshll.u32 s0, $0xA;
	s2 =	sadd.s32 s3, s2  }
0x8d: {  	s3 =	sadd.s32 s2, s18  }
0x8e: {  	[smem:$0x3FC0] =	sst s3  }
0x8f: {  	_ = 	snop  }
0x90: {  	s3 =	sld [smem:$0x3FC9]  }
0x91: {  	s4 =	sld [smem:$0x3FC8]  }
0x92: {  	s5 =	sld [smem:$0x3FC7]  }
0x93: {  	s6 =	sld [smem:$0x3FC6]  }
0x94: {  	s7 =	sld [smem:$0x3FD0];
	(tm) =	ssettm $0x1  }
0x95: {  	s8 =	sld [smem:$0x3FFB];
	_ =	sdelay $0x3  }
0x96: {  	_ =	strace s8  }
0x97: {  	s8 =	sld [smem:$0x3FFC];
	_ =	sdelay $0x3  }
0x98: {  	_ =	strace s8  }
0x99: {  	s8 =	sld [smem:$0x3FFD];
	_ =	sdelay $0x3  }
0x9a: {  	_ =	strace s8  }
0x9b: {  	_ =	strace $0x8FFFFFFF  }
0x9c: {  	s19 =	sld [smem:$0x3FDB];
	_ =	sdelay $0x1  }
0x9d: {  	s9 =	simm.s32 $_scs_section_size  }
0x9e: {  	s10 =	simm.s32 $_size__tile_overlayer_lowered;
	s11 =	simm.s32 $_tile_overlayer_lowered  }
0x9f: {  	s22 =	simm.s32 $0x1BFF;
	s21 =	sshll.u32 s11, $0x1;
	s8 =	sadd.s32 s9, s19  }
0xa0: {  	s12 =	simm.s32 $0x0;
	s20 =	sshll.u32 s10, $0x1;
	s10 =	sadd.s32 s21, s8  }
0xa1: {  	[timem:s12], [sflag:s22] =	dma.local [hbm:s10], s20  }
0xa2: {  	_ =	swait.ge [sflag:s22], s20  }
0xa3: {  	s9 =	ssub.s32 $0x0, s20;
	[sflag:s22] =	ssyncset.done $0x0  }
0xa4: {  	[sflag:s22] =	ssyncadd.s32 s9;
	_ =	sdelay $0x1  }
0xa5: {  	s23 =	simm.s32 $0x1B8B  }
0xa6: {  	_ =	swait.ge [sflag:s23], $0x1  }
0xa7: {  	[sflag:s23] =	ssyncset.done $0x0  }
0xa8: {  	s25 =	simm.s32 $0x1B8E;
	s24 =	sld [smem:$0x3FFE];
	[sflag:s23] =	ssyncadd.s32 $0xFFFFFFFF  }
0xa9: {  	s26 =	simm.s32 $execute0_lowered;
	[smem:$0x3FD2] =	sst s25  }
0xaa: {  	s10 =	sshll.u32 s26, $0x1;
	_ =	strace $0x80000046;
	[dreg:$0x1] =	wrdreg $0xFFFFFFFF  }
0xab: {  	s28 =	simm.s32 $_size_execute0_lowered;
	s8 =	sadd.s32 s8, s10;
	[dreg:$0x0] =	wrdreg $0x0  }
0xac: {  	s10 =	sshll.u32 s28, $0x1;
	[dreg:$0x2] =	wrdreg s8  }
0xad: {  	[dreg:$0x3] =	wrdreg s10  }
0xae: {  	[dreg:$0x4] =	wrdreg $0xC0  }
0xaf: {  	_ =	task [dreg:s12], $0x5FFFF  }
0xb0: {  	[dreg:$0x1] =	wrdreg $0xFFFFFFFF  }
0xb1: {  	[dreg:$0x0] =	wrdreg $0x60  }
0xb2: {  	[dreg:$0x2] =	wrdreg s3  }
0xb3: {  	[dreg:$0x3] =	wrdreg s4  }
0xb4: {  	[dreg:$0x4] =	wrdreg s5  }
0xb5: {  	[dreg:$0x5] =	wrdreg s6  }
0xb6: {  	[dreg:$0x6] =	wrdreg s24  }
0xb7: {  	s2 =	sadd.s32 $0x800, s2;
	[dreg:$0x7] =	wrdreg s7  }
0xb8: {  	[dreg:$0x8] =	wrdreg s2  }
0xb9: {  	[dreg:$0x9] =	wrdreg $0x9  }
0xba: {  	_ =	task.clear_ibuf [dreg:s12], $0xAFFFF;
	_ =	strace $0x90000046  }
0xbb: {  	s29 =	simm.s32 $0x9;
	_ =	strace $0x80000048  }
0xbc: {  	_ =	swait.ge [sflag:s29], $0x1  }
0xbd: {  	[sflag:s29] =	ssyncadd.s32 $0xFFFFFFFF  }
0xbe: {  	_ =	strace $0x90000048  }
0xbf: {  	_ =	sfence  }
0xc0: {  	s30 =	sld [smem:$0x0];
	_ =	sdelay $0x2  }
0xc1: {  	s31 =	sshll.u32 s1, $0xD;
	s1 =	sshrl.u32 s1, $0x2  }
0xc2: {  	s3 =	sand.u32 $0x4000, s31;
	s1 =	sadd.s32 s1, s30  }
0xc3: {  	s0 =	sor.u32 s3, s0;
	s1 =	sshll.u32 s1, $0x11  }
0xc4: {  	s0 =	sor.u32 s1, s0  }
0xc5: {  	s0 =	sadd.s32 $0x8F2B, s0  }
0xc6: {  	[sflag:s0] =	ssyncadd.remote.s32 $0x1  }
0xc7: {  	_ =	sfence.sel $0xFFFF  }
0xc8: {  	[dreg:$0x0] =	wrdreg $0xFFFFFFFF;
	(pc) =	sbr.abs _section_cstart, $3  }
0xc9: {  	[dreg:$0x1] =	wrdreg $0xFFFFFFFF  }
0xca: {  	_ =	task.clear_ibuf [dreg:s12], $0x2FFFF;
	_ =	strace $0x9FFFFFFF  }
0xcb: {  	(tm) =	ssettm $0x7FFFFFFF  }
tec
execute0_lowered:
.L_overlay_start_1:
0x0: {  	(tag) =	ssettag $0x1  }
0x1: {  	s0 =	rddreg [dreg:$0x0]  }
0x2: {  	s1 =	rddreg [dreg:$0x1]  }
0x3: {  	s15 =	rddreg [dreg:$0x2]  }
0x4: {  	s16 =	rddreg [dreg:$0x3]  }
0x5: {  	s8 =	rddreg [dreg:$0x4]  }
0x6: {  	s17 =	rddreg [dreg:$0x5]  }
0x7: {  	s2 =	rddreg [dreg:$0x6]  }
0x8: {  	s3 =	simm.s32 $0x0;
	s4 =	stileid.u32;
	s6 =	srdreg.scid  }
0x9: {  	s28 =	simm.s32 $0x80;
	s29 =	simm.s32 $0x3;
	s30 =	simm.s32 $0x4  }
0xa: {  	s31 =	simm.s32 $0x0;
	[smem:$0x7FF] =	sst s3;
	s9 =	smul.u32 $0x64, s4  }
0xb: {  	s5 =	sadd.s32 $0xE00, s8;
	s24 =	sadd.s32 $0xA00, s8;
	s18 =	sand.u32 $0x1, s6  }
0xc: {  	s7 =	sshll.u32 s4, $0x1;
	s6 =	sadd.s32 $0x800, s8;
	s8 =	sadd.s32 $0xC00, s8  }
0xd: {  	s13 =	smul.u32 $0x32000, s4;
	_ =	strace $0x80000047;
	[dreg:$0xc] =	wrdreg s5  }
0xe: {  	s22 =	smul.u32 $0xC80000, s4;
	[dreg:$0xd] =	wrdreg s24;
	s11 =	sor.u32 s18, s7  }
0xf: {  	s12 =	ssub.s32 $0x2, s18;
	s20 =	smul.u32 $0x19000, s18;
	s10 =	sshrl.u32 s9, $0x4  }
0x10: {  	s9 =	sadd.s32 $0x64, s9;
	s11 =	smul.u32 $0x19000, s11;
	s14 =	sshrl.u32 s12, $0x1  }
0x11: {  	s7 =	smul.u32 $0xD, s10;
	s9 =	sshrl.u32 s9, $0x4;
	s21 =	ssub.s32 s12, s14  }
0x12: {  	s20 =	sadd.s32 s20, s13;
	s19 =	ssub.s32 s9, s10;
	s10 =	smul.u32 $0x1AA900, s18  }
0x13: {  	s25 =	sshrl.u32 s11, $0x3;
	s20 =	sor.u32 $0x200, s20;
	s18 =	smul.u32 $0x640000, s18  }
0x14: {  	s9 =	smul.u32 $0xD, s19;
	s11 =	sadd.s32 s0, s25;
	s20 =	sshrl.u32 s20, $0x3  }
0x15: {  	s12 =	sadd.s32 s1, s25;
	s14 =	sadd.s32 s16, s25;
	s16 =	sadd.s32 s20, s16  }
0x16: {  	s13 =	sadd.s32 s15, s25;
	s15 =	sadd.s32 s20, s15;
	[dreg:$0xb] =	wrdreg s16  }
0x17: {  	s26 =	sadd.s32 s18, s22;
	s1 =	sadd.s32 s20, s1;
	[dreg:$0xa] =	wrdreg s15  }
0x18: {  	s0 =	sadd.s32 s20, s0;
	p0 =	sgt.s32 s9, $0x1;
	[dreg:$0x9] =	wrdreg s1  }
0x19: {  	s16 =	sshrl.u32 s26, $0x3;
	s15 =	smax.u32 s21, $0x1;
	[dreg:$0x8] =	wrdreg s0  }
0x1a: {  	s21 =	simm.s32 $0x1;
	s26 =	simm.s32 $0x2;
	s9 =	simm.s32 @!p0 $0x1  }
0x1b: {  	s18 =	sadd.s32 s16, s17;
	p0 =	slt.s32 s19, $0x1;
	s17 =	simm.s32 $0x5  }
.LBB2_1:
0x1c: {  	s0 =	rddreg [dreg:$0xc]  }
0x1d: {  	[tilespmem:s3], [sflag:$0x5] =	stream.linear.gather [hbm4b:s0+s3], $0x1900, $0x38;
	[tilespmem:$0x18C00] =	vst v63  }
0x1e: {  	_ =	swait.ge [sflag:s17], $0x1900  }
0x1f: {  	[sflag:s17] =	ssyncset.done $0x0  }
0x20: {  	s1 =	simm.s32 $0x1900;
	s23 =	rddreg [dreg:$0xd];
	[sflag:s17] =	ssyncadd.s32 $0xFFFFE700  }
0x21: {  	[tilespmem:s1], [sflag:$0x5] =	stream.linear.gather [hbm4b:s23+s3], $0x340, $0x38;
	[tilespmem:$0x18C00] =	vst v63  }
0x22: {  	_ =	swait.ge [sflag:s17], $0x340  }
0x23: {  	[sflag:s17] =	ssyncset.done $0x0  }
0x24: {  	s24 =	simm.s32 $0x1C40;
	[sflag:s17] =	ssyncadd.s32 $0xFFFFFCC0  }
0x25: {  	[tilespmem:s24], [sflag:$0x5] =	stream.linear.gather [hbm4b:s6+s3], $0x1C0, $0x38;
	[tilespmem:$0x18C00] =	vst v63  }
0x26: {  	_ =	swait.ge [sflag:s17], $0x1C0  }
0x27: {  	[sflag:s17] =	ssyncset.done $0x0  }
.Ltmp0:
0x28: {  	s25 =	simm.s32 $0x1E00;
	[sflag:s17] =	ssyncadd.s32 $0xFFFFFE40;
	(pc) =	sbr.rel @p0 .LBB2_7-.Ltmp0, $4  }
0x29: {  	[tilespmem:s25], [sflag:$0x5] =	stream.linear.gather [hbm4b:s8+s3], $0x600, $0x38;
	[tilespmem:$0x18C00] =	vst v63  }
0x2a: {  	_ =	swait.ge [sflag:s17], $0x600  }
0x2b: {  	[sflag:s17] =	ssyncset.done $0x0  }
0x2c: {  	s0 =	simm.s32 $0x0;
	[sflag:s17] =	ssyncadd.s32 $0xFFFFFA00  }
.LBB2_2:
0x2d: {  	s1 =	sadd.s32 s7, s0  }
0x2e: {  	p1 =	slt.u32 s0, $0x2;
	s16 =	smulhi.u32 $0x4EC4EC4F, s1  }
0x2f: {  	s20 =	simm.s32 @!p1 $0x1  }
0x30: {  	_ =	swait.ge @!p1 [sflag:s20], $0x2A00;
	s16 =	sshrl.u32 s16, $0x2  }
0x31: {  	[sflag:s20] =	ssyncset.done @!p1 $0x0;
	s19 =	smul.u32 $0xFFFFF3, s16;
	s16 =	sshll.u32 s16, $0x8  }
0x32: {  	[sflag:s20] =	ssyncadd.s32 @!p1 $0xFFFFD600;
	s16 =	sshra.s32 s16, $0x2  }
0x33: {  	v0 =	vld [tilespmem:s16+$0x0]  }
0x34: {  	s19 =	sadd.s32 s1, s19;
	v2 =	vld [tilespmem:s16+$0x10]  }
0x35: {  	v4 =	vld [tilespmem:s16+$0x20];
	s19 =	sshll.u32 s19, $0x8  }
0x36: {  	v6 =	vld [tilespmem:s16+$0x30];
	s19 =	sshra.s32 s19, $0x2  }
0x37: {  	v1 =	vld [tilespmem:s19+$0x1900]  }
0x38: {  	v3 =	vld [tilespmem:s19+$0x1910]  }
0x39: {  	v5 =	vld [tilespmem:s19+$0x1920]  }
0x3a: {  	v7 =	vld [tilespmem:s19+$0x1930];
	_ =	sdelay $0x1  }
0x3b: {  	s25 =	sand.u32 $0x1, s0  }
0x3c: {  	p1 =	seq.s32 s25, $0x1;
	s19 =	simm.s32 $0x2A00  }
0x3d: {  	s19 =	simm.s32 @!p1 $0x0;
	v0 =	vadd.f32 v1, v0;
	v1 =	vadd.f32 v3, v2  }
0x3e: {  	s20 =	simm.s32 $0x0;
	s16 =	sadd.s32 $0x2400, s19;
	s19 =	sadd.s32 $0x2500, s19;
	v2 =	vadd.f32 v5, v4;
	v3 =	vadd.f32 v7, v6  }
.LBB2_3:
0x3f: {  	s25 =	simm.s32 $0x1F00  }
0x40: {  	s22 =	sshll.u32 s20, $0x6;
	v8 =	vld [tilespmem:s25+$0xC0]  }
0x41: {  	s22 =	sand.u32 $0x3FFFFFC0, s22;
	v9 =	vld [tilespmem:s25+$0xFFFFFF40]  }
0x42: {  	v4 =	vld [tilespmem:s22+$0x1C40]  }
0x43: {  	v10 =	vld [tilespmem:s25+$0xFFFFFF80]  }
0x44: {  	v11 =	vld [tilespmem:s25+$0xFFFFFFC0]  }
0x45: {  	v12 =	vld [tilespmem:s25+$0x0]  }
0x46: {  	v13 =	vld [tilespmem:s25+$0x40]  }
0x47: {  	v14 =	vld [tilespmem:s25+$0x80];
	v4 =	vadd.f32 v4, v0  }
0x48: {  	v15 =	vld [tilespmem:s25+$0xFFFFFF00]  }
0x49: {  	v5 =	vld [tilespmem:s22+$0x1C50];
	v8 =	vadd.f32 v8, v4  }
0x4a: {  	v6 =	vld [tilespmem:s22+$0x1C60];
	v9 =	vadd.f32 v9, v4  }
0x4b: {  	v7 =	vld [tilespmem:s22+$0x1C70];
	v10 =	vadd.f32 v10, v4;
	[tilespmem:s19+$0xC0] =	vst v8  }
0x4c: {  	[tilespmem:s19+$0xFFFFFF40] =	vst v9;
	v8 =	vadd.f32 v11, v4;
	v9 =	vld [tilespmem:s25+$0xD0]  }
0x4d: {  	[tilespmem:s19+$0xFFFFFF80] =	vst v10;
	v10 =	vadd.f32 v12, v4;
	v11 =	vld [tilespmem:s25+$0xFFFFFF50]  }
0x4e: {  	v12 =	vld [tilespmem:s25+$0xFFFFFF90];
	[tilespmem:s19+$0xFFFFFFC0] =	vst v8;
	v8 =	vadd.f32 v13, v4  }
0x4f: {  	v5 =	vadd.f32 v5, v1;
	[tilespmem:s19+$0x0] =	vst v10;
	v10 =	vadd.f32 v14, v4;
	v13 =	vld [tilespmem:s25+$0xFFFFFFD0]  }
0x50: {  	v14 =	vadd.f32 v15, v4;
	v15 =	vld [tilespmem:s25+$0x10];
	[tilespmem:s19+$0x40] =	vst v8  }
0x51: {  	[tilespmem:s19+$0x80] =	vst v10;
	v8 =	vld [tilespmem:s25+$0x50];
	v9 =	vadd.f32 v9, v5  }
0x52: {  	[tilespmem:s19+$0xFFFFFF00] =	vst v14;
	v10 =	vadd.f32 v11, v5;
	v11 =	vld [tilespmem:s25+$0x90]  }
0x53: {  	v14 =	vld [tilespmem:s25+$0xFFFFFF10];
	v12 =	vadd.f32 v12, v5;
	[tilespmem:s19+$0xD0] =	vst v9  }
0x54: {  	[tilespmem:s19+$0xFFFFFF50] =	vst v10;
	v9 =	vadd.f32 v13, v5;
	v10 =	vld [tilespmem:s25+$0xE0]  }
0x55: {  	[tilespmem:s19+$0xFFFFFF90] =	vst v12;
	v12 =	vadd.f32 v15, v5;
	v13 =	vld [tilespmem:s25+$0xFFFFFF60]  }
0x56: {  	v15 =	vld [tilespmem:s25+$0xFFFFFFA0];
	[tilespmem:s19+$0xFFFFFFD0] =	vst v9;
	v8 =	vadd.f32 v8, v5  }
0x57: {  	v6 =	vadd.f32 v6, v2;
	[tilespmem:s19+$0x10] =	vst v12;
	v9 =	vld [tilespmem:s25+$0xFFFFFFE0];
	v11 =	vadd.f32 v11, v5  }
0x58: {  	v12 =	vadd.f32 v14, v5;
	v14 =	vld [tilespmem:s25+$0x20];
	[tilespmem:s19+$0x50] =	vst v8  }
0x59: {  	v8 =	vld [tilespmem:s25+$0x60];
	[tilespmem:s19+$0x90] =	vst v11;
	v10 =	vadd.f32 v10, v6  }
0x5a: {  	[tilespmem:s19+$0xFFFFFF10] =	vst v12;
	v11 =	vadd.f32 v13, v6;
	v12 =	vld [tilespmem:s25+$0xA0]  }
0x5b: {  	v13 =	vld [tilespmem:s25+$0xFFFFFF20];
	v15 =	vadd.f32 v15, v6;
	[tilespmem:s19+$0xE0] =	vst v10  }
0x5c: {  	[tilespmem:s19+$0xFFFFFF60] =	vst v11;
	v9 =	vadd.f32 v9, v6;
	v11 =	vld [tilespmem:s25+$0xF0]  }
0x5d: {  	[tilespmem:s19+$0xFFFFFFA0] =	vst v15;
	v10 =	vadd.f32 v14, v6;
	v16 =	vld [tilespmem:s25+$0xFFFFFF70]  }
0x5e: {  	v15 =	vld [tilespmem:s25+$0xFFFFFFB0];
	[tilespmem:s19+$0xFFFFFFE0] =	vst v9;
	v9 =	vadd.f32 v8, v6  }
0x5f: {  	v7 =	vadd.f32 v7, v3;
	[tilespmem:s19+$0x20] =	vst v10;
	v8 =	vld [tilespmem:s25+$0xFFFFFFF0];
	v12 =	vadd.f32 v12, v6  }
0x60: {  	v13 =	vadd.f32 v13, v6;
	v10 =	vld [tilespmem:s25+$0x30];
	[tilespmem:s19+$0x60] =	vst v9  }
0x61: {  	v9 =	vld [tilespmem:s25+$0x70];
	[tilespmem:s19+$0xA0] =	vst v12;
	v17 =	vadd.f32 v11, v7  }
0x62: {  	[tilespmem:s19+$0xFFFFFF20] =	vst v13;
	v11 =	vld [tilespmem:s25+$0xB0];
	v14 =	vadd.f32 v16, v7  }
0x63: {  	s23 =	simm.s32 $0x0;
	s24 =	simm.s32 $0x2100;
	s22 =	smov.u32 s19;
	v12 =	vld [tilespmem:s25+$0xFFFFFF30];
	v13 =	vadd.f32 v15, v7;
	[tilespmem:s19+$0xF0] =	vst v17  }
.LBB2_4:
0x64: {  	v15 =	vld [tilespmem:s24+$0xC0];
	s23 =	sadd.s32 $0x8, s23;
	[tilespmem:s22+$0xFFFFFF70] =	vst v14;
	v8 =	vadd.f32 v8, v7  }
0x65: {  	v14 =	vld [tilespmem:s24+$0xFFFFFF40];
	p1 =	slt.u32 s23, $0x10;
	[tilespmem:s22+$0xFFFFFFB0] =	vst v13;
	v10 =	vadd.f32 v10, v7  }
0x66: {  	v13 =	vld [tilespmem:s24+$0xFFFFFF80];
	[tilespmem:s22+$0xFFFFFFF0] =	vst v8;
	v8 =	vadd.f32 v9, v7  }
0x67: {  	v9 =	vld [tilespmem:s24+$0xFFFFFFC0];
	[tilespmem:s22+$0x30] =	vst v10;
	v10 =	vadd.f32 v11, v7  }
0x68: {  	v11 =	vld [tilespmem:s24+$0x0];
	v12 =	vadd.f32 v12, v7;
	[tilespmem:s22+$0x70] =	vst v8  }
0x69: {  	v8 =	vld [tilespmem:s24+$0x40];
	v15 =	vadd.f32 v15, v4;
	[tilespmem:s22+$0xB0] =	vst v10  }
0x6a: {  	v10 =	vadd.f32 v14, v4;
	v14 =	vld [tilespmem:s24+$0x80];
	[tilespmem:s22+$0xFFFFFF30] =	vst v12;
	s22 =	sadd.s32 $0x200, s22  }
0x6b: {  	v12 =	vld [tilespmem:s24+$0xFFFFFF00];
	v13 =	vadd.f32 v13, v4;
	[tilespmem:s22+$0xC0] =	vst v15  }
0x6c: {  	[tilespmem:s22+$0xFFFFFF40] =	vst v10;
	v9 =	vadd.f32 v9, v4;
	v10 =	vld [tilespmem:s24+$0xD0]  }
0x6d: {  	v15 =	vld [tilespmem:s24+$0xFFFFFF50];
	[tilespmem:s22+$0xFFFFFF80] =	vst v13;
	v11 =	vadd.f32 v11, v4  }
0x6e: {  	v13 =	vld [tilespmem:s24+$0xFFFFFF90];
	[tilespmem:s22+$0xFFFFFFC0] =	vst v9;
	v8 =	vadd.f32 v8, v4  }
0x6f: {  	v9 =	vld [tilespmem:s24+$0xFFFFFFD0];
	[tilespmem:s22+$0x0] =	vst v11;
	v11 =	vadd.f32 v14, v4  }
0x70: {  	v12 =	vadd.f32 v12, v4;
	v14 =	vld [tilespmem:s24+$0x10];
	[tilespmem:s22+$0x40] =	vst v8  }
0x71: {  	v8 =	vld [tilespmem:s24+$0x50];
	[tilespmem:s22+$0x80] =	vst v11;
	v10 =	vadd.f32 v10, v5  }
0x72: {  	[tilespmem:s22+$0xFFFFFF00] =	vst v12;
	v11 =	vadd.f32 v15, v5;
	v12 =	vld [tilespmem:s24+$0x90]  }
0x73: {  	v15 =	vld [tilespmem:s24+$0xFFFFFF10];
	v13 =	vadd.f32 v13, v5;
	[tilespmem:s22+$0xD0] =	vst v10  }
0x74: {  	[tilespmem:s22+$0xFFFFFF50] =	vst v11;
	v9 =	vadd.f32 v9, v5;
	v10 =	vld [tilespmem:s24+$0xE0]  }
0x75: {  	v11 =	vld [tilespmem:s24+$0xFFFFFF60];
	[tilespmem:s22+$0xFFFFFF90] =	vst v13;
	v13 =	vadd.f32 v14, v5  }
0x76: {  	v14 =	vld [tilespmem:s24+$0xFFFFFFA0];
	[tilespmem:s22+$0xFFFFFFD0] =	vst v9;
	v8 =	vadd.f32 v8, v5  }
0x77: {  	v9 =	vld [tilespmem:s24+$0xFFFFFFE0];
	[tilespmem:s22+$0x10] =	vst v13;
	v12 =	vadd.f32 v12, v5  }
0x78: {  	v13 =	vadd.f32 v15, v5;
	v15 =	vld [tilespmem:s24+$0x20];
	[tilespmem:s22+$0x50] =	vst v8  }
0x79: {  	v8 =	vld [tilespmem:s24+$0x60];
	[tilespmem:s22+$0x90] =	vst v12;
	v10 =	vadd.f32 v10, v6  }
0x7a: {  	[tilespmem:s22+$0xFFFFFF10] =	vst v13;
	v11 =	vadd.f32 v11, v6;
	v12 =	vld [tilespmem:s24+$0xA0]  }
0x7b: {  	v13 =	vld [tilespmem:s24+$0xFFFFFF20];
	v14 =	vadd.f32 v14, v6;
	[tilespmem:s22+$0xE0] =	vst v10  }
0x7c: {  	[tilespmem:s22+$0xFFFFFF60] =	vst v11;
	v9 =	vadd.f32 v9, v6;
	v11 =	vld [tilespmem:s24+$0xF0]  }
0x7d: {  	v16 =	vld [tilespmem:s24+$0xFFFFFF70];
	[tilespmem:s22+$0xFFFFFFA0] =	vst v14;
	v10 =	vadd.f32 v15, v6  }
0x7e: {  	v15 =	vld [tilespmem:s24+$0xFFFFFFB0];
	[tilespmem:s22+$0xFFFFFFE0] =	vst v9;
	v9 =	vadd.f32 v8, v6  }
.Ltmp1:
0x7f: {  	v8 =	vld [tilespmem:s24+$0xFFFFFFF0];
	[tilespmem:s22+$0x20] =	vst v10;
	v12 =	vadd.f32 v12, v6;
	(pc) =	sbr.rel @p1 .LBB2_4-.Ltmp1, $4  }
0x80: {  	v13 =	vadd.f32 v13, v6;
	v10 =	vld [tilespmem:s24+$0x30];
	[tilespmem:s22+$0x60] =	vst v9  }
0x81: {  	v9 =	vld [tilespmem:s24+$0x70];
	[tilespmem:s22+$0xA0] =	vst v12;
	v17 =	vadd.f32 v11, v7  }
0x82: {  	[tilespmem:s22+$0xFFFFFF20] =	vst v13;
	v14 =	vadd.f32 v16, v7;
	v11 =	vld [tilespmem:s24+$0xB0]  }
0x83: {  	v12 =	vld [tilespmem:s24+$0xFFFFFF30];
	v13 =	vadd.f32 v15, v7;
	[tilespmem:s22+$0xF0] =	vst v17;
	s24 =	sadd.s32 $0x200, s24  }
0x84: {  	[tilespmem:s22+$0xFFFFFF70] =	vst v14;
	v4 =	vadd.f32 v8, v7;
	s20 =	sadd.s32 $0x1, s20  }
0x85: {  	[tilespmem:s22+$0xFFFFFFB0] =	vst v13;
	v5 =	vadd.f32 v10, v7;
	p1 =	sne.s32 s20, $0x7  }
.Ltmp2:
0x86: {  	[tilespmem:s22+$0xFFFFFFF0] =	vst v4;
	v4 =	vadd.f32 v9, v7;
	(pc) =	sbr.rel @p1 .LBB2_3-.Ltmp2, $4  }
0x87: {  	[tilespmem:s22+$0x30] =	vst v5;
	v5 =	vadd.f32 v11, v7  }
0x88: {  	v6 =	vadd.f32 v12, v7;
	[tilespmem:s22+$0x70] =	vst v4  }
0x89: {  	[tilespmem:s22+$0xB0] =	vst v5  }
0x8a: {  	s19 =	sadd.s32 $0x600, s19;
	[tilespmem:s22+$0xFFFFFF30] =	vst v6  }
0x8b: {  	s0 =	sadd.s32 $0x1, s0  }
0x8c: {  	p1 =	sne.s32 s0, s9  }
.Ltmp3:
0x8d: {  	_ = 	snop;
	(pc) =	sbr.rel @p1 .LBB2_2-.Ltmp3, $4  }
0x8e: {  	s1 =	smul.u32 $0x540, s1  }
0x8f: {  	s19 =	sadd.s32 s10, s2  }
0x90: {  	s1 =	sadd.s32 s1, s19  }
0x91: {  	[hbm4b:s1+s3] =	stream.linear.scatter [tilespmem:s16], [sflag:$0x1], $0x2A00, $0x38;
	[tilespmem:$0x18C00] =	vst v63  }
.LBB2_7:
0x92: {  	_ =	swait.ge [sflag:s21], $0x2A00  }
0x93: {  	[sflag:s21] =	ssyncset.done $0x0  }
0x94: {  	[sflag:s21] =	ssyncadd.s32 $0xFFFFD600  }
0x95: {  	_ =	swait.ge [sflag:s21], $0x2A00  }
0x96: {  	[sflag:s21] =	ssyncset.done $0x0  }
0x97: {  	[sflag:s21] =	ssyncadd.s32 $0xFFFFD600  }
0x98: {  	s0 =	simm.s32 $0x0;
	s1 =	simm.s32 $0x7800;
	[bflag:$0x0] =	sbarrier.arrive $0xFFFF  }
0x99: {  	[tilespmem:s1], [sflag:$0x2] =	stream.linear.gather [hbm4b:s11+s0], $0x200, $0x38;
	[tilespmem:$0x18C00] =	vst v63  }
0x9a: {  	s23 =	simm.s32 $0x7C00  }
0x9b: {  	[tilespmem:s23], [sflag:$0x2] =	stream.linear.gather [hbm4b:s12+s0], $0x200, $0x38;
	[tilespmem:$0x18C00] =	vst v63  }
0x9c: {  	s24 =	simm.s32 $0x8000;
	s25 =	simm.s32 $0x8400  }
0x9d: {  	[tilespmem:s24], [sflag:$0x2] =	stream.linear.gather [hbm4b:s13+s0], $0x200, $0x38;
	[tilespmem:$0x18C00] =	vst v63  }
0x9e: {  	s16 =	smov.u32 s18;
	s19 =	simm.s32 $0x0;
	s1 =	sadd.s32 s10, s2  }
0x9f: {  	[tilespmem:s25], [sflag:$0x2] =	stream.linear.gather [hbm4b:s14+s0], $0x200, $0x38;
	[tilespmem:$0x18C00] =	vst v63  }
.LBB2_8:
0xa0: {  	_ =	swait.ge [sflag:s26], $0x200  }
0xa1: {  	[sflag:s26] =	ssyncset.done $0x0  }
0xa2: {  	[sflag:s26] =	ssyncadd.s32 $0xFFFFFE00  }
0xa3: {  	_ =	swait.ge [sflag:s26], $0x200  }
0xa4: {  	[sflag:s26] =	ssyncset.done $0x0  }
0xa5: {  	[sflag:s26] =	ssyncadd.s32 $0xFFFFFE00  }
0xa6: {  	_ =	swait.ge [sflag:s26], $0x200  }
0xa7: {  	s20 =	sand.u32 $0x1, s19;
	p1 =	seq.s32 s0, $0x31C0;
	[sflag:s26] =	ssyncset.done $0x0  }
0xa8: {  	s22 =	sshll.u32 @!p1 s20, $0x9;
	[sflag:s26] =	ssyncadd.s32 $0xFFFFFE00  }
0xa9: {  	s5 =	simm.s32 @!p1 $0x0;
	s24 =	sxor.u32 @!p1 $0x200, s22;
	_ =	swait.ge [sflag:s26], $0x200  }
0xaa: {  	s4 =	sor.u32 @!p1 $0x7800, s24;
	s23 =	rddreg [dreg:$0x8];
	[sflag:s26] =	ssyncset.done $0x0  }
0xab: {  	s25 =	rddreg [dreg:$0x9];
	[sflag:s26] =	ssyncadd.s32 $0xFFFFFE00;
	s23 =	sadd.s32 @!p1 s0, s23  }
0xac: {  	[tilespmem:s4], [sflag:$0x2] =	stream.linear.gather @!p1 [hbm4b:s23+s5], $0x200, $0x38;
	[tilespmem:$0x18C00] =	vst v63  }
0xad: {  	s4 =	sor.u32 @!p1 $0x7C00, s24;
	s23 =	sadd.s32 @!p1 s0, s25;
	s25 =	rddreg [dreg:$0xa]  }
0xae: {  	[tilespmem:s4], [sflag:$0x2] =	stream.linear.gather @!p1 [hbm4b:s23+s5], $0x200, $0x38;
	[tilespmem:$0x18C00] =	vst v63  }
0xaf: {  	s25 =	sadd.s32 @!p1 s0, s25;
	s4 =	rddreg [dreg:$0xb];
	s23 =	sor.u32 @!p1 $0x8000, s24  }
0xb0: {  	[tilespmem:s23], [sflag:$0x2] =	stream.linear.gather @!p1 [hbm4b:s25+s5], $0x200, $0x38;
	[tilespmem:$0x18C00] =	vst v63  }
0xb1: {  	s22 =	simm.s32 @p1 $0x200;
	s4 =	sadd.s32 @!p1 s0, s4;
	s23 =	sor.u32 @!p1 $0x8400, s24  }
0xb2: {  	[tilespmem:s23], [sflag:$0x2] =	stream.linear.gather @!p1 [hbm4b:s4+s5], $0x200, $0x38;
	[tilespmem:$0x18C00] =	vst v63  }
0xb3: {  	v0 =	vld [tilespmem:s22+$0x7800]  }
0xb4: {  	v1 =	vld [tilespmem:s22+$0x7C00]  }
0xb5: {  	v2 =	vld [tilespmem:s22+$0x8000];
	_ =	sdelay $0x2  }
0xb6: {  	v3 =	vld [tilespmem:s22+$0x8400]  }
0xb7: {  	v0 =	vmul.u32 $0x888, v0;
	v1 =	vmul.u32 $0xA8, v1  }
0xb8: {  	v2 =	vmul.u32 $0x18, v2  }
0xb9: {  	v0 =	vadd.s32 v0, v1  }
0xba: {  	v0 =	vadd.s32 v2, v0  }
0xbb: {  	v0 =	vadd.s32 v3, v0  }
0xbc: {  	s25 =	sor.u32 $0x7810, s22;
	[tilespmem:s22+$0x8800] =	vst v0  }
0xbd: {  	s5 =	sor.u32 $0x7C10, s22;
	v0 =	vld [tilespmem:s25+$0x0]  }
0xbe: {  	s23 =	sor.u32 $0x8010, s22;
	v29 =	vld [tilespmem:s5+$0x0]  }
0xbf: {  	v30 =	vld [tilespmem:s23+$0x0];
	_ =	sdelay $0x1  }
0xc0: {  	s24 =	sor.u32 $0x8410, s22  }
0xc1: {  	v31 =	vld [tilespmem:s24+$0x0]  }
0xc2: {  	v0 =	vmul.u32 $0x888, v0;
	v1 =	vmul.u32 $0xA8, v29  }
0xc3: {  	v2 =	vmul.u32 $0x18, v30  }
0xc4: {  	v0 =	vadd.s32 v0, v1  }
0xc5: {  	v0 =	vadd.s32 v2, v0  }
0xc6: {  	s25 =	sor.u32 $0x8810, s22;
	v0 =	vadd.s32 v31, v0  }
0xc7: {  	s5 =	sor.u32 $0x7820, s22;
	[tilespmem:s25+$0x0] =	vst v0  }
0xc8: {  	s23 =	sor.u32 $0x7C20, s22;
	v0 =	vld [tilespmem:s5+$0x0]  }
0xc9: {  	s24 =	sor.u32 $0x8020, s22;
	v32 =	vld [tilespmem:s23+$0x0]  }
0xca: {  	v33 =	vld [tilespmem:s24+$0x0];
	_ =	sdelay $0x1  }
0xcb: {  	s25 =	sor.u32 $0x8420, s22  }
0xcc: {  	v34 =	vld [tilespmem:s25+$0x0]  }
0xcd: {  	v0 =	vmul.u32 $0x888, v0;
	v1 =	vmul.u32 $0xA8, v32  }
0xce: {  	v2 =	vmul.u32 $0x18, v33  }
0xcf: {  	v0 =	vadd.s32 v0, v1  }
0xd0: {  	v0 =	vadd.s32 v2, v0  }
0xd1: {  	s5 =	sor.u32 $0x8820, s22;
	v0 =	vadd.s32 v34, v0  }
0xd2: {  	s23 =	sor.u32 $0x7830, s22;
	[tilespmem:s5+$0x0] =	vst v0  }
0xd3: {  	s24 =	sor.u32 $0x7C30, s22;
	v0 =	vld [tilespmem:s23+$0x0]  }
0xd4: {  	s25 =	sor.u32 $0x8030, s22;
	v35 =	vld [tilespmem:s24+$0x0]  }
0xd5: {  	v36 =	vld [tilespmem:s25+$0x0];
	_ =	sdelay $0x1  }
0xd6: {  	s5 =	sor.u32 $0x8430, s22  }
0xd7: {  	v37 =	vld [tilespmem:s5+$0x0]  }
0xd8: {  	v0 =	vmul.u32 $0x888, v0;
	v1 =	vmul.u32 $0xA8, v35  }
0xd9: {  	v2 =	vmul.u32 $0x18, v36  }
0xda: {  	v0 =	vadd.s32 v0, v1  }
0xdb: {  	v0 =	vadd.s32 v2, v0  }
0xdc: {  	s23 =	sor.u32 $0x8830, s22;
	v0 =	vadd.s32 v37, v0  }
0xdd: {  	s24 =	sor.u32 $0x7840, s22;
	[tilespmem:s23+$0x0] =	vst v0  }
0xde: {  	s25 =	sor.u32 $0x7C40, s22;
	v0 =	vld [tilespmem:s24+$0x0]  }
0xdf: {  	s5 =	sor.u32 $0x8040, s22;
	v38 =	vld [tilespmem:s25+$0x0]  }
0xe0: {  	v39 =	vld [tilespmem:s5+$0x0];
	_ =	sdelay $0x1  }
0xe1: {  	s23 =	sor.u32 $0x8440, s22  }
0xe2: {  	v40 =	vld [tilespmem:s23+$0x0]  }
0xe3: {  	v0 =	vmul.u32 $0x888, v0;
	v1 =	vmul.u32 $0xA8, v38  }
0xe4: {  	v2 =	vmul.u32 $0x18, v39  }
0xe5: {  	v0 =	vadd.s32 v0, v1  }
0xe6: {  	v0 =	vadd.s32 v2, v0  }
0xe7: {  	s24 =	sor.u32 $0x8840, s22;
	v0 =	vadd.s32 v40, v0  }
0xe8: {  	s25 =	sor.u32 $0x7850, s22;
	[tilespmem:s24+$0x0] =	vst v0  }
0xe9: {  	s5 =	sor.u32 $0x7C50, s22;
	v0 =	vld [tilespmem:s25+$0x0]  }
0xea: {  	s23 =	sor.u32 $0x8050, s22;
	v41 =	vld [tilespmem:s5+$0x0]  }
0xeb: {  	v42 =	vld [tilespmem:s23+$0x0];
	_ =	sdelay $0x1  }
0xec: {  	s24 =	sor.u32 $0x8450, s22  }
0xed: {  	v43 =	vld [tilespmem:s24+$0x0]  }
0xee: {  	v0 =	vmul.u32 $0x888, v0;
	v1 =	vmul.u32 $0xA8, v41  }
0xef: {  	v2 =	vmul.u32 $0x18, v42  }
0xf0: {  	v0 =	vadd.s32 v0, v1  }
0xf1: {  	v0 =	vadd.s32 v2, v0  }
0xf2: {  	s25 =	sor.u32 $0x8850, s22;
	v0 =	vadd.s32 v43, v0  }
0xf3: {  	s5 =	sor.u32 $0x7860, s22;
	[tilespmem:s25+$0x0] =	vst v0  }
0xf4: {  	s23 =	sor.u32 $0x7C60, s22;
	v0 =	vld [tilespmem:s5+$0x0]  }
0xf5: {  	s24 =	sor.u32 $0x8060, s22;
	v44 =	vld [tilespmem:s23+$0x0]  }
0xf6: {  	v45 =	vld [tilespmem:s24+$0x0];
	_ =	sdelay $0x1  }
0xf7: {  	s25 =	sor.u32 $0x8460, s22  }
0xf8: {  	v46 =	vld [tilespmem:s25+$0x0]  }
0xf9: {  	v0 =	vmul.u32 $0x888, v0;
	v1 =	vmul.u32 $0xA8, v44  }
0xfa: {  	v2 =	vmul.u32 $0x18, v45  }
0xfb: {  	v0 =	vadd.s32 v0, v1  }
0xfc: {  	v0 =	vadd.s32 v2, v0  }
0xfd: {  	s5 =	sor.u32 $0x8860, s22;
	v0 =	vadd.s32 v46, v0  }
0xfe: {  	s23 =	sor.u32 $0x7870, s22;
	[tilespmem:s5+$0x0] =	vst v0  }
0xff: {  	s24 =	sor.u32 $0x7C70, s22;
	v0 =	vld [tilespmem:s23+$0x0]  }
0x100: {  	s25 =	sor.u32 $0x8070, s22;
	v47 =	vld [tilespmem:s24+$0x0]  }
0x101: {  	v48 =	vld [tilespmem:s25+$0x0];
	_ =	sdelay $0x1  }
0x102: {  	s5 =	sor.u32 $0x8470, s22  }
0x103: {  	v49 =	vld [tilespmem:s5+$0x0]  }
0x104: {  	v0 =	vmul.u32 $0x888, v0;
	v1 =	vmul.u32 $0xA8, v47  }
0x105: {  	v2 =	vmul.u32 $0x18, v48  }
0x106: {  	v0 =	vadd.s32 v0, v1  }
0x107: {  	v0 =	vadd.s32 v2, v0  }
0x108: {  	s23 =	sor.u32 $0x8870, s22;
	v0 =	vadd.s32 v49, v0  }
0x109: {  	s24 =	sor.u32 $0x7880, s22;
	[tilespmem:s23+$0x0] =	vst v0  }
0x10a: {  	s25 =	sor.u32 $0x7C80, s22;
	v0 =	vld [tilespmem:s24+$0x0]  }
0x10b: {  	s5 =	sor.u32 $0x8080, s22;
	v50 =	vld [tilespmem:s25+$0x0]  }
0x10c: {  	v51 =	vld [tilespmem:s5+$0x0];
	_ =	sdelay $0x1  }
0x10d: {  	s23 =	sor.u32 $0x8480, s22  }
0x10e: {  	v52 =	vld [tilespmem:s23+$0x0]  }
0x10f: {  	v0 =	vmul.u32 $0x888, v0;
	v1 =	vmul.u32 $0xA8, v50  }
0x110: {  	v2 =	vmul.u32 $0x18, v51  }
0x111: {  	v0 =	vadd.s32 v0, v1  }
0x112: {  	v0 =	vadd.s32 v2, v0  }
0x113: {  	s23 =	sor.u32 $0x8880, s22;
	v0 =	vadd.s32 v52, v0  }
0x114: {  	s24 =	sor.u32 $0x7890, s22;
	[tilespmem:s23+$0x0] =	vst v0  }
0x115: {  	s25 =	sor.u32 $0x7C90, s22;
	v0 =	vld [tilespmem:s24+$0x0]  }
0x116: {  	s5 =	sor.u32 $0x8090, s22;
	v53 =	vld [tilespmem:s25+$0x0]  }
0x117: {  	v54 =	vld [tilespmem:s5+$0x0];
	_ =	sdelay $0x1  }
0x118: {  	s24 =	sor.u32 $0x8490, s22  }
0x119: {  	v55 =	vld [tilespmem:s24+$0x0]  }
0x11a: {  	v0 =	vmul.u32 $0x888, v0;
	v1 =	vmul.u32 $0xA8, v53  }
0x11b: {  	v2 =	vmul.u32 $0x18, v54  }
0x11c: {  	v0 =	vadd.s32 v0, v1  }
0x11d: {  	v0 =	vadd.s32 v2, v0  }
0x11e: {  	v0 =	vadd.s32 v55, v0  }
0x11f: {  	s25 =	sor.u32 $0x78A0, s22;
	[tilespmem:s22+$0x8890] =	vst v0  }
0x120: {  	s5 =	sor.u32 $0x7CA0, s22;
	v0 =	vld [tilespmem:s25+$0x0]  }
0x121: {  	s24 =	sor.u32 $0x80A0, s22;
	v56 =	vld [tilespmem:s5+$0x0]  }
0x122: {  	v57 =	vld [tilespmem:s24+$0x0];
	_ =	sdelay $0x1  }
0x123: {  	s25 =	sor.u32 $0x84A0, s22  }
0x124: {  	v58 =	vld [tilespmem:s25+$0x0]  }
0x125: {  	v0 =	vmul.u32 $0x888, v0;
	v1 =	vmul.u32 $0xA8, v56  }
0x126: {  	v2 =	vmul.u32 $0x18, v57  }
0x127: {  	v0 =	vadd.s32 v0, v1  }
0x128: {  	v0 =	vadd.s32 v2, v0  }
0x129: {  	v0 =	vadd.s32 v58, v0  }
0x12a: {  	s5 =	sor.u32 $0x78B0, s22;
	[tilespmem:s22+$0x88A0] =	vst v0  }
0x12b: {  	s24 =	sor.u32 $0x7CB0, s22;
	v0 =	vld [tilespmem:s5+$0x0]  }
0x12c: {  	s25 =	sor.u32 $0x80B0, s22;
	v59 =	vld [tilespmem:s24+$0x0]  }
0x12d: {  	v60 =	vld [tilespmem:s25+$0x0];
	_ =	sdelay $0x1  }
0x12e: {  	s5 =	sor.u32 $0x84B0, s22  }
0x12f: {  	v61 =	vld [tilespmem:s5+$0x0]  }
0x130: {  	v0 =	vmul.u32 $0x888, v0;
	v1 =	vmul.u32 $0xA8, v59  }
0x131: {  	v2 =	vmul.u32 $0x18, v60  }
0x132: {  	v0 =	vadd.s32 v0, v1  }
0x133: {  	v0 =	vadd.s32 v2, v0  }
0x134: {  	v0 =	vadd.s32 v61, v0  }
0x135: {  	s24 =	sor.u32 $0x78C0, s22;
	[tilespmem:s22+$0x88B0] =	vst v0  }
0x136: {  	s25 =	sor.u32 $0x7CC0, s22;
	v0 =	vld [tilespmem:s24+$0x0]  }
0x137: {  	s5 =	sor.u32 $0x80C0, s22;
	v62 =	vld [tilespmem:s25+$0x0]  }
0x138: {  	v63 =	vld [tilespmem:s5+$0x0];
	_ =	sdelay $0x1  }
0x139: {  	s24 =	sor.u32 $0x84C0, s22  }
0x13a: {  	v6 =	vld [tilespmem:s24+$0x0]  }
0x13b: {  	v0 =	vmul.u32 $0x888, v0;
	v1 =	vmul.u32 $0xA8, v62  }
0x13c: {  	v2 =	vmul.u32 $0x18, v63  }
0x13d: {  	v0 =	vadd.s32 v0, v1  }
0x13e: {  	v0 =	vadd.s32 v2, v0  }
0x13f: {  	v0 =	vadd.s32 v6, v0  }
0x140: {  	s25 =	sor.u32 $0x78D0, s22;
	[tilespmem:s22+$0x88C0] =	vst v0  }
0x141: {  	s5 =	sor.u32 $0x7CD0, s22;
	v0 =	vld [tilespmem:s25+$0x0]  }
0x142: {  	s24 =	sor.u32 $0x80D0, s22;
	v7 =	vld [tilespmem:s5+$0x0]  }
0x143: {  	v8 =	vld [tilespmem:s24+$0x0];
	_ =	sdelay $0x1  }
0x144: {  	s25 =	sor.u32 $0x84D0, s22  }
0x145: {  	v9 =	vld [tilespmem:s25+$0x0]  }
0x146: {  	v0 =	vmul.u32 $0x888, v0;
	v1 =	vmul.u32 $0xA8, v7  }
0x147: {  	v2 =	vmul.u32 $0x18, v8  }
0x148: {  	v0 =	vadd.s32 v0, v1  }
0x149: {  	v0 =	vadd.s32 v2, v0  }
0x14a: {  	v0 =	vadd.s32 v9, v0  }
0x14b: {  	s5 =	sor.u32 $0x78E0, s22;
	[tilespmem:s22+$0x88D0] =	vst v0  }
0x14c: {  	s24 =	sor.u32 $0x7CE0, s22;
	v0 =	vld [tilespmem:s5+$0x0]  }
0x14d: {  	s25 =	sor.u32 $0x80E0, s22;
	v10 =	vld [tilespmem:s24+$0x0]  }
0x14e: {  	v11 =	vld [tilespmem:s25+$0x0];
	_ =	sdelay $0x1  }
0x14f: {  	s5 =	sor.u32 $0x84E0, s22  }
0x150: {  	v12 =	vld [tilespmem:s5+$0x0]  }
0x151: {  	v0 =	vmul.u32 $0x888, v0;
	v1 =	vmul.u32 $0xA8, v10  }
0x152: {  	v2 =	vmul.u32 $0x18, v11  }
0x153: {  	v0 =	vadd.s32 v0, v1  }
0x154: {  	v0 =	vadd.s32 v2, v0  }
0x155: {  	v0 =	vadd.s32 v12, v0  }
0x156: {  	s24 =	sor.u32 $0x78F0, s22;
	[tilespmem:s22+$0x88E0] =	vst v0  }
0x157: {  	s25 =	sor.u32 $0x7CF0, s22;
	v0 =	vld [tilespmem:s24+$0x0]  }
0x158: {  	s5 =	sor.u32 $0x80F0, s22;
	v13 =	vld [tilespmem:s25+$0x0]  }
0x159: {  	v14 =	vld [tilespmem:s5+$0x0];
	_ =	sdelay $0x1  }
0x15a: {  	s24 =	sor.u32 $0x84F0, s22  }
0x15b: {  	v15 =	vld [tilespmem:s24+$0x0]  }
0x15c: {  	v0 =	vmul.u32 $0x888, v0;
	v1 =	vmul.u32 $0xA8, v13  }
0x15d: {  	v2 =	vmul.u32 $0x18, v14  }
0x15e: {  	v0 =	vadd.s32 v0, v1  }
0x15f: {  	v0 =	vadd.s32 v2, v0  }
0x160: {  	v0 =	vadd.s32 v15, v0  }
0x161: {  	s25 =	sor.u32 $0x7900, s22;
	[tilespmem:s22+$0x88F0] =	vst v0  }
0x162: {  	s5 =	sor.u32 $0x7D00, s22;
	v0 =	vld [tilespmem:s25+$0x0]  }
0x163: {  	s24 =	sor.u32 $0x8100, s22;
	v16 =	vld [tilespmem:s5+$0x0]  }
0x164: {  	v17 =	vld [tilespmem:s24+$0x0];
	_ =	sdelay $0x1  }
0x165: {  	s25 =	sor.u32 $0x8500, s22  }
0x166: {  	v18 =	vld [tilespmem:s25+$0x0]  }
0x167: {  	v0 =	vmul.u32 $0x888, v0;
	v1 =	vmul.u32 $0xA8, v16  }
0x168: {  	v2 =	vmul.u32 $0x18, v17  }
0x169: {  	v0 =	vadd.s32 v0, v1  }
0x16a: {  	v0 =	vadd.s32 v2, v0  }
0x16b: {  	s24 =	sor.u32 $0x8900, s22;
	v0 =	vadd.s32 v18, v0  }
0x16c: {  	s5 =	sor.u32 $0x7910, s22;
	[tilespmem:s24+$0x0] =	vst v0  }
0x16d: {  	s25 =	sor.u32 $0x7D10, s22;
	v0 =	vld [tilespmem:s5+$0x0]  }
0x16e: {  	v19 =	vld [tilespmem:s25+$0x0];
	s5 =	sor.u32 $0x8110, s22  }
0x16f: {  	v20 =	vld [tilespmem:s5+$0x0];
	_ =	sdelay $0x1  }
0x170: {  	s25 =	sor.u32 $0x8510, s22  }
0x171: {  	v21 =	vld [tilespmem:s25+$0x0]  }
0x172: {  	v0 =	vmul.u32 $0x888, v0;
	v1 =	vmul.u32 $0xA8, v19  }
0x173: {  	v2 =	vmul.u32 $0x18, v20  }
0x174: {  	v0 =	vadd.s32 v0, v1  }
0x175: {  	v0 =	vadd.s32 v2, v0  }
0x176: {  	v0 =	vadd.s32 v21, v0  }
0x177: {  	s5 =	sor.u32 $0x7920, s22;
	[tilespmem:s22+$0x8910] =	vst v0  }
0x178: {  	s25 =	sor.u32 $0x7D20, s22;
	v0 =	vld [tilespmem:s5+$0x0]  }
0x179: {  	v22 =	vld [tilespmem:s25+$0x0];
	s5 =	sor.u32 $0x8120, s22  }
0x17a: {  	v23 =	vld [tilespmem:s5+$0x0];
	_ =	sdelay $0x1  }
0x17b: {  	s25 =	sor.u32 $0x8520, s22  }
0x17c: {  	v24 =	vld [tilespmem:s25+$0x0]  }
0x17d: {  	v0 =	vmul.u32 $0x888, v0;
	v1 =	vmul.u32 $0xA8, v22  }
0x17e: {  	v2 =	vmul.u32 $0x18, v23  }
0x17f: {  	v0 =	vadd.s32 v0, v1  }
0x180: {  	v0 =	vadd.s32 v2, v0  }
0x181: {  	v0 =	vadd.s32 v24, v0  }
0x182: {  	s5 =	sor.u32 $0x7930, s22;
	[tilespmem:s22+$0x8920] =	vst v0  }
0x183: {  	s25 =	sor.u32 $0x7D30, s22;
	v0 =	vld [tilespmem:s5+$0x0]  }
0x184: {  	v25 =	vld [tilespmem:s25+$0x0];
	s5 =	sor.u32 $0x8130, s22  }
0x185: {  	v26 =	vld [tilespmem:s5+$0x0];
	_ =	sdelay $0x1  }
0x186: {  	s25 =	sor.u32 $0x8530, s22  }
0x187: {  	v27 =	vld [tilespmem:s25+$0x0]  }
0x188: {  	v0 =	vmul.u32 $0x888, v0;
	v1 =	vmul.u32 $0xA8, v25  }
0x189: {  	v2 =	vmul.u32 $0x18, v26  }
0x18a: {  	v0 =	vadd.s32 v0, v1  }
0x18b: {  	v0 =	vadd.s32 v2, v0  }
0x18c: {  	v0 =	vadd.s32 v27, v0  }
0x18d: {  	s5 =	sor.u32 $0x7940, s22;
	[tilespmem:s22+$0x8930] =	vst v0  }
0x18e: {  	s25 =	sor.u32 $0x7D40, s22;
	v0 =	vld [tilespmem:s5+$0x0]  }
0x18f: {  	v28 =	vld [tilespmem:s25+$0x0];
	s5 =	sor.u32 $0x8140, s22  }
0x190: {  	v29 =	vld [tilespmem:s5+$0x0];
	_ =	sdelay $0x1  }
0x191: {  	s25 =	sor.u32 $0x8540, s22  }
0x192: {  	v30 =	vld [tilespmem:s25+$0x0]  }
0x193: {  	v0 =	vmul.u32 $0x888, v0;
	v1 =	vmul.u32 $0xA8, v28  }
0x194: {  	v2 =	vmul.u32 $0x18, v29  }
0x195: {  	v0 =	vadd.s32 v0, v1  }
0x196: {  	v0 =	vadd.s32 v2, v0  }
0x197: {  	v0 =	vadd.s32 v30, v0  }
0x198: {  	s5 =	sor.u32 $0x7950, s22;
	[tilespmem:s22+$0x8940] =	vst v0  }
0x199: {  	s25 =	sor.u32 $0x7D50, s22;
	v0 =	vld [tilespmem:s5+$0x0]  }
0x19a: {  	v31 =	vld [tilespmem:s25+$0x0];
	s5 =	sor.u32 $0x8150, s22  }
0x19b: {  	v32 =	vld [tilespmem:s5+$0x0];
	_ =	sdelay $0x1  }
0x19c: {  	s25 =	sor.u32 $0x8550, s22  }
0x19d: {  	v33 =	vld [tilespmem:s25+$0x0]  }
0x19e: {  	v0 =	vmul.u32 $0x888, v0;
	v1 =	vmul.u32 $0xA8, v31  }
0x19f: {  	v2 =	vmul.u32 $0x18, v32  }
0x1a0: {  	v0 =	vadd.s32 v0, v1  }
0x1a1: {  	v0 =	vadd.s32 v2, v0  }
0x1a2: {  	v0 =	vadd.s32 v33, v0  }
0x1a3: {  	s5 =	sor.u32 $0x7960, s22;
	[tilespmem:s22+$0x8950] =	vst v0  }
0x1a4: {  	s25 =	sor.u32 $0x7D60, s22;
	v0 =	vld [tilespmem:s5+$0x0]  }
0x1a5: {  	v34 =	vld [tilespmem:s25+$0x0];
	s5 =	sor.u32 $0x8160, s22  }
0x1a6: {  	v35 =	vld [tilespmem:s5+$0x0];
	_ =	sdelay $0x1  }
0x1a7: {  	s25 =	sor.u32 $0x8560, s22  }
0x1a8: {  	v36 =	vld [tilespmem:s25+$0x0]  }
0x1a9: {  	v0 =	vmul.u32 $0x888, v0;
	v1 =	vmul.u32 $0xA8, v34  }
0x1aa: {  	v2 =	vmul.u32 $0x18, v35  }
0x1ab: {  	v0 =	vadd.s32 v0, v1  }
0x1ac: {  	v0 =	vadd.s32 v2, v0  }
0x1ad: {  	v0 =	vadd.s32 v36, v0  }
0x1ae: {  	s5 =	sor.u32 $0x7970, s22;
	[tilespmem:s22+$0x8960] =	vst v0  }
0x1af: {  	s25 =	sor.u32 $0x7D70, s22;
	v0 =	vld [tilespmem:s5+$0x0]  }
0x1b0: {  	v37 =	vld [tilespmem:s25+$0x0];
	s5 =	sor.u32 $0x8170, s22  }
0x1b1: {  	v38 =	vld [tilespmem:s5+$0x0];
	_ =	sdelay $0x1  }
0x1b2: {  	s25 =	sor.u32 $0x8570, s22  }
0x1b3: {  	v39 =	vld [tilespmem:s25+$0x0]  }
0x1b4: {  	v0 =	vmul.u32 $0x888, v0;
	v1 =	vmul.u32 $0xA8, v37  }
0x1b5: {  	v2 =	vmul.u32 $0x18, v38  }
0x1b6: {  	v0 =	vadd.s32 v0, v1  }
0x1b7: {  	v0 =	vadd.s32 v2, v0  }
0x1b8: {  	v0 =	vadd.s32 v39, v0  }
0x1b9: {  	s5 =	sor.u32 $0x7980, s22;
	[tilespmem:s22+$0x8970] =	vst v0  }
0x1ba: {  	s25 =	sor.u32 $0x7D80, s22;
	v0 =	vld [tilespmem:s5+$0x0]  }
0x1bb: {  	v40 =	vld [tilespmem:s25+$0x0];
	s5 =	sor.u32 $0x8180, s22  }
0x1bc: {  	v41 =	vld [tilespmem:s5+$0x0];
	_ =	sdelay $0x1  }
0x1bd: {  	s25 =	sor.u32 $0x8580, s22  }
0x1be: {  	v42 =	vld [tilespmem:s25+$0x0]  }
0x1bf: {  	v0 =	vmul.u32 $0x888, v0;
	v1 =	vmul.u32 $0xA8, v40  }
0x1c0: {  	v2 =	vmul.u32 $0x18, v41  }
0x1c1: {  	v0 =	vadd.s32 v0, v1  }
0x1c2: {  	v0 =	vadd.s32 v2, v0  }
0x1c3: {  	s25 =	sor.u32 $0x8980, s22;
	v0 =	vadd.s32 v42, v0  }
0x1c4: {  	s5 =	sor.u32 $0x7990, s22;
	[tilespmem:s25+$0x0] =	vst v0  }
0x1c5: {  	v0 =	vld [tilespmem:s5+$0x0];
	s5 =	sor.u32 $0x7D90, s22  }
0x1c6: {  	v43 =	vld [tilespmem:s5+$0x0];
	s5 =	sor.u32 $0x8190, s22  }
0x1c7: {  	v44 =	vld [tilespmem:s5+$0x0];
	_ =	sdelay $0x1  }
0x1c8: {  	s5 =	sor.u32 $0x8590, s22  }
0x1c9: {  	v45 =	vld [tilespmem:s5+$0x0]  }
0x1ca: {  	v0 =	vmul.u32 $0x888, v0;
	v1 =	vmul.u32 $0xA8, v43  }
0x1cb: {  	v2 =	vmul.u32 $0x18, v44  }
0x1cc: {  	v0 =	vadd.s32 v0, v1  }
0x1cd: {  	v0 =	vadd.s32 v2, v0  }
0x1ce: {  	v0 =	vadd.s32 v45, v0  }
0x1cf: {  	s5 =	sor.u32 $0x79A0, s22;
	[tilespmem:s22+$0x8990] =	vst v0  }
0x1d0: {  	v0 =	vld [tilespmem:s5+$0x0];
	s5 =	sor.u32 $0x7DA0, s22  }
0x1d1: {  	v46 =	vld [tilespmem:s5+$0x0];
	s5 =	sor.u32 $0x81A0, s22  }
0x1d2: {  	v47 =	vld [tilespmem:s5+$0x0];
	_ =	sdelay $0x1  }
0x1d3: {  	s5 =	sor.u32 $0x85A0, s22  }
0x1d4: {  	v48 =	vld [tilespmem:s5+$0x0]  }
0x1d5: {  	v0 =	vmul.u32 $0x888, v0;
	v1 =	vmul.u32 $0xA8, v46  }
0x1d6: {  	v2 =	vmul.u32 $0x18, v47  }
0x1d7: {  	v0 =	vadd.s32 v0, v1  }
0x1d8: {  	v0 =	vadd.s32 v2, v0  }
0x1d9: {  	v0 =	vadd.s32 v48, v0  }
0x1da: {  	s5 =	sor.u32 $0x79B0, s22;
	[tilespmem:s22+$0x89A0] =	vst v0  }
0x1db: {  	v0 =	vld [tilespmem:s5+$0x0];
	s5 =	sor.u32 $0x7DB0, s22  }
0x1dc: {  	v49 =	vld [tilespmem:s5+$0x0];
	s5 =	sor.u32 $0x81B0, s22  }
0x1dd: {  	v50 =	vld [tilespmem:s5+$0x0];
	_ =	sdelay $0x1  }
0x1de: {  	s5 =	sor.u32 $0x85B0, s22  }
0x1df: {  	v51 =	vld [tilespmem:s5+$0x0]  }
0x1e0: {  	v0 =	vmul.u32 $0x888, v0;
	v1 =	vmul.u32 $0xA8, v49  }
0x1e1: {  	v2 =	vmul.u32 $0x18, v50  }
0x1e2: {  	v0 =	vadd.s32 v0, v1  }
0x1e3: {  	v0 =	vadd.s32 v2, v0  }
0x1e4: {  	v0 =	vadd.s32 v51, v0  }
0x1e5: {  	s5 =	sor.u32 $0x79C0, s22;
	[tilespmem:s22+$0x89B0] =	vst v0  }
0x1e6: {  	v0 =	vld [tilespmem:s5+$0x0];
	s5 =	sor.u32 $0x7DC0, s22  }
0x1e7: {  	v52 =	vld [tilespmem:s5+$0x0];
	s5 =	sor.u32 $0x81C0, s22  }
0x1e8: {  	v53 =	vld [tilespmem:s5+$0x0];
	_ =	sdelay $0x1  }
0x1e9: {  	s5 =	sor.u32 $0x85C0, s22  }
0x1ea: {  	v54 =	vld [tilespmem:s5+$0x0]  }
0x1eb: {  	v0 =	vmul.u32 $0x888, v0;
	v1 =	vmul.u32 $0xA8, v52  }
0x1ec: {  	v2 =	vmul.u32 $0x18, v53  }
0x1ed: {  	v0 =	vadd.s32 v0, v1  }
0x1ee: {  	v0 =	vadd.s32 v2, v0  }
0x1ef: {  	v0 =	vadd.s32 v54, v0  }
0x1f0: {  	s5 =	sor.u32 $0x79D0, s22;
	[tilespmem:s22+$0x89C0] =	vst v0  }
0x1f1: {  	v0 =	vld [tilespmem:s5+$0x0];
	s5 =	sor.u32 $0x7DD0, s22  }
0x1f2: {  	v55 =	vld [tilespmem:s5+$0x0];
	s5 =	sor.u32 $0x81D0, s22  }
0x1f3: {  	v56 =	vld [tilespmem:s5+$0x0];
	_ =	sdelay $0x1  }
0x1f4: {  	s5 =	sor.u32 $0x85D0, s22  }
0x1f5: {  	v57 =	vld [tilespmem:s5+$0x0]  }
0x1f6: {  	v0 =	vmul.u32 $0x888, v0;
	v1 =	vmul.u32 $0xA8, v55  }
0x1f7: {  	v2 =	vmul.u32 $0x18, v56  }
0x1f8: {  	v0 =	vadd.s32 v0, v1  }
0x1f9: {  	v0 =	vadd.s32 v2, v0  }
0x1fa: {  	v0 =	vadd.s32 v57, v0  }
0x1fb: {  	s5 =	sor.u32 $0x79E0, s22;
	[tilespmem:s22+$0x89D0] =	vst v0  }
0x1fc: {  	v0 =	vld [tilespmem:s5+$0x0];
	s5 =	sor.u32 $0x7DE0, s22  }
0x1fd: {  	v58 =	vld [tilespmem:s5+$0x0];
	s5 =	sor.u32 $0x81E0, s22  }
0x1fe: {  	v59 =	vld [tilespmem:s5+$0x0];
	_ =	sdelay $0x1  }
0x1ff: {  	s5 =	sor.u32 $0x85E0, s22  }
0x200: {  	v60 =	vld [tilespmem:s5+$0x0]  }
0x201: {  	v0 =	vmul.u32 $0x888, v0;
	v1 =	vmul.u32 $0xA8, v58  }
0x202: {  	v2 =	vmul.u32 $0x18, v59  }
0x203: {  	v0 =	vadd.s32 v0, v1  }
0x204: {  	v0 =	vadd.s32 v2, v0  }
0x205: {  	v0 =	vadd.s32 v60, v0  }
0x206: {  	s5 =	sor.u32 $0x79F0, s22;
	[tilespmem:s22+$0x89E0] =	vst v0  }
0x207: {  	v0 =	vld [tilespmem:s5+$0x0];
	s5 =	sor.u32 $0x7DF0, s22  }
0x208: {  	v61 =	vld [tilespmem:s5+$0x0];
	s5 =	sor.u32 $0x81F0, s22  }
0x209: {  	v62 =	vld [tilespmem:s5+$0x0];
	_ =	sdelay $0x1  }
0x20a: {  	s5 =	sor.u32 $0x85F0, s22  }
0x20b: {  	v63 =	vld [tilespmem:s5+$0x0]  }
0x20c: {  	v0 =	vmul.u32 $0x888, v0;
	v1 =	vmul.u32 $0xA8, v61  }
0x20d: {  	v2 =	vmul.u32 $0x18, v62  }
0x20e: {  	v0 =	vadd.s32 v0, v1  }
0x20f: {  	v0 =	vadd.s32 v2, v0  }
0x210: {  	p1 =	slt.u32 s19, $0x2;
	v0 =	vadd.s32 v63, v0  }
0x211: {  	s4 =	simm.s32 @!p1 $0x4;
	[tilespmem:s22+$0x89F0] =	vst v0  }
0x212: {  	_ =	swait.ge @!p1 [sflag:s4], $0x8000  }
0x213: {  	s5 =	sshll.u32 s20, $0xF;
	[sflag:s4] =	ssyncset.done @!p1 $0x0  }
0x214: {  	s22 =	sor.u32 $0x8800, s22;
	[sflag:s4] =	ssyncadd.s32 @!p1 $0xFFFF8000;
	s4 =	sadd.s32 $0x8C00, s5  }
0x215: {  	[tilespmem:s4], [sflag:$0x3] =	stream.indirect.gather [hbm4b:s1+s28], $0x40, s22, s28, $0xb8;
	[tilespmem:$0x18C00] =	vst v63  }
0x216: {  	s22 =	sadd.s32 $0xAC00, s5  }
0x217: {  	[tilespmem:s22], [sflag:$0x3] =	stream.indirect.gather [hbm4b:s1+s28], $0x40, s23, s28, $0xb8;
	[tilespmem:$0x18C00] =	vst v63  }
0x218: {  	s23 =	sadd.s32 $0xCC00, s5  }
0x219: {  	[tilespmem:s23], [sflag:$0x3] =	stream.indirect.gather [hbm4b:s1+s28], $0x40, s24, s28, $0xb8;
	[tilespmem:$0x18C00] =	vst v63  }
0x21a: {  	s5 =	sadd.s32 $0xEC00, s5  }
0x21b: {  	[tilespmem:s5], [sflag:$0x3] =	stream.indirect.gather [hbm4b:s1+s28], $0x40, s25, s28, $0xb8;
	[tilespmem:$0x18C00] =	vst v63  }
0x21c: {  	_ =	swait.ge [sflag:s29], $0x2000  }
0x21d: {  	[sflag:s29] =	ssyncset.done $0x0  }
0x21e: {  	[sflag:s29] =	ssyncadd.s32 $0xFFFFE000  }
0x21f: {  	_ =	swait.ge [sflag:s29], $0x2000  }
0x220: {  	[sflag:s29] =	ssyncset.done $0x0  }
0x221: {  	[sflag:s29] =	ssyncadd.s32 $0xFFFFE000  }
0x222: {  	_ =	swait.ge [sflag:s29], $0x2000  }
0x223: {  	s0 =	sadd.s32 $0x40, s0;
	[sflag:s29] =	ssyncset.done $0x0  }
0x224: {  	p1 =	sne.s32 s0, $0x3200;
	[sflag:s29] =	ssyncadd.s32 $0xFFFFE000  }
.Ltmp4:
0x225: {  	_ =	swait.ge [sflag:s29], $0x2000;
	(pc) =	sbr.rel @p1 .LBB2_8-.Ltmp4, $4  }
0x226: {  	[sflag:s29] =	ssyncset.done $0x0  }
0x227: {  	[sflag:s29] =	ssyncadd.s32 $0xFFFFE000  }
0x228: {  	[hbm4b:s16+s3] =	stream.linear.scatter [tilespmem:s4], [sflag:$0x4], $0x8000, $0x38;
	[tilespmem:$0x18C00] =	vst v63  }
0x229: {  	s19 =	sadd.s32 $0x1, s19;
	s16 =	sadd.s32 $0x1000, s16  }
0x22a: {  	s31 =	sadd.s32 $0x1, s31  }
0x22b: {  	_ =	swait.ge [sflag:s30], $0x8000;
	p1 =	sne.s32 s31, s15  }
.Ltmp5:
0x22c: {  	[sflag:s30] =	ssyncset.done $0x0;
	(pc) =	sbr.rel @p1 .LBB2_1-.Ltmp5, $4  }
0x22d: {  	[sflag:s30] =	ssyncadd.s32 $0xFFFF8000  }
0x22e: {  	_ =	swait.ge [sflag:s30], $0x8000  }
0x22f: {  	[sflag:s30] =	ssyncset.done $0x0  }
0x230: {  	[sflag:s30] =	ssyncadd.s32 $0xFFFF8000  }
0x231: {  	_ =	sfence.sel $0x180000  }
0x232: {  	[bflag:$0x0] =	sbarrier.arrive $0xFFFF  }
0x233: {  	_ =	strace $0x90000047  }
0x234: {  	s0 =	stileid.u32;
	[bflag:$0x2] =	sbarrier.arrive $0xFFFF  }
0x235: {  	p0 =	sne.s32 s0, $0x0;
	s0 =	rddreg [dreg:$0x7]  }
0x236: {  	s0 =	sadd.s32 @!p0 $0x100000, s0  }
0x237: {  	[sflag:s0] =	ssyncadd.tile.s32 @!p0 $0x1;
	_ =	shalt  }
.Lfunc_end2:
_tile_overlayer_lowered:
.L_overlay_start_2:
0x238: {  	(tag) =	ssettag $0x2  }
0x239: {  	s0 =	rddreg [dreg:$0x0];
	s2 =	stileid.u32  }
0x23a: {  	s1 =	rddreg [dreg:$0x1];
	p0 =	sne.s32 s2, $0x0  }
0x23b: {  	s3 =	rddreg [dreg:$0x2];
	[bflag:$0x3] =	sbarrier.arrive $0xFFFF;
	s2 =	simm.s32 @!p0 $0x1C05  }
0x23c: {  	[timem:s3], [sflag:s2] =	dma.local @!p0 [hbm:s0], s1  }
0x23d: {  	s0 =	simm.s32 @!p0 $0x5  }
0x23e: {  	_ =	swait.ge @!p0 [sflag:s0], s1  }
0x23f: {  	s1 =	ssub.s32 @!p0 $0x0, s1;
	[sflag:s0] =	ssyncset.done @!p0 $0x0  }
0x240: {  	[sflag:s0] =	ssyncadd.s32 @!p0 s1  }
0x241: {  	[bflag:$0x3] =	sbarrier.arrive $0xFFFF  }
0x242: {  	_ =	shalt  }

// kernel: sparse-core-data-format-call.cloned.1.call-start
scs
called_computation_lowered:
.L_overlay_start_0:
0x0: {  	s2 =	sld [smem:$0x3FD9]  }
0x1: {  	s3 =	sld [smem:$0x3FFE];
	_ =	sdelay $0x1  }
0x2: {  	s1 =	srdreg.scid  }
0x3: {  	s0 =	sand.u32 $0x1, s1  }
0x4: {  	s18 =	sshll.u32 s0, $0xA;
	s2 =	sadd.s32 s3, s2  }
0x5: {  	s2 =	sadd.s32 s2, s18  }
0x6: {  	[smem:$0x3FC0] =	sst s2  }
0x7: {  	_ = 	snop  }
0x8: {  	s2 =	sld [smem:$0x3FD0];
	(tm) =	ssettm $0x1  }
0x9: {  	s19 =	sld [smem:$0x3FFB];
	_ =	sdelay $0x3  }
0xa: {  	_ =	strace s19  }
0xb: {  	s3 =	sld [smem:$0x3FFC];
	_ =	sdelay $0x3  }
0xc: {  	_ =	strace s3  }
0xd: {  	s3 =	sld [smem:$0x3FFD];
	_ =	sdelay $0x3  }
0xe: {  	_ =	strace s3  }
0xf: {  	_ =	strace $0x8FFFFFFF  }
0x10: {  	s20 =	sld [smem:$0x3FDB];
	_ =	sdelay $0x1  }
0x11: {  	s4 =	simm.s32 $_scs_section_size  }
0x12: {  	s5 =	simm.s32 $_size__tile_overlayer_lowered;
	s6 =	simm.s32 $_tile_overlayer_lowered  }
0x13: {  	s23 =	simm.s32 $0x1BFF;
	s22 =	sshll.u32 s6, $0x1;
	s3 =	sadd.s32 s4, s20  }
0x14: {  	s7 =	simm.s32 $0x0;
	s21 =	sshll.u32 s5, $0x1;
	s5 =	sadd.s32 s22, s3  }
0x15: {  	[timem:s7], [sflag:s23] =	dma.local [hbm:s5], s21  }
0x16: {  	_ =	swait.ge [sflag:s23], s21  }
0x17: {  	s4 =	ssub.s32 $0x0, s21;
	[sflag:s23] =	ssyncset.done $0x0  }
0x18: {  	[sflag:s23] =	ssyncadd.s32 s4;
	_ =	sdelay $0x1  }
0x19: {  	s24 =	simm.s32 $0x1B8B  }
0x1a: {  	_ =	swait.ge [sflag:s24], $0x1  }
0x1b: {  	[sflag:s24] =	ssyncset.done $0x0  }
0x1c: {  	s26 =	simm.s32 $0x1B8E;
	s25 =	sld [smem:$0x3FFE];
	[sflag:s24] =	ssyncadd.s32 $0xFFFFFFFF  }
0x1d: {  	s27 =	simm.s32 $execute0_lowered;
	[smem:$0x3FD2] =	sst s26  }
0x1e: {  	s5 =	sshll.u32 s27, $0x1;
	_ =	strace $0x80000049;
	[dreg:$0x1] =	wrdreg $0xFFFFFFFF  }
0x1f: {  	s28 =	simm.s32 $_size_execute0_lowered;
	s3 =	sadd.s32 s3, s5;
	[dreg:$0x0] =	wrdreg $0x0  }
0x20: {  	s5 =	sshll.u32 s28, $0x1;
	[dreg:$0x2] =	wrdreg s3  }
0x21: {  	[dreg:$0x3] =	wrdreg s5  }
0x22: {  	[dreg:$0x4] =	wrdreg $0xC0  }
0x23: {  	_ =	task [dreg:s7], $0x5FFFF  }
0x24: {  	[dreg:$0x1] =	wrdreg $0xFFFFFFFF  }
0x25: {  	[dreg:$0x0] =	wrdreg $0x60  }
0x26: {  	[dreg:$0x2] =	wrdreg s25  }
0x27: {  	[dreg:$0x3] =	wrdreg s2  }
0x28: {  	[dreg:$0x4] =	wrdreg $0x9  }
0x29: {  	_ =	task.clear_ibuf [dreg:s7], $0x5FFFF;
	_ =	strace $0x90000049  }
0x2a: {  	s29 =	simm.s32 $0x9;
	_ =	strace $0x8000004B  }
0x2b: {  	_ =	swait.ge [sflag:s29], $0x1  }
0x2c: {  	[sflag:s29] =	ssyncadd.s32 $0xFFFFFFFF  }
0x2d: {  	_ =	strace $0x9000004B  }
0x2e: {  	_ =	sfence  }
0x2f: {  	s30 =	sld [smem:$0x0];
	_ =	sdelay $0x2  }
0x30: {  	s31 =	sshll.u32 s1, $0xD;
	s1 =	sshrl.u32 s1, $0x2  }
0x31: {  	s3 =	sand.u32 $0x4000, s31;
	s1 =	sadd.s32 s1, s30  }
0x32: {  	s0 =	sor.u32 s3, s0;
	s1 =	sshll.u32 s1, $0x11  }
0x33: {  	s0 =	sor.u32 s1, s0  }
0x34: {  	s0 =	sadd.s32 $0x8F2B, s0  }
0x35: {  	[sflag:s0] =	ssyncadd.remote.s32 $0x1  }
0x36: {  	_ =	sfence.sel $0xFFFF  }
0x37: {  	[dreg:$0x0] =	wrdreg $0xFFFFFFFF;
	(pc) =	sbr.abs _section_cstart, $3  }
0x38: {  	[dreg:$0x1] =	wrdreg $0xFFFFFFFF  }
0x39: {  	_ =	task.clear_ibuf [dreg:s7], $0x2FFFF;
	_ =	strace $0x9FFFFFFF  }
0x3a: {  	(tm) =	ssettm $0x7FFFFFFF  }
0x3b: {  	_ =	shalt  }
tec
execute0_lowered:
.L_overlay_start_1:
0x0: {  	(tag) =	ssettag $0x1  }
0x1: {  	s0 =	srdreg.scid  }
0x2: {  	s1 =	sshll.u32 s0, $0x4  }
0x3: {  	s4 =	rddreg [dreg:$0x0];
	s0 =	stileid.u32;
	s1 =	sand.u32 $0x10, s1  }
0x4: {  	s2 =	rddreg [dreg:$0x1];
	s7 =	simm.s32 $0x1;
	s1 =	sor.u32 s0, s1  }
0x5: {  	s8 =	simm.s32 $0x2;
	s11 =	simm.s32 $0x0;
	s3 =	sshll.u32 s1, $0x7  }
0x6: {  	s10 =	simm.s32 $0x0;
	s4 =	sadd.s32 $0x800, s4;
	s6 =	ssub.s32 $0x320000, s3  }
.Ltmp0:
0x7: {  	s1 =	rddreg [dreg:$0x2];
	s5 =	sand.u32 $0xF80, s6;
	(pc) =	sbr.rel .LBB1_1-.Ltmp0, $4  }
0x8: {  	_ =	strace $0x8000004A;
	s9 =	smov.u32 s3;
	p0 =	sne.s32 s5, $0x0  }
0x9: {  	s6 =	sshrl.u32 s6, $0xC;
	s5 =	simm.s32 $0x1;
	s7 =	simm.s32 @!p0 $0x0  }
0xa: {  	[sflag:s5] =	ssyncpa.u1 $0x0;
	p0 =	por $0x0, $0x0;
	s6 =	sadd.s32 s7, s6  }
0xb: {  	[sflag:s8] =	ssyncpa.u1 $0x0;
	s8 =	simm.s32 $0x1900000;
	s7 =	sadd.s32 $0x1, s6  }
.LBB1_4:
0xc: {  	s14 =	sshll.u32 s11, $0x3  }
0xd: {  	s30 =	sand.u32 $0x7F, s11;
	s15 =	sand.u32 $0xFFFFFC00, s14  }
0xe: {  	s11 =	sor.u32 s30, s15  }
0xf: {  	s15 =	smulhi.u32 $0x51EB851F, s11  }
0x10: {  	s14 =	smulhi.u32 $0x51EB851F, s14  }
0x11: {  	s15 =	sshrl.u32 s15, $0x14  }
0x12: {  	s14 =	sshrl.u32 s14, $0x14;
	s15 =	smul.u32 $0x320000, s15  }
0x13: {  	s14 =	sand.u32 $0x3F, s14  }
0x14: {  	s14 =	smul.u32 $0x64000, s14;
	s11 =	ssub.s32 s11, s15  }
0x15: {  	[tilespmem:s13+$0x810 ss:$0x81] =	vst.msk $0xffff, v2;
	s15 =	sand.u32 $0x7, s11  }
0x16: {  	[tilespmem:s13+$0x1020 ss:$0x81] =	vst.msk $0xffff, v0;
	s14 =	sadd.s32 s2, s14;
	s11 =	sshrl.u32 s11, $0x3;
	s15 =	sshll.u32 s15, $0x12  }
0x17: {  	[tilespmem:s13+$0x0 ss:$0x81] =	vst.msk $0xffff, v1;
	s11 =	sadd.s32 s11, s14;
	s31 =	sor.u32 $0x400, s15  }
0x18: {  	[hbm4b:s11+s31] =	stream.strided.scatter [tilespmem:s12], [sflag:$0x2], $0x2000, s8, s31, $0x20;
	[tilespmem:$0x8080] =	vst v63  }
.LBB1_5:
0x19: {  	s13 =	sadd.s32 $0x1000, s9  }
0x1a: {  	p2 =	sgt.s32 s13, $0x31FFFF  }
0x1b: {  	s13 =	smov.u32 @p2 s3;
	p2 =	sne.s32 s10, s7  }
.Ltmp1:
0x1c: {  	p1 =	slt.u32 s10, $0x2;
	(pc) =	sbr.rel @!p2 .LBB1_6-.Ltmp1, $4  }
0x1d: {  	s12 =	simm.s32 @!p1 $0x2  }
0x1e: {  	s14 =	sadd.s32 $0x1, s10;
	_ =	swait.ge @!p1 [sflag:s12], $0x2000  }
0x1f: {  	s11 =	smov.u32 s9;
	p0 =	por !p0, !p0;
	[sflag:s12] =	ssyncset.done @!p1 $0x0  }
0x20: {  	s10 =	smov.u32 s14;
	s9 =	smov.u32 s13;
	[sflag:s12] =	ssyncadd.s32 @!p1 $0xFFFFE000  }
.LBB1_1:
0x21: {  	p1 =	sge.u32 s10, s6  }
0x22: {  	s12 =	sand.u32 @!p1 $0x1FFFFFF, s9  }
0x23: {  	s13 =	smulhi.u32 @!p1 $0x147AE15, s12;
	_ =	sdelay $0x1  }
0x24: {  	s13 =	sshrl.u32 @!p1 s13, $0xE  }
0x25: {  	s13 =	smul.u32 @!p1 $0x320000, s13;
	_ =	sdelay $0x1  }
0x26: {  	s31 =	sadd.s32 $0xFFFFFFFF, s10;
	s14 =	sxor.u32 @!p1 $0xFFFFFFFF, s10;
	s12 =	ssub.s32 @!p1 s12, s13  }
0x27: {  	s15 =	simm.s32 @!p1 $0x80;
	s14 =	sshll.u32 @!p1 s14, $0xD;
	s12 =	sshll.u32 @!p1 s12, $0x4  }
0x28: {  	s13 =	sand.u32 @!p1 $0x2000, s14;
	s14 =	simm.s32 @!p1 $0x40;
	s12 =	sadd.s32 @!p1 s4, s12  }
0x29: {  	[tilespmem:s13], [sflag:$0x1] =	stream.strided.gather @!p1 [hbm4b:s12+s14], $0x2000, s15, s14, $0x38;
	[tilespmem:$0x8080] =	vst v63  }
0x2a: {  	p1 =	sge.u32 s31, s6  }
.Ltmp2:
0x2b: {  	_ = 	snop;
	(pc) =	sbr.rel @p1 .LBB1_5-.Ltmp2, $1  }
0x2c: {  	_ =	sdelay $0x3  }
0x2d: {  	s12 =	simm.s32 $0x1  }
0x2e: {  	_ =	swait.ge [sflag:s5], $0x2000;
	s12 =	simm.s32 @!p0 $0x0  }
0x2f: {  	[sflag:s5] =	ssyncset.done $0x0;
	s13 =	sshll.u32 s12, $0xD  }
0x30: {  	[sflag:s5] =	ssyncadd.s32 $0xFFFFE000;
	s16 =	sor.u32 $0x20, s13  }
0x31: {  	s12 =	smul.u32 $0x8100, s12;
	v3 =	vld [tilespmem:s16+$0x10]  }
0x32: {  	s30 =	sand.u32 $0x1, s10;
	v2 =	vld [tilespmem:s16+$0xFFFFFFF0]  }
0x33: {  	s13 =	smul.u32 $0x8100, s30;
	s12 =	sshrl.u32 s12, $0x2;
	v0 =	vld [tilespmem:s16+$0x0]  }
0x34: {  	v1 =	vld [tilespmem:s16+$0xFFFFFFE0];
	s14 =	sor.u32 $0x4000, s12  }
0x35: {  	s31 =	sshrl.u32 s13, $0x2;
	s13 =	sadd.s32 $0x0, s14  }
0x36: {  	s15 =	simm.s32 $0x4;
	s16 =	sadd.s32 $0x40, s16;
	s12 =	sor.u32 $0x4000, s31;
	[tilespmem:s13+$0x1830 ss:$0x81] =	vst.msk $0xffff, v3  }
.LBB1_3:
0x37: {  	v3 =	vld [tilespmem:s16+$0x10];
	p1 =	sne.s32 s15, $0x1FC;
	[tilespmem:s13+$0x810 ss:$0x81] =	vst.msk $0xffff, v2;
	s17 =	smov.u32 s15;
	s15 =	sadd.s32 $0x4, s15  }
.Ltmp3:
0x38: {  	v2 =	vld [tilespmem:s16+$0xFFFFFFF0];
	[tilespmem:s13+$0x1020 ss:$0x81] =	vst.msk $0xffff, v0;
	(pc) =	sbr.rel @p1 .LBB1_3-.Ltmp3, $4  }
0x39: {  	v0 =	vld [tilespmem:s16+$0x0];
	[tilespmem:s13+$0x0 ss:$0x81] =	vst.msk $0xffff, v1  }
0x3a: {  	s13 =	sshra.s32 s17, $0x2;
	v1 =	vld [tilespmem:s16+$0xFFFFFFE0]  }
0x3b: {  	s13 =	sadd.s32 s13, s14  }
0x3c: {  	s16 =	sadd.s32 $0x40, s16;
	[tilespmem:s13+$0x1830 ss:$0x81] =	vst.msk $0xffff, v3  }
.Ltmp4:
0x3d: {  	_ = 	snop;
	(pc) =	sbr.rel .LBB1_4-.Ltmp4, $1  }
0x3e: {  	_ =	sdelay $0x3  }
.LBB1_6:
0x3f: {  	_ =	sfence.sel $0x180000  }
0x40: {  	s2 =	simm.s32 $0x1;
	[bflag:$0x0] =	sbarrier.arrive $0xFFFF  }
0x41: {  	s31 =	simm.s32 $0x2;
	[sflag:s2] =	ssyncpa.u1 $0x1  }
0x42: {  	[sflag:s31] =	ssyncpa.u1 $0x1  }
0x43: {  	p0 =	sne.s32 s0, $0x0;
	_ =	strace $0x9000004A  }
0x44: {  	s0 =	sadd.s32 @!p0 $0x100000, s1;
	[bflag:$0x2] =	sbarrier.arrive $0xFFFF  }
0x45: {  	[sflag:s0] =	ssyncadd.tile.s32 @!p0 $0x1;
	_ =	shalt  }
.Lfunc_end1:
_tile_overlayer_lowered:
.L_overlay_start_2:
0x46: {  	(tag) =	ssettag $0x2  }
0x47: {  	s0 =	rddreg [dreg:$0x0];
	s2 =	stileid.u32  }
0x48: {  	s1 =	rddreg [dreg:$0x1];
	p0 =	sne.s32 s2, $0x0  }
0x49: {  	s3 =	rddreg [dreg:$0x2];
	[bflag:$0x3] =	sbarrier.arrive $0xFFFF;
	s2 =	simm.s32 @!p0 $0x1C01  }
0x4a: {  	[timem:s3], [sflag:s2] =	dma.local @!p0 [hbm:s0], s1  }
0x4b: {  	s0 =	simm.s32 @!p0 $0x1  }
0x4c: {  	_ =	swait.ge @!p0 [sflag:s0], s1  }
0x4d: {  	s1 =	ssub.s32 @!p0 $0x0, s1;
	[sflag:s0] =	ssyncset.done @!p0 $0x0  }
0x4e: {  	[sflag:s0] =	ssyncadd.s32 @!p0 s1  }
0x4f: {  	[bflag:$0x3] =	sbarrier.arrive $0xFFFF  }
0x50: {  	_ =	shalt  }

</sc_bundles>
